<compile_context>
chip_gen: v7x
topology: tpu7x:2x2x1
jax: 0.10.2.dev20260603
libtpu: 0.0.44.dev20260713+nightly
codegen_flags: <defaults>
</compile_context>

<pallas_src>
import jax
import jax.numpy as jnp
from jax import lax
from jax.experimental import pallas as pl
from jax.experimental.pallas import tpu as pltpu
from jax.experimental.pallas import tpu_sc as plsc

N = 10000
NP = 10240
E = 320000
D = 128
CH = 80
NW = 32
EW = E // NW
G = EW // CH

RPT = NP // 16
BN = 1000

_MESH = plsc.VectorSubcoreMesh(core_axis_name="c", subcore_axis_name="s")


def _sc_agg_make():
    scratch = [
        pltpu.VMEM((EW,), jnp.int32),
        pltpu.VMEM((G, CH), jnp.int32),
        pltpu.VMEM((2, CH, D), jnp.float32),
        pltpu.VMEM_SHARED((NP, D), jnp.float32),
        pltpu.SemaphoreType.DMA((2,)),
        pltpu.SemaphoreType.DMA((2,)),
    ]

    def body(tbl_hbm, pk_hbm, part, idx_s, idx_d, rows, acc, gsem, ssem):
        c = lax.axis_index("c")
        s = lax.axis_index("s")
        wid = c * 16 + s
        base = s * RPT

        pltpu.sync_copy(pk_hbm.at[wid], idx_d)

        def fill(i, _):
            for k in range(D // 16):
                rows[0, i, pl.ds(k * 16, 16)] = jnp.zeros((16,), jnp.float32)
            return 0

        def unpack(i, _):
            for k in range(CH // 16):
                v = idx_d[i, pl.ds(k * 16, 16)]
                idx_s[pl.ds(i * CH + k * 16, 16)] = jnp.bitwise_and(v, 0xFFFF)
                idx_d[i, pl.ds(k * 16, 16)] = lax.shift_right_logical(v, 16)
            return 0

        lax.fori_loop(0, CH, fill, 0)
        lax.fori_loop(0, G, unpack, 0)

        for k in range(RPT // CH):
            pltpu.sync_copy(rows.at[0], acc.at[pl.ds(base + k * CH, CH)])
        plsc.subcore_barrier()

        def fire_g(j, b):
            pltpu.async_copy(tbl_hbm.at[idx_s.at[pl.ds(j * CH, CH)]],
                             rows.at[b], gsem.at[b], priority=1)

        def drain_g(j, b):
            pltpu.make_async_copy(tbl_hbm.at[idx_s.at[pl.ds(j * CH, CH)]],
                                  rows.at[b], gsem.at[b]).wait()

        def fire_s(j, b):
            pltpu.async_copy(rows.at[b], acc.at[idx_d.at[j]], ssem.at[b],
                             add=True)

        def drain_s(j, b):
            pltpu.make_async_copy(rows.at[b], acc.at[idx_d.at[j]],
                                  ssem.at[b]).wait()

        fire_g(0, 0)

        def chunk(j, _):
            b = lax.rem(j, 2)
            ob = 1 - b

            @pl.when(j >= 1)
            def _():
                drain_s(j - 1, ob)

            @pl.when(j + 1 < G)
            def _():
                fire_g(j + 1, ob)

            drain_g(j, b)
            fire_s(j, b)
            return 0

        lax.fori_loop(0, G, chunk, 0)
        drain_s(G - 1, (G - 1) % 2)
        plsc.subcore_barrier()

        pltpu.sync_copy(acc.at[pl.ds(base, RPT)], part.at[c, pl.ds(base, RPT)])

    return pl.kernel(
        body,
        out_type=jax.ShapeDtypeStruct((2, NP, D), jnp.float32),
        mesh=_MESH,
        scratch_types=scratch,
    )


def _sc_deg_make():
    scratch = [
        pltpu.VMEM((G, CH), jnp.int32),
        pltpu.VMEM((CH, D), jnp.float32),
        pltpu.VMEM_SHARED((NP, D), jnp.float32),
        pltpu.SemaphoreType.DMA((2,)),
    ]

    def body(pk_hbm, degp, idx_d, ones, dacc, dsem):
        c = lax.axis_index("c")
        s = lax.axis_index("s")
        wid = c * 16 + s
        base = s * RPT

        pltpu.sync_copy(pk_hbm.at[wid], idx_d)

        def fill(val):
            def f(i, _):
                for k in range(D // 16):
                    ones[i, pl.ds(k * 16, 16)] = jnp.full((16,), val,
                                                          jnp.float32)
                return 0
            return f

        def unpack(i, _):
            for k in range(CH // 16):
                v = idx_d[i, pl.ds(k * 16, 16)]
                idx_d[i, pl.ds(k * 16, 16)] = lax.shift_right_logical(v, 16)
            return 0

        lax.fori_loop(0, CH, fill(0.0), 0)
        lax.fori_loop(0, G, unpack, 0)
        for k in range(RPT // CH):
            pltpu.sync_copy(ones, dacc.at[pl.ds(base + k * CH, CH)])
        lax.fori_loop(0, CH, fill(1.0), 0)
        plsc.subcore_barrier()

        def fire(j, b):
            pltpu.async_copy(ones, dacc.at[idx_d.at[j]], dsem.at[b],
                             add=True)

        def drain(j, b):
            pltpu.make_async_copy(ones, dacc.at[idx_d.at[j]],
                                  dsem.at[b]).wait()

        def chunk(j, _):
            b = lax.rem(j, 2)

            @pl.when(j >= 2)
            def _():
                drain(j - 2, b)

            fire(j, b)
            return 0

        lax.fori_loop(0, G, chunk, 0)
        drain(G - 2, G % 2)
        drain(G - 1, 1 - (G % 2))
        plsc.subcore_barrier()
        pltpu.sync_copy(dacc.at[pl.ds(base, RPT)],
                        degp.at[c, pl.ds(base, RPT)])

    return pl.kernel(
        body,
        out_type=jax.ShapeDtypeStruct((2, NP, D), jnp.float32),
        mesh=_MESH,
        scratch_types=scratch,
    )


_sc_agg = _sc_agg_make()
_sc_deg = _sc_deg_make()

_CONTRACT = (((1,), (1,)), ((), ()))


def _tc_pre(x, W1l, W1r, b1l):
    def body(x_ref, wl_ref, wr_ref, b_ref, p_ref, q_ref):
        xb = x_ref[...]
        p_ref[...] = lax.dot_general(xb, wl_ref[...], _CONTRACT,
                                     preferred_element_type=jnp.float32)
        q_ref[...] = lax.dot_general(xb, wr_ref[...], _CONTRACT,
                                     preferred_element_type=jnp.float32) + b_ref[...]

    return pl.pallas_call(
        body,
        grid=(N // BN,),
        in_specs=[
            pl.BlockSpec((BN, D), lambda i: (i, 0)),
            pl.BlockSpec((D, D), lambda i: (0, 0)),
            pl.BlockSpec((D, D), lambda i: (0, 0)),
            pl.BlockSpec((1, D), lambda i: (0, 0)),
        ],
        out_specs=[pl.BlockSpec((BN, D), lambda i: (i, 0))] * 2,
        out_shape=[jax.ShapeDtypeStruct((N, D), jnp.float32)] * 2,
    )(x, W1l, W1r, b1l.reshape(1, D))


def _tc_mid(part, degp, q1, W2l, W2r, b2l):
    def body(pa_ref, dg_ref, q_ref, wl_ref, wr_ref, b_ref, p2_ref, q2_ref):
        ps = pa_ref[0] + pa_ref[1]
        dg = dg_ref[0, :, 0:1] + dg_ref[1, :, 0:1]
        inv = 1.0 / jnp.maximum(dg, 1.0)
        h = jnp.maximum(ps * inv + q_ref[...], 0.0)
        p2_ref[...] = lax.dot_general(h, wl_ref[...], _CONTRACT,
                                      preferred_element_type=jnp.float32)
        q2_ref[...] = lax.dot_general(h, wr_ref[...], _CONTRACT,
                                      preferred_element_type=jnp.float32) + b_ref[...]

    return pl.pallas_call(
        body,
        grid=(N // BN,),
        in_specs=[
            pl.BlockSpec((2, BN, D), lambda i: (0, i, 0)),
            pl.BlockSpec((2, BN, D), lambda i: (0, i, 0)),
            pl.BlockSpec((BN, D), lambda i: (i, 0)),
            pl.BlockSpec((D, D), lambda i: (0, 0)),
            pl.BlockSpec((D, D), lambda i: (0, 0)),
            pl.BlockSpec((1, D), lambda i: (0, 0)),
        ],
        out_specs=[pl.BlockSpec((BN, D), lambda i: (i, 0))] * 2,
        out_shape=[jax.ShapeDtypeStruct((N, D), jnp.float32)] * 2,
    )(part, degp, q1, W2l, W2r, b2l.reshape(1, D))


def _tc_out(part, degp, q2, Wout, bout):
    C = Wout.shape[0]

    def body(pa_ref, dg_ref, q_ref, w_ref, b_ref, o_ref):
        ps = pa_ref[0] + pa_ref[1]
        dg = dg_ref[0, :, 0:1] + dg_ref[1, :, 0:1]
        inv = 1.0 / jnp.maximum(dg, 1.0)
        h = jnp.maximum(ps * inv + q_ref[...], 0.0)
        o_ref[...] = lax.dot_general(h, w_ref[...], _CONTRACT,
                                     preferred_element_type=jnp.float32) + b_ref[...]

    return pl.pallas_call(
        body,
        grid=(N // BN,),
        in_specs=[
            pl.BlockSpec((2, BN, D), lambda i: (0, i, 0)),
            pl.BlockSpec((2, BN, D), lambda i: (0, i, 0)),
            pl.BlockSpec((BN, D), lambda i: (i, 0)),
            pl.BlockSpec((C, D), lambda i: (0, 0)),
            pl.BlockSpec((1, C), lambda i: (0, 0)),
        ],
        out_specs=pl.BlockSpec((BN, C), lambda i: (i, 0)),
        out_shape=jax.ShapeDtypeStruct((N, C), jnp.float32),
    )(part, degp, q2, Wout, bout.reshape(1, C))


def kernel(x_content, edge_index, W1l, b1l, W1r, W2l, b2l, W2r, Wout, bout):
    ei = edge_index.astype(jnp.int32)
    packed = jnp.bitwise_or(ei[0], ei[1] << 16).reshape(NW, G, CH)

    degp = _sc_deg(packed)
    p1, q1 = _tc_pre(x_content, W1l, W1r, b1l)
    part1 = _sc_agg(p1, packed)
    p2, q2 = _tc_mid(part1, degp, q1, W2l, W2r, b2l)
    part2 = _sc_agg(p2, packed)
    return _tc_out(part2, degp, q2, Wout, bout)

# --- scband reference (transcript-rebuilt; emitter-appended) ---
"""Pipeline reference for scband-fns-gcn-712964571463 (READ-ONLY COPY).

The authoritative reference and input builder live on the scoring server;
editing this copy changes nothing except your own understanding.
"""

import jax, jax.numpy as jnp
import numpy as np

N = 10000
E = 320000
D_IN = 128
H1 = 128
H2 = 128
C = 40


def _glorot(key, shape):
    fan_in, fan_out = shape[1], shape[0]
    lim = np.sqrt(6.0 / (fan_in + fan_out))
    return jax.random.uniform(key, shape, minval=-lim, maxval=lim, dtype=jnp.float32)


def setup_inputs(seed: int = 0) -> dict:
    key = jax.random.key(seed)
    ks = jax.random.split(key, 10)
    x_content = jax.random.normal(ks[0], (N, D_IN), dtype=jnp.float32)
    edge_index = jax.random.randint(ks[1], (2, E), 0, N, dtype=jnp.int64)
    W1l = _glorot(ks[2], (H1, D_IN))
    b1l = jnp.zeros((H1,), dtype=jnp.float32)
    W1r = _glorot(ks[3], (H1, D_IN))
    W2l = _glorot(ks[4], (H2, H1))
    b2l = jnp.zeros((H2,), dtype=jnp.float32)
    W2r = _glorot(ks[5], (H2, H1))
    Wout = _glorot(ks[6], (C, H2))
    bout = jnp.zeros((C,), dtype=jnp.float32)
    return {"x_content": x_content, "edge_index": edge_index, "W1l": W1l, "b1l": b1l, "W1r": W1r, "W2l": W2l, "b2l": b2l, "W2r": W2r, "Wout": Wout, "bout": bout}


def _sage_conv(x, edge_index, Wl, bl, Wr):
    # PyG SAGEConv with mean aggregation:
    # out = lin_l(mean_{j in N(i)} x_j) + lin_r(x_i)
    src = edge_index[0]
    dst = edge_index[1]
    msg = jnp.take(x, src, axis=0)
    agg_sum = jax.ops.segment_sum(msg, dst, num_segments=x.shape[0])
    deg = jax.ops.segment_sum(jnp.ones((edge_index.shape[1],), dtype=x.dtype), dst, num_segments=x.shape[0])
    agg_mean = agg_sum / jnp.clip(deg, 1.0, None)[:, None]
    return agg_mean @ Wl.T + bl + x @ Wr.T


def reference(x_content, edge_index, W1l, b1l, W1r, W2l, b2l, W2r, Wout, bout):
    x = _sage_conv(x_content, edge_index, W1l, b1l, W1r)
    x = jax.nn.relu(x)
    # dropout is identity in eval mode
    x = _sage_conv(x, edge_index, W2l, b2l, W2r)
    x = jax.nn.relu(x)
    x = x @ Wout.T + bout
    return x

if __name__ == "__main__":
    import jax
    _d = setup_inputs()
    print(jax.jit(kernel)(*tuple(_d.values())))

</pallas_src>

<mosaic_0001>
#map = affine_map<(d0, d1) -> (0, 0)>
#map1 = affine_map<(d0, d1) -> (0, 0, 0)>
module attributes {stable_mosaic.version = 14 : i64} {
  func.func @body(%arg0: i32, %arg1: i32, %arg2: memref<10000x128xf32, #tpu.memory_space<hbm>>, %arg3: memref<32x125x80xi32, #tpu.memory_space<hbm>>, %arg4: memref<2x10240x128xf32, #tpu.memory_space<hbm>>, %arg5: memref<10000xi32, #tpu.memory_space<vmem>>, %arg6: memref<125x80xi32, #tpu.memory_space<vmem>>, %arg7: memref<2x80x128xf32, #tpu.memory_space<vmem>>, %arg8: memref<10240x128xf32, #tpu.memory_space<vmem_shared>>, %arg9: memref<2x!tpu.dma_semaphore, #tpu.memory_space<semaphore_mem>>, %arg10: memref<2x!tpu.dma_semaphore, #tpu.memory_space<semaphore_mem>>) attributes {dimension_semantics = [#tpu.dimension_semantics<core_parallel>, #tpu.dimension_semantics<subcore_parallel>], iteration_bounds = array<i64: 2, 16>, scalar_prefetch = 0 : i64, scratch_operands = 6 : i64, tpu.core_type = #tpu.core_type<sc_vector_subcore>, window_params = [{transform_indices = #map}, {transform_indices = #map1}, {transform_indices = #map1}]} {
    %mul3A = arith.constant 16 : i32
    %mul3A_0 = arith.muli %arg0, %mul3A : i32
    %add3A = arith.addi %mul3A_0, %arg1 : i32
    %mul3A_1 = arith.constant 640 : i32
    %mul3A_2 = arith.muli %arg1, %mul3A_1 : i32
    "tpu.region"() ({
      %run_scoped3A_73 = tpu.sem_alloc : memref<!tpu.dma_semaphore, #tpu.memory_space<semaphore_mem>>
      %dma_start3A_74 = arith.constant 0 : i32
      %dma_start3A_75 = arith.constant 0 : i32
      %dma_start3A_76 = tpu.memref_slice %arg3[%add3A, %dma_start3A_74, %dma_start3A_75] : memref<32x125x80xi32, #tpu.memory_space<hbm>> -> memref<1x125x80xi32, #tpu.memory_space<hbm>>
      %dma_start3A_77 = tpu.memref_squeeze %dma_start3A_76 : memref<1x125x80xi32, #tpu.memory_space<hbm>> -> memref<125x80xi32, #tpu.memory_space<hbm>>
      %dma_start3A_78 = arith.constant 0 : i32
      %dma_start3A_79 = arith.constant 0 : i32
      %dma_start3A_80 = tpu.memref_slice %arg3[%add3A, %dma_start3A_78, %dma_start3A_79] : memref<32x125x80xi32, #tpu.memory_space<hbm>> -> memref<1x125x80xi32, #tpu.memory_space<hbm>>
      %dma_start3A_81 = tpu.memref_squeeze %dma_start3A_80 : memref<1x125x80xi32, #tpu.memory_space<hbm>> -> memref<125x80xi32, #tpu.memory_space<hbm>>
      tpu.enqueue_dma source(%dma_start3A_81 : memref<125x80xi32, #tpu.memory_space<hbm>>) target(%arg6 : memref<125x80xi32, #tpu.memory_space<vmem>>) target_semaphore(%run_scoped3A_73 : memref<!tpu.dma_semaphore, #tpu.memory_space<semaphore_mem>>)
      %dma_wait3A_82 = arith.constant 0 : i32
      %dma_wait3A_83 = arith.constant 0 : i32
      %dma_wait3A_84 = tpu.memref_slice %arg3[%add3A, %dma_wait3A_82, %dma_wait3A_83] : memref<32x125x80xi32, #tpu.memory_space<hbm>> -> memref<1x125x80xi32, #tpu.memory_space<hbm>>
      %dma_wait3A_85 = tpu.memref_squeeze %dma_wait3A_84 : memref<1x125x80xi32, #tpu.memory_space<hbm>> -> memref<125x80xi32, #tpu.memory_space<hbm>>
      %dma_wait3A_86 = arith.constant 0 : i32
      %dma_wait3A_87 = arith.constant 0 : i32
      %dma_wait3A_88 = tpu.memref_slice %arg3[%add3A, %dma_wait3A_86, %dma_wait3A_87] : memref<32x125x80xi32, #tpu.memory_space<hbm>> -> memref<1x125x80xi32, #tpu.memory_space<hbm>>
      %dma_wait3A_89 = tpu.memref_squeeze %dma_wait3A_88 : memref<1x125x80xi32, #tpu.memory_space<hbm>> -> memref<125x80xi32, #tpu.memory_space<hbm>>
      tpu.wait_dma2 semaphore(%run_scoped3A_73 : memref<!tpu.dma_semaphore, #tpu.memory_space<semaphore_mem>>) src(%dma_wait3A_89 : memref<125x80xi32, #tpu.memory_space<hbm>>) dst(%arg6 : memref<125x80xi32, #tpu.memory_space<vmem>>)
      tpu.yield
    }) : () -> ()
    %scan3A = arith.constant 0 : i32
    %scan3A_3 = arith.constant 0 : i32
    %scan3A_4 = arith.constant 80 : i32
    %scan3A_5 = arith.addi %scan3A_3, %scan3A_4 : i32
    %scan3A_6 = arith.constant 1 : i32
    %scan3A_7 = scf.for %scan3A_73 = %scan3A_3 to %scan3A_5 step %scan3A_6 iter_args(%scan3A_74 = %scan3A) -> (i32)  : i32 {
      %broadcast_in_dim3A = arith.constant 0.000000e+00 : f32
      %broadcast_in_dim3A_75 = vector.broadcast %broadcast_in_dim3A : f32 to vector<16xf32>
      %swap3A = arith.constant 0 : i32
      %swap3A_76 = arith.index_cast %swap3A : i32 to index
      %swap3A_77 = arith.index_cast %scan3A_73 : i32 to index
      %swap3A_78 = arith.constant 0 : index
      %swap3A_79 = tpu.vector_load %arg7[%swap3A_76, %swap3A_77, %swap3A_78] {strides = array<i32>} : memref<2x80x128xf32, #tpu.memory_space<vmem>>, vector<1x1x16xf32>,
      %swap3A_80 = vector.shape_cast %swap3A_79 : vector<1x1x16xf32> to vector<16xf32>
      %swap3A_81 = vector.shape_cast %broadcast_in_dim3A_75 : vector<16xf32> to vector<1x1x16xf32>
      tpu.vector_store %arg7[%swap3A_76, %swap3A_77, %swap3A_78], %swap3A_81 {strides = array<i32>} : memref<2x80x128xf32, #tpu.memory_space<vmem>>, vector<1x1x16xf32>,
      %broadcast_in_dim3A_82 = arith.constant 0.000000e+00 : f32
      %broadcast_in_dim3A_83 = vector.broadcast %broadcast_in_dim3A_82 : f32 to vector<16xf32>
      %swap3A_84 = arith.constant 0 : i32
      %swap3A_85 = arith.index_cast %swap3A_84 : i32 to index
      %swap3A_86 = arith.index_cast %scan3A_73 : i32 to index
      %swap3A_87 = arith.constant 16 : index
      %swap3A_88 = tpu.vector_load %arg7[%swap3A_85, %swap3A_86, %swap3A_87] {strides = array<i32>} : memref<2x80x128xf32, #tpu.memory_space<vmem>>, vector<1x1x16xf32>,
      %swap3A_89 = vector.shape_cast %swap3A_88 : vector<1x1x16xf32> to vector<16xf32>
      %swap3A_90 = vector.shape_cast %broadcast_in_dim3A_83 : vector<16xf32> to vector<1x1x16xf32>
      tpu.vector_store %arg7[%swap3A_85, %swap3A_86, %swap3A_87], %swap3A_90 {strides = array<i32>} : memref<2x80x128xf32, #tpu.memory_space<vmem>>, vector<1x1x16xf32>,
      %broadcast_in_dim3A_91 = arith.constant 0.000000e+00 : f32
      %broadcast_in_dim3A_92 = vector.broadcast %broadcast_in_dim3A_91 : f32 to vector<16xf32>
      %swap3A_93 = arith.constant 0 : i32
      %swap3A_94 = arith.index_cast %swap3A_93 : i32 to index
      %swap3A_95 = arith.index_cast %scan3A_73 : i32 to index
      %swap3A_96 = arith.constant 32 : index
      %swap3A_97 = tpu.vector_load %arg7[%swap3A_94, %swap3A_95, %swap3A_96] {strides = array<i32>} : memref<2x80x128xf32, #tpu.memory_space<vmem>>, vector<1x1x16xf32>,
      %swap3A_98 = vector.shape_cast %swap3A_97 : vector<1x1x16xf32> to vector<16xf32>
      %swap3A_99 = vector.shape_cast %broadcast_in_dim3A_92 : vector<16xf32> to vector<1x1x16xf32>
      tpu.vector_store %arg7[%swap3A_94, %swap3A_95, %swap3A_96], %swap3A_99 {strides = array<i32>} : memref<2x80x128xf32, #tpu.memory_space<vmem>>, vector<1x1x16xf32>,
      %broadcast_in_dim3A_100 = arith.constant 0.000000e+00 : f32
      %broadcast_in_dim3A_101 = vector.broadcast %broadcast_in_dim3A_100 : f32 to vector<16xf32>
      %swap3A_102 = arith.constant 0 : i32
      %swap3A_103 = arith.index_cast %swap3A_102 : i32 to index
      %swap3A_104 = arith.index_cast %scan3A_73 : i32 to index
      %swap3A_105 = arith.constant 48 : index
      %swap3A_106 = tpu.vector_load %arg7[%swap3A_103, %swap3A_104, %swap3A_105] {strides = array<i32>} : memref<2x80x128xf32, #tpu.memory_space<vmem>>, vector<1x1x16xf32>,
      %swap3A_107 = vector.shape_cast %swap3A_106 : vector<1x1x16xf32> to vector<16xf32>
      %swap3A_108 = vector.shape_cast %broadcast_in_dim3A_101 : vector<16xf32> to vector<1x1x16xf32>
      tpu.vector_store %arg7[%swap3A_103, %swap3A_104, %swap3A_105], %swap3A_108 {strides = array<i32>} : memref<2x80x128xf32, #tpu.memory_space<vmem>>, vector<1x1x16xf32>,
      %broadcast_in_dim3A_109 = arith.constant 0.000000e+00 : f32
      %broadcast_in_dim3A_110 = vector.broadcast %broadcast_in_dim3A_109 : f32 to vector<16xf32>
      %swap3A_111 = arith.constant 0 : i32
      %swap3A_112 = arith.index_cast %swap3A_111 : i32 to index
      %swap3A_113 = arith.index_cast %scan3A_73 : i32 to index
      %swap3A_114 = arith.constant 64 : index
      %swap3A_115 = tpu.vector_load %arg7[%swap3A_112, %swap3A_113, %swap3A_114] {strides = array<i32>} : memref<2x80x128xf32, #tpu.memory_space<vmem>>, vector<1x1x16xf32>,
      %swap3A_116 = vector.shape_cast %swap3A_115 : vector<1x1x16xf32> to vector<16xf32>
      %swap3A_117 = vector.shape_cast %broadcast_in_dim3A_110 : vector<16xf32> to vector<1x1x16xf32>
      tpu.vector_store %arg7[%swap3A_112, %swap3A_113, %swap3A_114], %swap3A_117 {strides = array<i32>} : memref<2x80x128xf32, #tpu.memory_space<vmem>>, vector<1x1x16xf32>,
      %broadcast_in_dim3A_118 = arith.constant 0.000000e+00 : f32
      %broadcast_in_dim3A_119 = vector.broadcast %broadcast_in_dim3A_118 : f32 to vector<16xf32>
      %swap3A_120 = arith.constant 0 : i32
      %swap3A_121 = arith.index_cast %swap3A_120 : i32 to index
      %swap3A_122 = arith.index_cast %scan3A_73 : i32 to index
      %swap3A_123 = arith.constant 80 : index
      %swap3A_124 = tpu.vector_load %arg7[%swap3A_121, %swap3A_122, %swap3A_123] {strides = array<i32>} : memref<2x80x128xf32, #tpu.memory_space<vmem>>, vector<1x1x16xf32>,
      %swap3A_125 = vector.shape_cast %swap3A_124 : vector<1x1x16xf32> to vector<16xf32>
      %swap3A_126 = vector.shape_cast %broadcast_in_dim3A_119 : vector<16xf32> to vector<1x1x16xf32>
      tpu.vector_store %arg7[%swap3A_121, %swap3A_122, %swap3A_123], %swap3A_126 {strides = array<i32>} : memref<2x80x128xf32, #tpu.memory_space<vmem>>, vector<1x1x16xf32>,
      %broadcast_in_dim3A_127 = arith.constant 0.000000e+00 : f32
      %broadcast_in_dim3A_128 = vector.broadcast %broadcast_in_dim3A_127 : f32 to vector<16xf32>
      %swap3A_129 = arith.constant 0 : i32
      %swap3A_130 = arith.index_cast %swap3A_129 : i32 to index
      %swap3A_131 = arith.index_cast %scan3A_73 : i32 to index
      %swap3A_132 = arith.constant 96 : index
      %swap3A_133 = tpu.vector_load %arg7[%swap3A_130, %swap3A_131, %swap3A_132] {strides = array<i32>} : memref<2x80x128xf32, #tpu.memory_space<vmem>>, vector<1x1x16xf32>,
      %swap3A_134 = vector.shape_cast %swap3A_133 : vector<1x1x16xf32> to vector<16xf32>
      %swap3A_135 = vector.shape_cast %broadcast_in_dim3A_128 : vector<16xf32> to vector<1x1x16xf32>
      tpu.vector_store %arg7[%swap3A_130, %swap3A_131, %swap3A_132], %swap3A_135 {strides = array<i32>} : memref<2x80x128xf32, #tpu.memory_space<vmem>>, vector<1x1x16xf32>,
      %broadcast_in_dim3A_136 = arith.constant 0.000000e+00 : f32
      %broadcast_in_dim3A_137 = vector.broadcast %broadcast_in_dim3A_136 : f32 to vector<16xf32>
      %swap3A_138 = arith.constant 0 : i32
      %swap3A_139 = arith.index_cast %swap3A_138 : i32 to index
      %swap3A_140 = arith.index_cast %scan3A_73 : i32 to index
      %swap3A_141 = arith.constant 112 : index
      %swap3A_142 = tpu.vector_load %arg7[%swap3A_139, %swap3A_140, %swap3A_141] {strides = array<i32>} : memref<2x80x128xf32, #tpu.memory_space<vmem>>, vector<1x1x16xf32>,
      %swap3A_143 = vector.shape_cast %swap3A_142 : vector<1x1x16xf32> to vector<16xf32>
      %swap3A_144 = vector.shape_cast %broadcast_in_dim3A_137 : vector<16xf32> to vector<1x1x16xf32>
      tpu.vector_store %arg7[%swap3A_139, %swap3A_140, %swap3A_141], %swap3A_144 {strides = array<i32>} : memref<2x80x128xf32, #tpu.memory_space<vmem>>, vector<1x1x16xf32>,
      %scan3A_145 = arith.constant 0 : i32
      scf.yield %scan3A_145 : i32
    }
    %scan3A_8 = arith.constant 80 : i32
    %scan3A_9 = arith.constant 0 : i32
    %scan3A_10 = arith.constant 0 : i32
    %scan3A_11 = arith.constant 125 : i32
    %scan3A_12 = arith.addi %scan3A_10, %scan3A_11 : i32
    %scan3A_13 = arith.constant 1 : i32
    %scan3A_14 = scf.for %scan3A_73 = %scan3A_10 to %scan3A_12 step %scan3A_13 iter_args(%scan3A_74 = %scan3A_9) -> (i32)  : i32 {
      %get3A = arith.index_cast %scan3A_73 : i32 to index
      %get3A_75 = arith.constant 0 : index
      %get3A_76 = tpu.vector_load %arg6[%get3A, %get3A_75] {strides = array<i32>} : memref<125x80xi32, #tpu.memory_space<vmem>>, vector<1x16xi32>,
      %get3A_77 = vector.shape_cast %get3A_76 : vector<1x16xi32> to vector<16xi32>
      %and3A = arith.constant 65535 : i32
      %and3A_78 = vector.broadcast %and3A : i32 to vector<16xi32>
      %and3A_79 = arith.andi %get3A_77, %and3A_78 : vector<16xi32>
      %mul3A_80 = arith.constant 80 : i32
      %mul3A_81 = arith.muli %scan3A_73, %mul3A_80 : i32
      %add3A_82 = arith.constant 0 : i32
      %add3A_83 = arith.addi %mul3A_81, %add3A_82 : i32
      %swap3A = arith.index_cast %add3A_83 : i32 to index
      %swap3A_84 = tpu.vector_load %arg5[%swap3A] {strides = array<i32>} : memref<10000xi32, #tpu.memory_space<vmem>>, vector<16xi32>,
      %swap3A_85 = vector.shape_cast %swap3A_84 : vector<16xi32> to vector<16xi32>
      %swap3A_86 = vector.shape_cast %and3A_79 : vector<16xi32> to vector<16xi32>
      tpu.vector_store %arg5[%swap3A], %swap3A_86 {strides = array<i32>} : memref<10000xi32, #tpu.memory_space<vmem>>, vector<16xi32>,
      %shift_right_logical3A = arith.constant 16 : i32
      %shift_right_logical3A_87 = vector.broadcast %shift_right_logical3A : i32 to vector<16xi32>
      %shift_right_logical3A_88 = arith.shrui %get3A_77, %shift_right_logical3A_87 : vector<16xi32>
      %swap3A_89 = arith.index_cast %scan3A_73 : i32 to index
      %swap3A_90 = arith.constant 0 : index
      %swap3A_91 = tpu.vector_load %arg6[%swap3A_89, %swap3A_90] {strides = array<i32>} : memref<125x80xi32, #tpu.memory_space<vmem>>, vector<1x16xi32>,
      %swap3A_92 = vector.shape_cast %swap3A_91 : vector<1x16xi32> to vector<16xi32>
      %swap3A_93 = vector.shape_cast %shift_right_logical3A_88 : vector<16xi32> to vector<1x16xi32>
      tpu.vector_store %arg6[%swap3A_89, %swap3A_90], %swap3A_93 {strides = array<i32>} : memref<125x80xi32, #tpu.memory_space<vmem>>, vector<1x16xi32>,
      %get3A_94 = arith.index_cast %scan3A_73 : i32 to index
      %get3A_95 = arith.constant 16 : index
      %get3A_96 = tpu.vector_load %arg6[%get3A_94, %get3A_95] {strides = array<i32>} : memref<125x80xi32, #tpu.memory_space<vmem>>, vector<1x16xi32>,
      %get3A_97 = vector.shape_cast %get3A_96 : vector<1x16xi32> to vector<16xi32>
      %and3A_98 = arith.constant 65535 : i32
      %and3A_99 = vector.broadcast %and3A_98 : i32 to vector<16xi32>
      %and3A_100 = arith.andi %get3A_97, %and3A_99 : vector<16xi32>
      %mul3A_101 = arith.constant 80 : i32
      %mul3A_102 = arith.muli %scan3A_73, %mul3A_101 : i32
      %add3A_103 = arith.constant 16 : i32
      %add3A_104 = arith.addi %mul3A_102, %add3A_103 : i32
      %swap3A_105 = arith.index_cast %add3A_104 : i32 to index
      %swap3A_106 = tpu.vector_load %arg5[%swap3A_105] {strides = array<i32>} : memref<10000xi32, #tpu.memory_space<vmem>>, vector<16xi32>,
      %swap3A_107 = vector.shape_cast %swap3A_106 : vector<16xi32> to vector<16xi32>
      %swap3A_108 = vector.shape_cast %and3A_100 : vector<16xi32> to vector<16xi32>
      tpu.vector_store %arg5[%swap3A_105], %swap3A_108 {strides = array<i32>} : memref<10000xi32, #tpu.memory_space<vmem>>, vector<16xi32>,
      %shift_right_logical3A_109 = arith.constant 16 : i32
      %shift_right_logical3A_110 = vector.broadcast %shift_right_logical3A_109 : i32 to vector<16xi32>
      %shift_right_logical3A_111 = arith.shrui %get3A_97, %shift_right_logical3A_110 : vector<16xi32>
      %swap3A_112 = arith.index_cast %scan3A_73 : i32 to index
      %swap3A_113 = arith.constant 16 : index
      %swap3A_114 = tpu.vector_load %arg6[%swap3A_112, %swap3A_113] {strides = array<i32>} : memref<125x80xi32, #tpu.memory_space<vmem>>, vector<1x16xi32>,
      %swap3A_115 = vector.shape_cast %swap3A_114 : vector<1x16xi32> to vector<16xi32>
      %swap3A_116 = vector.shape_cast %shift_right_logical3A_111 : vector<16xi32> to vector<1x16xi32>
      tpu.vector_store %arg6[%swap3A_112, %swap3A_113], %swap3A_116 {strides = array<i32>} : memref<125x80xi32, #tpu.memory_space<vmem>>, vector<1x16xi32>,
      %get3A_117 = arith.index_cast %scan3A_73 : i32 to index
      %get3A_118 = arith.constant 32 : index
      %get3A_119 = tpu.vector_load %arg6[%get3A_117, %get3A_118] {strides = array<i32>} : memref<125x80xi32, #tpu.memory_space<vmem>>, vector<1x16xi32>,
      %get3A_120 = vector.shape_cast %get3A_119 : vector<1x16xi32> to vector<16xi32>
      %and3A_121 = arith.constant 65535 : i32
      %and3A_122 = vector.broadcast %and3A_121 : i32 to vector<16xi32>
      %and3A_123 = arith.andi %get3A_120, %and3A_122 : vector<16xi32>
      %mul3A_124 = arith.constant 80 : i32
      %mul3A_125 = arith.muli %scan3A_73, %mul3A_124 : i32
      %add3A_126 = arith.constant 32 : i32
      %add3A_127 = arith.addi %mul3A_125, %add3A_126 : i32
      %swap3A_128 = arith.index_cast %add3A_127 : i32 to index
      %swap3A_129 = tpu.vector_load %arg5[%swap3A_128] {strides = array<i32>} : memref<10000xi32, #tpu.memory_space<vmem>>, vector<16xi32>,
      %swap3A_130 = vector.shape_cast %swap3A_129 : vector<16xi32> to vector<16xi32>
      %swap3A_131 = vector.shape_cast %and3A_123 : vector<16xi32> to vector<16xi32>
      tpu.vector_store %arg5[%swap3A_128], %swap3A_131 {strides = array<i32>} : memref<10000xi32, #tpu.memory_space<vmem>>, vector<16xi32>,
      %shift_right_logical3A_132 = arith.constant 16 : i32
      %shift_right_logical3A_133 = vector.broadcast %shift_right_logical3A_132 : i32 to vector<16xi32>
      %shift_right_logical3A_134 = arith.shrui %get3A_120, %shift_right_logical3A_133 : vector<16xi32>
      %swap3A_135 = arith.index_cast %scan3A_73 : i32 to index
      %swap3A_136 = arith.constant 32 : index
      %swap3A_137 = tpu.vector_load %arg6[%swap3A_135, %swap3A_136] {strides = array<i32>} : memref<125x80xi32, #tpu.memory_space<vmem>>, vector<1x16xi32>,
      %swap3A_138 = vector.shape_cast %swap3A_137 : vector<1x16xi32> to vector<16xi32>
      %swap3A_139 = vector.shape_cast %shift_right_logical3A_134 : vector<16xi32> to vector<1x16xi32>
      tpu.vector_store %arg6[%swap3A_135, %swap3A_136], %swap3A_139 {strides = array<i32>} : memref<125x80xi32, #tpu.memory_space<vmem>>, vector<1x16xi32>,
      %get3A_140 = arith.index_cast %scan3A_73 : i32 to index
      %get3A_141 = arith.constant 48 : index
      %get3A_142 = tpu.vector_load %arg6[%get3A_140, %get3A_141] {strides = array<i32>} : memref<125x80xi32, #tpu.memory_space<vmem>>, vector<1x16xi32>,
      %get3A_143 = vector.shape_cast %get3A_142 : vector<1x16xi32> to vector<16xi32>
      %and3A_144 = arith.constant 65535 : i32
      %and3A_145 = vector.broadcast %and3A_144 : i32 to vector<16xi32>
      %and3A_146 = arith.andi %get3A_143, %and3A_145 : vector<16xi32>
      %mul3A_147 = arith.constant 80 : i32
      %mul3A_148 = arith.muli %scan3A_73, %mul3A_147 : i32
      %add3A_149 = arith.constant 48 : i32
      %add3A_150 = arith.addi %mul3A_148, %add3A_149 : i32
      %swap3A_151 = arith.index_cast %add3A_150 : i32 to index
      %swap3A_152 = tpu.vector_load %arg5[%swap3A_151] {strides = array<i32>} : memref<10000xi32, #tpu.memory_space<vmem>>, vector<16xi32>,
      %swap3A_153 = vector.shape_cast %swap3A_152 : vector<16xi32> to vector<16xi32>
      %swap3A_154 = vector.shape_cast %and3A_146 : vector<16xi32> to vector<16xi32>
      tpu.vector_store %arg5[%swap3A_151], %swap3A_154 {strides = array<i32>} : memref<10000xi32, #tpu.memory_space<vmem>>, vector<16xi32>,
      %shift_right_logical3A_155 = arith.constant 16 : i32
      %shift_right_logical3A_156 = vector.broadcast %shift_right_logical3A_155 : i32 to vector<16xi32>
      %shift_right_logical3A_157 = arith.shrui %get3A_143, %shift_right_logical3A_156 : vector<16xi32>
      %swap3A_158 = arith.index_cast %scan3A_73 : i32 to index
      %swap3A_159 = arith.constant 48 : index
      %swap3A_160 = tpu.vector_load %arg6[%swap3A_158, %swap3A_159] {strides = array<i32>} : memref<125x80xi32, #tpu.memory_space<vmem>>, vector<1x16xi32>,
      %swap3A_161 = vector.shape_cast %swap3A_160 : vector<1x16xi32> to vector<16xi32>
      %swap3A_162 = vector.shape_cast %shift_right_logical3A_157 : vector<16xi32> to vector<1x16xi32>
      tpu.vector_store %arg6[%swap3A_158, %swap3A_159], %swap3A_162 {strides = array<i32>} : memref<125x80xi32, #tpu.memory_space<vmem>>, vector<1x16xi32>,
      %get3A_163 = arith.index_cast %scan3A_73 : i32 to index
      %get3A_164 = arith.constant 64 : index
      %get3A_165 = tpu.vector_load %arg6[%get3A_163, %get3A_164] {strides = array<i32>} : memref<125x80xi32, #tpu.memory_space<vmem>>, vector<1x16xi32>,
      %get3A_166 = vector.shape_cast %get3A_165 : vector<1x16xi32> to vector<16xi32>
      %and3A_167 = arith.constant 65535 : i32
      %and3A_168 = vector.broadcast %and3A_167 : i32 to vector<16xi32>
      %and3A_169 = arith.andi %get3A_166, %and3A_168 : vector<16xi32>
      %mul3A_170 = arith.constant 80 : i32
      %mul3A_171 = arith.muli %scan3A_73, %mul3A_170 : i32
      %add3A_172 = arith.constant 64 : i32
      %add3A_173 = arith.addi %mul3A_171, %add3A_172 : i32
      %swap3A_174 = arith.index_cast %add3A_173 : i32 to index
      %swap3A_175 = tpu.vector_load %arg5[%swap3A_174] {strides = array<i32>} : memref<10000xi32, #tpu.memory_space<vmem>>, vector<16xi32>,
      %swap3A_176 = vector.shape_cast %swap3A_175 : vector<16xi32> to vector<16xi32>
      %swap3A_177 = vector.shape_cast %and3A_169 : vector<16xi32> to vector<16xi32>
      tpu.vector_store %arg5[%swap3A_174], %swap3A_177 {strides = array<i32>} : memref<10000xi32, #tpu.memory_space<vmem>>, vector<16xi32>,
      %shift_right_logical3A_178 = arith.constant 16 : i32
      %shift_right_logical3A_179 = vector.broadcast %shift_right_logical3A_178 : i32 to vector<16xi32>
      %shift_right_logical3A_180 = arith.shrui %get3A_166, %shift_right_logical3A_179 : vector<16xi32>
      %swap3A_181 = arith.index_cast %scan3A_73 : i32 to index
      %swap3A_182 = arith.constant 64 : index
      %swap3A_183 = tpu.vector_load %arg6[%swap3A_181, %swap3A_182] {strides = array<i32>} : memref<125x80xi32, #tpu.memory_space<vmem>>, vector<1x16xi32>,
      %swap3A_184 = vector.shape_cast %swap3A_183 : vector<1x16xi32> to vector<16xi32>
      %swap3A_185 = vector.shape_cast %shift_right_logical3A_180 : vector<16xi32> to vector<1x16xi32>
      tpu.vector_store %arg6[%swap3A_181, %swap3A_182], %swap3A_185 {strides = array<i32>} : memref<125x80xi32, #tpu.memory_space<vmem>>, vector<1x16xi32>,
      %scan3A_186 = arith.constant 0 : i32
      scf.yield %scan3A_186 : i32
    }
    %scan3A_15 = arith.constant 125 : i32
    %add3A_16 = arith.constant 0 : i32
    %add3A_17 = arith.addi %mul3A_2, %add3A_16 : i32
    %run_scoped3A = arith.constant 0 : i32
    "tpu.region"() ({
      %run_scoped3A_73 = tpu.sem_alloc : memref<!tpu.dma_semaphore, #tpu.memory_space<semaphore_mem>>
      %dma_start3A_74 = arith.constant 0 : i32
      %dma_start3A_75 = arith.constant 0 : i32
      %dma_start3A_76 = tpu.memref_slice %arg7[%run_scoped3A, %dma_start3A_74, %dma_start3A_75] : memref<2x80x128xf32, #tpu.memory_space<vmem>> -> memref<1x80x128xf32, #tpu.memory_space<vmem>>
      %dma_start3A_77 = tpu.memref_squeeze %dma_start3A_76 : memref<1x80x128xf32, #tpu.memory_space<vmem>> -> memref<80x128xf32, #tpu.memory_space<vmem>>
      %dma_start3A_78 = arith.constant 0 : i32
      %dma_start3A_79 = tpu.memref_slice %arg8[%add3A_17, %dma_start3A_78] : memref<10240x128xf32, #tpu.memory_space<vmem_shared>> -> memref<80x128xf32, #tpu.memory_space<vmem_shared>>
      %dma_start3A_80 = arith.constant 0 : i32
      %dma_start3A_81 = tpu.memref_slice %arg8[%add3A_17, %dma_start3A_80] : memref<10240x128xf32, #tpu.memory_space<vmem_shared>> -> memref<80x128xf32, #tpu.memory_space<vmem_shared>>
      %dma_start3A_82 = arith.constant 0 : i32
      %dma_start3A_83 = arith.constant 0 : i32
      %dma_start3A_84 = tpu.memref_slice %arg7[%run_scoped3A, %dma_start3A_82, %dma_start3A_83] : memref<2x80x128xf32, #tpu.memory_space<vmem>> -> memref<1x80x128xf32, #tpu.memory_space<vmem>>
      %dma_start3A_85 = tpu.memref_squeeze %dma_start3A_84 : memref<1x80x128xf32, #tpu.memory_space<vmem>> -> memref<80x128xf32, #tpu.memory_space<vmem>>
      tpu.enqueue_dma source(%dma_start3A_85 : memref<80x128xf32, #tpu.memory_space<vmem>>) target(%dma_start3A_81 : memref<80x128xf32, #tpu.memory_space<vmem_shared>>) target_semaphore(%run_scoped3A_73 : memref<!tpu.dma_semaphore, #tpu.memory_space<semaphore_mem>>)
      %dma_wait3A_86 = arith.constant 0 : i32
      %dma_wait3A_87 = arith.constant 0 : i32
      %dma_wait3A_88 = tpu.memref_slice %arg7[%run_scoped3A, %dma_wait3A_86, %dma_wait3A_87] : memref<2x80x128xf32, #tpu.memory_space<vmem>> -> memref<1x80x128xf32, #tpu.memory_space<vmem>>
      %dma_wait3A_89 = tpu.memref_squeeze %dma_wait3A_88 : memref<1x80x128xf32, #tpu.memory_space<vmem>> -> memref<80x128xf32, #tpu.memory_space<vmem>>
      %dma_wait3A_90 = arith.constant 0 : i32
      %dma_wait3A_91 = tpu.memref_slice %arg8[%add3A_17, %dma_wait3A_90] : memref<10240x128xf32, #tpu.memory_space<vmem_shared>> -> memref<80x128xf32, #tpu.memory_space<vmem_shared>>
      %dma_wait3A_92 = arith.constant 0 : i32
      %dma_wait3A_93 = tpu.memref_slice %arg8[%add3A_17, %dma_wait3A_92] : memref<10240x128xf32, #tpu.memory_space<vmem_shared>> -> memref<80x128xf32, #tpu.memory_space<vmem_shared>>
      %dma_wait3A_94 = arith.constant 0 : i32
      %dma_wait3A_95 = arith.constant 0 : i32
      %dma_wait3A_96 = tpu.memref_slice %arg7[%run_scoped3A, %dma_wait3A_94, %dma_wait3A_95] : memref<2x80x128xf32, #tpu.memory_space<vmem>> -> memref<1x80x128xf32, #tpu.memory_space<vmem>>
      %dma_wait3A_97 = tpu.memref_squeeze %dma_wait3A_96 : memref<1x80x128xf32, #tpu.memory_space<vmem>> -> memref<80x128xf32, #tpu.memory_space<vmem>>
      tpu.wait_dma2 semaphore(%run_scoped3A_73 : memref<!tpu.dma_semaphore, #tpu.memory_space<semaphore_mem>>) src(%dma_wait3A_97 : memref<80x128xf32, #tpu.memory_space<vmem>>) dst(%dma_wait3A_93 : memref<80x128xf32, #tpu.memory_space<vmem_shared>>)
      tpu.yield
    }) : () -> ()
    %add3A_18 = arith.constant 80 : i32
    %add3A_19 = arith.addi %mul3A_2, %add3A_18 : i32
    %run_scoped3A_20 = arith.constant 0 : i32
    "tpu.region"() ({
      %run_scoped3A_73 = tpu.sem_alloc : memref<!tpu.dma_semaphore, #tpu.memory_space<semaphore_mem>>
      %dma_start3A_74 = arith.constant 0 : i32
      %dma_start3A_75 = arith.constant 0 : i32
      %dma_start3A_76 = tpu.memref_slice %arg7[%run_scoped3A_20, %dma_start3A_74, %dma_start3A_75] : memref<2x80x128xf32, #tpu.memory_space<vmem>> -> memref<1x80x128xf32, #tpu.memory_space<vmem>>
      %dma_start3A_77 = tpu.memref_squeeze %dma_start3A_76 : memref<1x80x128xf32, #tpu.memory_space<vmem>> -> memref<80x128xf32, #tpu.memory_space<vmem>>
      %dma_start3A_78 = arith.constant 0 : i32
      %dma_start3A_79 = tpu.memref_slice %arg8[%add3A_19, %dma_start3A_78] : memref<10240x128xf32, #tpu.memory_space<vmem_shared>> -> memref<80x128xf32, #tpu.memory_space<vmem_shared>>
      %dma_start3A_80 = arith.constant 0 : i32
      %dma_start3A_81 = tpu.memref_slice %arg8[%add3A_19, %dma_start3A_80] : memref<10240x128xf32, #tpu.memory_space<vmem_shared>> -> memref<80x128xf32, #tpu.memory_space<vmem_shared>>
      %dma_start3A_82 = arith.constant 0 : i32
      %dma_start3A_83 = arith.constant 0 : i32
      %dma_start3A_84 = tpu.memref_slice %arg7[%run_scoped3A_20, %dma_start3A_82, %dma_start3A_83] : memref<2x80x128xf32, #tpu.memory_space<vmem>> -> memref<1x80x128xf32, #tpu.memory_space<vmem>>
      %dma_start3A_85 = tpu.memref_squeeze %dma_start3A_84 : memref<1x80x128xf32, #tpu.memory_space<vmem>> -> memref<80x128xf32, #tpu.memory_space<vmem>>
      tpu.enqueue_dma source(%dma_start3A_85 : memref<80x128xf32, #tpu.memory_space<vmem>>) target(%dma_start3A_81 : memref<80x128xf32, #tpu.memory_space<vmem_shared>>) target_semaphore(%run_scoped3A_73 : memref<!tpu.dma_semaphore, #tpu.memory_space<semaphore_mem>>)
      %dma_wait3A_86 = arith.constant 0 : i32
      %dma_wait3A_87 = arith.constant 0 : i32
      %dma_wait3A_88 = tpu.memref_slice %arg7[%run_scoped3A_20, %dma_wait3A_86, %dma_wait3A_87] : memref<2x80x128xf32, #tpu.memory_space<vmem>> -> memref<1x80x128xf32, #tpu.memory_space<vmem>>
      %dma_wait3A_89 = tpu.memref_squeeze %dma_wait3A_88 : memref<1x80x128xf32, #tpu.memory_space<vmem>> -> memref<80x128xf32, #tpu.memory_space<vmem>>
      %dma_wait3A_90 = arith.constant 0 : i32
      %dma_wait3A_91 = tpu.memref_slice %arg8[%add3A_19, %dma_wait3A_90] : memref<10240x128xf32, #tpu.memory_space<vmem_shared>> -> memref<80x128xf32, #tpu.memory_space<vmem_shared>>
      %dma_wait3A_92 = arith.constant 0 : i32
      %dma_wait3A_93 = tpu.memref_slice %arg8[%add3A_19, %dma_wait3A_92] : memref<10240x128xf32, #tpu.memory_space<vmem_shared>> -> memref<80x128xf32, #tpu.memory_space<vmem_shared>>
      %dma_wait3A_94 = arith.constant 0 : i32
      %dma_wait3A_95 = arith.constant 0 : i32
      %dma_wait3A_96 = tpu.memref_slice %arg7[%run_scoped3A_20, %dma_wait3A_94, %dma_wait3A_95] : memref<2x80x128xf32, #tpu.memory_space<vmem>> -> memref<1x80x128xf32, #tpu.memory_space<vmem>>
      %dma_wait3A_97 = tpu.memref_squeeze %dma_wait3A_96 : memref<1x80x128xf32, #tpu.memory_space<vmem>> -> memref<80x128xf32, #tpu.memory_space<vmem>>
      tpu.wait_dma2 semaphore(%run_scoped3A_73 : memref<!tpu.dma_semaphore, #tpu.memory_space<semaphore_mem>>) src(%dma_wait3A_97 : memref<80x128xf32, #tpu.memory_space<vmem>>) dst(%dma_wait3A_93 : memref<80x128xf32, #tpu.memory_space<vmem_shared>>)
      tpu.yield
    }) : () -> ()
    %add3A_21 = arith.constant 160 : i32
    %add3A_22 = arith.addi %mul3A_2, %add3A_21 : i32
    %run_scoped3A_23 = arith.constant 0 : i32
    "tpu.region"() ({
      %run_scoped3A_73 = tpu.sem_alloc : memref<!tpu.dma_semaphore, #tpu.memory_space<semaphore_mem>>
      %dma_start3A_74 = arith.constant 0 : i32
      %dma_start3A_75 = arith.constant 0 : i32
      %dma_start3A_76 = tpu.memref_slice %arg7[%run_scoped3A_23, %dma_start3A_74, %dma_start3A_75] : memref<2x80x128xf32, #tpu.memory_space<vmem>> -> memref<1x80x128xf32, #tpu.memory_space<vmem>>
      %dma_start3A_77 = tpu.memref_squeeze %dma_start3A_76 : memref<1x80x128xf32, #tpu.memory_space<vmem>> -> memref<80x128xf32, #tpu.memory_space<vmem>>
      %dma_start3A_78 = arith.constant 0 : i32
      %dma_start3A_79 = tpu.memref_slice %arg8[%add3A_22, %dma_start3A_78] : memref<10240x128xf32, #tpu.memory_space<vmem_shared>> -> memref<80x128xf32, #tpu.memory_space<vmem_shared>>
      %dma_start3A_80 = arith.constant 0 : i32
      %dma_start3A_81 = tpu.memref_slice %arg8[%add3A_22, %dma_start3A_80] : memref<10240x128xf32, #tpu.memory_space<vmem_shared>> -> memref<80x128xf32, #tpu.memory_space<vmem_shared>>
      %dma_start3A_82 = arith.constant 0 : i32
      %dma_start3A_83 = arith.constant 0 : i32
      %dma_start3A_84 = tpu.memref_slice %arg7[%run_scoped3A_23, %dma_start3A_82, %dma_start3A_83] : memref<2x80x128xf32, #tpu.memory_space<vmem>> -> memref<1x80x128xf32, #tpu.memory_space<vmem>>
      %dma_start3A_85 = tpu.memref_squeeze %dma_start3A_84 : memref<1x80x128xf32, #tpu.memory_space<vmem>> -> memref<80x128xf32, #tpu.memory_space<vmem>>
      tpu.enqueue_dma source(%dma_start3A_85 : memref<80x128xf32, #tpu.memory_space<vmem>>) target(%dma_start3A_81 : memref<80x128xf32, #tpu.memory_space<vmem_shared>>) target_semaphore(%run_scoped3A_73 : memref<!tpu.dma_semaphore, #tpu.memory_space<semaphore_mem>>)
      %dma_wait3A_86 = arith.constant 0 : i32
      %dma_wait3A_87 = arith.constant 0 : i32
      %dma_wait3A_88 = tpu.memref_slice %arg7[%run_scoped3A_23, %dma_wait3A_86, %dma_wait3A_87] : memref<2x80x128xf32, #tpu.memory_space<vmem>> -> memref<1x80x128xf32, #tpu.memory_space<vmem>>
      %dma_wait3A_89 = tpu.memref_squeeze %dma_wait3A_88 : memref<1x80x128xf32, #tpu.memory_space<vmem>> -> memref<80x128xf32, #tpu.memory_space<vmem>>
      %dma_wait3A_90 = arith.constant 0 : i32
      %dma_wait3A_91 = tpu.memref_slice %arg8[%add3A_22, %dma_wait3A_90] : memref<10240x128xf32, #tpu.memory_space<vmem_shared>> -> memref<80x128xf32, #tpu.memory_space<vmem_shared>>
      %dma_wait3A_92 = arith.constant 0 : i32
      %dma_wait3A_93 = tpu.memref_slice %arg8[%add3A_22, %dma_wait3A_92] : memref<10240x128xf32, #tpu.memory_space<vmem_shared>> -> memref<80x128xf32, #tpu.memory_space<vmem_shared>>
      %dma_wait3A_94 = arith.constant 0 : i32
      %dma_wait3A_95 = arith.constant 0 : i32
      %dma_wait3A_96 = tpu.memref_slice %arg7[%run_scoped3A_23, %dma_wait3A_94, %dma_wait3A_95] : memref<2x80x128xf32, #tpu.memory_space<vmem>> -> memref<1x80x128xf32, #tpu.memory_space<vmem>>
      %dma_wait3A_97 = tpu.memref_squeeze %dma_wait3A_96 : memref<1x80x128xf32, #tpu.memory_space<vmem>> -> memref<80x128xf32, #tpu.memory_space<vmem>>
      tpu.wait_dma2 semaphore(%run_scoped3A_73 : memref<!tpu.dma_semaphore, #tpu.memory_space<semaphore_mem>>) src(%dma_wait3A_97 : memref<80x128xf32, #tpu.memory_space<vmem>>) dst(%dma_wait3A_93 : memref<80x128xf32, #tpu.memory_space<vmem_shared>>)
      tpu.yield
    }) : () -> ()
    %add3A_24 = arith.constant 240 : i32
    %add3A_25 = arith.addi %mul3A_2, %add3A_24 : i32
    %run_scoped3A_26 = arith.constant 0 : i32
    "tpu.region"() ({
      %run_scoped3A_73 = tpu.sem_alloc : memref<!tpu.dma_semaphore, #tpu.memory_space<semaphore_mem>>
      %dma_start3A_74 = arith.constant 0 : i32
      %dma_start3A_75 = arith.constant 0 : i32
      %dma_start3A_76 = tpu.memref_slice %arg7[%run_scoped3A_26, %dma_start3A_74, %dma_start3A_75] : memref<2x80x128xf32, #tpu.memory_space<vmem>> -> memref<1x80x128xf32, #tpu.memory_space<vmem>>
      %dma_start3A_77 = tpu.memref_squeeze %dma_start3A_76 : memref<1x80x128xf32, #tpu.memory_space<vmem>> -> memref<80x128xf32, #tpu.memory_space<vmem>>
      %dma_start3A_78 = arith.constant 0 : i32
      %dma_start3A_79 = tpu.memref_slice %arg8[%add3A_25, %dma_start3A_78] : memref<10240x128xf32, #tpu.memory_space<vmem_shared>> -> memref<80x128xf32, #tpu.memory_space<vmem_shared>>
      %dma_start3A_80 = arith.constant 0 : i32
      %dma_start3A_81 = tpu.memref_slice %arg8[%add3A_25, %dma_start3A_80] : memref<10240x128xf32, #tpu.memory_space<vmem_shared>> -> memref<80x128xf32, #tpu.memory_space<vmem_shared>>
      %dma_start3A_82 = arith.constant 0 : i32
      %dma_start3A_83 = arith.constant 0 : i32
      %dma_start3A_84 = tpu.memref_slice %arg7[%run_scoped3A_26, %dma_start3A_82, %dma_start3A_83] : memref<2x80x128xf32, #tpu.memory_space<vmem>> -> memref<1x80x128xf32, #tpu.memory_space<vmem>>
      %dma_start3A_85 = tpu.memref_squeeze %dma_start3A_84 : memref<1x80x128xf32, #tpu.memory_space<vmem>> -> memref<80x128xf32, #tpu.memory_space<vmem>>
      tpu.enqueue_dma source(%dma_start3A_85 : memref<80x128xf32, #tpu.memory_space<vmem>>) target(%dma_start3A_81 : memref<80x128xf32, #tpu.memory_space<vmem_shared>>) target_semaphore(%run_scoped3A_73 : memref<!tpu.dma_semaphore, #tpu.memory_space<semaphore_mem>>)
      %dma_wait3A_86 = arith.constant 0 : i32
      %dma_wait3A_87 = arith.constant 0 : i32
      %dma_wait3A_88 = tpu.memref_slice %arg7[%run_scoped3A_26, %dma_wait3A_86, %dma_wait3A_87] : memref<2x80x128xf32, #tpu.memory_space<vmem>> -> memref<1x80x128xf32, #tpu.memory_space<vmem>>
      %dma_wait3A_89 = tpu.memref_squeeze %dma_wait3A_88 : memref<1x80x128xf32, #tpu.memory_space<vmem>> -> memref<80x128xf32, #tpu.memory_space<vmem>>
      %dma_wait3A_90 = arith.constant 0 : i32
      %dma_wait3A_91 = tpu.memref_slice %arg8[%add3A_25, %dma_wait3A_90] : memref<10240x128xf32, #tpu.memory_space<vmem_shared>> -> memref<80x128xf32, #tpu.memory_space<vmem_shared>>
      %dma_wait3A_92 = arith.constant 0 : i32
      %dma_wait3A_93 = tpu.memref_slice %arg8[%add3A_25, %dma_wait3A_92] : memref<10240x128xf32, #tpu.memory_space<vmem_shared>> -> memref<80x128xf32, #tpu.memory_space<vmem_shared>>
      %dma_wait3A_94 = arith.constant 0 : i32
      %dma_wait3A_95 = arith.constant 0 : i32
      %dma_wait3A_96 = tpu.memref_slice %arg7[%run_scoped3A_26, %dma_wait3A_94, %dma_wait3A_95] : memref<2x80x128xf32, #tpu.memory_space<vmem>> -> memref<1x80x128xf32, #tpu.memory_space<vmem>>
      %dma_wait3A_97 = tpu.memref_squeeze %dma_wait3A_96 : memref<1x80x128xf32, #tpu.memory_space<vmem>> -> memref<80x128xf32, #tpu.memory_space<vmem>>
      tpu.wait_dma2 semaphore(%run_scoped3A_73 : memref<!tpu.dma_semaphore, #tpu.memory_space<semaphore_mem>>) src(%dma_wait3A_97 : memref<80x128xf32, #tpu.memory_space<vmem>>) dst(%dma_wait3A_93 : memref<80x128xf32, #tpu.memory_space<vmem_shared>>)
      tpu.yield
    }) : () -> ()
    %add3A_27 = arith.constant 320 : i32
    %add3A_28 = arith.addi %mul3A_2, %add3A_27 : i32
    %run_scoped3A_29 = arith.constant 0 : i32
    "tpu.region"() ({
      %run_scoped3A_73 = tpu.sem_alloc : memref<!tpu.dma_semaphore, #tpu.memory_space<semaphore_mem>>
      %dma_start3A_74 = arith.constant 0 : i32
      %dma_start3A_75 = arith.constant 0 : i32
      %dma_start3A_76 = tpu.memref_slice %arg7[%run_scoped3A_29, %dma_start3A_74, %dma_start3A_75] : memref<2x80x128xf32, #tpu.memory_space<vmem>> -> memref<1x80x128xf32, #tpu.memory_space<vmem>>
      %dma_start3A_77 = tpu.memref_squeeze %dma_start3A_76 : memref<1x80x128xf32, #tpu.memory_space<vmem>> -> memref<80x128xf32, #tpu.memory_space<vmem>>
      %dma_start3A_78 = arith.constant 0 : i32
      %dma_start3A_79 = tpu.memref_slice %arg8[%add3A_28, %dma_start3A_78] : memref<10240x128xf32, #tpu.memory_space<vmem_shared>> -> memref<80x128xf32, #tpu.memory_space<vmem_shared>>
      %dma_start3A_80 = arith.constant 0 : i32
      %dma_start3A_81 = tpu.memref_slice %arg8[%add3A_28, %dma_start3A_80] : memref<10240x128xf32, #tpu.memory_space<vmem_shared>> -> memref<80x128xf32, #tpu.memory_space<vmem_shared>>
      %dma_start3A_82 = arith.constant 0 : i32
      %dma_start3A_83 = arith.constant 0 : i32
      %dma_start3A_84 = tpu.memref_slice %arg7[%run_scoped3A_29, %dma_start3A_82, %dma_start3A_83] : memref<2x80x128xf32, #tpu.memory_space<vmem>> -> memref<1x80x128xf32, #tpu.memory_space<vmem>>
      %dma_start3A_85 = tpu.memref_squeeze %dma_start3A_84 : memref<1x80x128xf32, #tpu.memory_space<vmem>> -> memref<80x128xf32, #tpu.memory_space<vmem>>
      tpu.enqueue_dma source(%dma_start3A_85 : memref<80x128xf32, #tpu.memory_space<vmem>>) target(%dma_start3A_81 : memref<80x128xf32, #tpu.memory_space<vmem_shared>>) target_semaphore(%run_scoped3A_73 : memref<!tpu.dma_semaphore, #tpu.memory_space<semaphore_mem>>)
      %dma_wait3A_86 = arith.constant 0 : i32
      %dma_wait3A_87 = arith.constant 0 : i32
      %dma_wait3A_88 = tpu.memref_slice %arg7[%run_scoped3A_29, %dma_wait3A_86, %dma_wait3A_87] : memref<2x80x128xf32, #tpu.memory_space<vmem>> -> memref<1x80x128xf32, #tpu.memory_space<vmem>>
      %dma_wait3A_89 = tpu.memref_squeeze %dma_wait3A_88 : memref<1x80x128xf32, #tpu.memory_space<vmem>> -> memref<80x128xf32, #tpu.memory_space<vmem>>
      %dma_wait3A_90 = arith.constant 0 : i32
      %dma_wait3A_91 = tpu.memref_slice %arg8[%add3A_28, %dma_wait3A_90] : memref<10240x128xf32, #tpu.memory_space<vmem_shared>> -> memref<80x128xf32, #tpu.memory_space<vmem_shared>>
      %dma_wait3A_92 = arith.constant 0 : i32
      %dma_wait3A_93 = tpu.memref_slice %arg8[%add3A_28, %dma_wait3A_92] : memref<10240x128xf32, #tpu.memory_space<vmem_shared>> -> memref<80x128xf32, #tpu.memory_space<vmem_shared>>
      %dma_wait3A_94 = arith.constant 0 : i32
      %dma_wait3A_95 = arith.constant 0 : i32
      %dma_wait3A_96 = tpu.memref_slice %arg7[%run_scoped3A_29, %dma_wait3A_94, %dma_wait3A_95] : memref<2x80x128xf32, #tpu.memory_space<vmem>> -> memref<1x80x128xf32, #tpu.memory_space<vmem>>
      %dma_wait3A_97 = tpu.memref_squeeze %dma_wait3A_96 : memref<1x80x128xf32, #tpu.memory_space<vmem>> -> memref<80x128xf32, #tpu.memory_space<vmem>>
      tpu.wait_dma2 semaphore(%run_scoped3A_73 : memref<!tpu.dma_semaphore, #tpu.memory_space<semaphore_mem>>) src(%dma_wait3A_97 : memref<80x128xf32, #tpu.memory_space<vmem>>) dst(%dma_wait3A_93 : memref<80x128xf32, #tpu.memory_space<vmem_shared>>)
      tpu.yield
    }) : () -> ()
    %add3A_30 = arith.constant 400 : i32
    %add3A_31 = arith.addi %mul3A_2, %add3A_30 : i32
    %run_scoped3A_32 = arith.constant 0 : i32
    "tpu.region"() ({
      %run_scoped3A_73 = tpu.sem_alloc : memref<!tpu.dma_semaphore, #tpu.memory_space<semaphore_mem>>
      %dma_start3A_74 = arith.constant 0 : i32
      %dma_start3A_75 = arith.constant 0 : i32
      %dma_start3A_76 = tpu.memref_slice %arg7[%run_scoped3A_32, %dma_start3A_74, %dma_start3A_75] : memref<2x80x128xf32, #tpu.memory_space<vmem>> -> memref<1x80x128xf32, #tpu.memory_space<vmem>>
      %dma_start3A_77 = tpu.memref_squeeze %dma_start3A_76 : memref<1x80x128xf32, #tpu.memory_space<vmem>> -> memref<80x128xf32, #tpu.memory_space<vmem>>
      %dma_start3A_78 = arith.constant 0 : i32
      %dma_start3A_79 = tpu.memref_slice %arg8[%add3A_31, %dma_start3A_78] : memref<10240x128xf32, #tpu.memory_space<vmem_shared>> -> memref<80x128xf32, #tpu.memory_space<vmem_shared>>
      %dma_start3A_80 = arith.constant 0 : i32
      %dma_start3A_81 = tpu.memref_slice %arg8[%add3A_31, %dma_start3A_80] : memref<10240x128xf32, #tpu.memory_space<vmem_shared>> -> memref<80x128xf32, #tpu.memory_space<vmem_shared>>
      %dma_start3A_82 = arith.constant 0 : i32
      %dma_start3A_83 = arith.constant 0 : i32
      %dma_start3A_84 = tpu.memref_slice %arg7[%run_scoped3A_32, %dma_start3A_82, %dma_start3A_83] : memref<2x80x128xf32, #tpu.memory_space<vmem>> -> memref<1x80x128xf32, #tpu.memory_space<vmem>>
      %dma_start3A_85 = tpu.memref_squeeze %dma_start3A_84 : memref<1x80x128xf32, #tpu.memory_space<vmem>> -> memref<80x128xf32, #tpu.memory_space<vmem>>
      tpu.enqueue_dma source(%dma_start3A_85 : memref<80x128xf32, #tpu.memory_space<vmem>>) target(%dma_start3A_81 : memref<80x128xf32, #tpu.memory_space<vmem_shared>>) target_semaphore(%run_scoped3A_73 : memref<!tpu.dma_semaphore, #tpu.memory_space<semaphore_mem>>)
      %dma_wait3A_86 = arith.constant 0 : i32
      %dma_wait3A_87 = arith.constant 0 : i32
      %dma_wait3A_88 = tpu.memref_slice %arg7[%run_scoped3A_32, %dma_wait3A_86, %dma_wait3A_87] : memref<2x80x128xf32, #tpu.memory_space<vmem>> -> memref<1x80x128xf32, #tpu.memory_space<vmem>>
      %dma_wait3A_89 = tpu.memref_squeeze %dma_wait3A_88 : memref<1x80x128xf32, #tpu.memory_space<vmem>> -> memref<80x128xf32, #tpu.memory_space<vmem>>
      %dma_wait3A_90 = arith.constant 0 : i32
      %dma_wait3A_91 = tpu.memref_slice %arg8[%add3A_31, %dma_wait3A_90] : memref<10240x128xf32, #tpu.memory_space<vmem_shared>> -> memref<80x128xf32, #tpu.memory_space<vmem_shared>>
      %dma_wait3A_92 = arith.constant 0 : i32
      %dma_wait3A_93 = tpu.memref_slice %arg8[%add3A_31, %dma_wait3A_92] : memref<10240x128xf32, #tpu.memory_space<vmem_shared>> -> memref<80x128xf32, #tpu.memory_space<vmem_shared>>
      %dma_wait3A_94 = arith.constant 0 : i32
      %dma_wait3A_95 = arith.constant 0 : i32
      %dma_wait3A_96 = tpu.memref_slice %arg7[%run_scoped3A_32, %dma_wait3A_94, %dma_wait3A_95] : memref<2x80x128xf32, #tpu.memory_space<vmem>> -> memref<1x80x128xf32, #tpu.memory_space<vmem>>
      %dma_wait3A_97 = tpu.memref_squeeze %dma_wait3A_96 : memref<1x80x128xf32, #tpu.memory_space<vmem>> -> memref<80x128xf32, #tpu.memory_space<vmem>>
      tpu.wait_dma2 semaphore(%run_scoped3A_73 : memref<!tpu.dma_semaphore, #tpu.memory_space<semaphore_mem>>) src(%dma_wait3A_97 : memref<80x128xf32, #tpu.memory_space<vmem>>) dst(%dma_wait3A_93 : memref<80x128xf32, #tpu.memory_space<vmem_shared>>)
      tpu.yield
    }) : () -> ()
    %add3A_33 = arith.constant 480 : i32
    %add3A_34 = arith.addi %mul3A_2, %add3A_33 : i32
    %run_scoped3A_35 = arith.constant 0 : i32
    "tpu.region"() ({
      %run_scoped3A_73 = tpu.sem_alloc : memref<!tpu.dma_semaphore, #tpu.memory_space<semaphore_mem>>
      %dma_start3A_74 = arith.constant 0 : i32
      %dma_start3A_75 = arith.constant 0 : i32
      %dma_start3A_76 = tpu.memref_slice %arg7[%run_scoped3A_35, %dma_start3A_74, %dma_start3A_75] : memref<2x80x128xf32, #tpu.memory_space<vmem>> -> memref<1x80x128xf32, #tpu.memory_space<vmem>>
      %dma_start3A_77 = tpu.memref_squeeze %dma_start3A_76 : memref<1x80x128xf32, #tpu.memory_space<vmem>> -> memref<80x128xf32, #tpu.memory_space<vmem>>
      %dma_start3A_78 = arith.constant 0 : i32
      %dma_start3A_79 = tpu.memref_slice %arg8[%add3A_34, %dma_start3A_78] : memref<10240x128xf32, #tpu.memory_space<vmem_shared>> -> memref<80x128xf32, #tpu.memory_space<vmem_shared>>
      %dma_start3A_80 = arith.constant 0 : i32
      %dma_start3A_81 = tpu.memref_slice %arg8[%add3A_34, %dma_start3A_80] : memref<10240x128xf32, #tpu.memory_space<vmem_shared>> -> memref<80x128xf32, #tpu.memory_space<vmem_shared>>
      %dma_start3A_82 = arith.constant 0 : i32
      %dma_start3A_83 = arith.constant 0 : i32
      %dma_start3A_84 = tpu.memref_slice %arg7[%run_scoped3A_35, %dma_start3A_82, %dma_start3A_83] : memref<2x80x128xf32, #tpu.memory_space<vmem>> -> memref<1x80x128xf32, #tpu.memory_space<vmem>>
      %dma_start3A_85 = tpu.memref_squeeze %dma_start3A_84 : memref<1x80x128xf32, #tpu.memory_space<vmem>> -> memref<80x128xf32, #tpu.memory_space<vmem>>
      tpu.enqueue_dma source(%dma_start3A_85 : memref<80x128xf32, #tpu.memory_space<vmem>>) target(%dma_start3A_81 : memref<80x128xf32, #tpu.memory_space<vmem_shared>>) target_semaphore(%run_scoped3A_73 : memref<!tpu.dma_semaphore, #tpu.memory_space<semaphore_mem>>)
      %dma_wait3A_86 = arith.constant 0 : i32
      %dma_wait3A_87 = arith.constant 0 : i32
      %dma_wait3A_88 = tpu.memref_slice %arg7[%run_scoped3A_35, %dma_wait3A_86, %dma_wait3A_87] : memref<2x80x128xf32, #tpu.memory_space<vmem>> -> memref<1x80x128xf32, #tpu.memory_space<vmem>>
      %dma_wait3A_89 = tpu.memref_squeeze %dma_wait3A_88 : memref<1x80x128xf32, #tpu.memory_space<vmem>> -> memref<80x128xf32, #tpu.memory_space<vmem>>
      %dma_wait3A_90 = arith.constant 0 : i32
      %dma_wait3A_91 = tpu.memref_slice %arg8[%add3A_34, %dma_wait3A_90] : memref<10240x128xf32, #tpu.memory_space<vmem_shared>> -> memref<80x128xf32, #tpu.memory_space<vmem_shared>>
      %dma_wait3A_92 = arith.constant 0 : i32
      %dma_wait3A_93 = tpu.memref_slice %arg8[%add3A_34, %dma_wait3A_92] : memref<10240x128xf32, #tpu.memory_space<vmem_shared>> -> memref<80x128xf32, #tpu.memory_space<vmem_shared>>
      %dma_wait3A_94 = arith.constant 0 : i32
      %dma_wait3A_95 = arith.constant 0 : i32
      %dma_wait3A_96 = tpu.memref_slice %arg7[%run_scoped3A_35, %dma_wait3A_94, %dma_wait3A_95] : memref<2x80x128xf32, #tpu.memory_space<vmem>> -> memref<1x80x128xf32, #tpu.memory_space<vmem>>
      %dma_wait3A_97 = tpu.memref_squeeze %dma_wait3A_96 : memref<1x80x128xf32, #tpu.memory_space<vmem>> -> memref<80x128xf32, #tpu.memory_space<vmem>>
      tpu.wait_dma2 semaphore(%run_scoped3A_73 : memref<!tpu.dma_semaphore, #tpu.memory_space<semaphore_mem>>) src(%dma_wait3A_97 : memref<80x128xf32, #tpu.memory_space<vmem>>) dst(%dma_wait3A_93 : memref<80x128xf32, #tpu.memory_space<vmem_shared>>)
      tpu.yield
    }) : () -> ()
    %add3A_36 = arith.constant 560 : i32
    %add3A_37 = arith.addi %mul3A_2, %add3A_36 : i32
    %run_scoped3A_38 = arith.constant 0 : i32
    "tpu.region"() ({
      %run_scoped3A_73 = tpu.sem_alloc : memref<!tpu.dma_semaphore, #tpu.memory_space<semaphore_mem>>
      %dma_start3A_74 = arith.constant 0 : i32
      %dma_start3A_75 = arith.constant 0 : i32
      %dma_start3A_76 = tpu.memref_slice %arg7[%run_scoped3A_38, %dma_start3A_74, %dma_start3A_75] : memref<2x80x128xf32, #tpu.memory_space<vmem>> -> memref<1x80x128xf32, #tpu.memory_space<vmem>>
      %dma_start3A_77 = tpu.memref_squeeze %dma_start3A_76 : memref<1x80x128xf32, #tpu.memory_space<vmem>> -> memref<80x128xf32, #tpu.memory_space<vmem>>
      %dma_start3A_78 = arith.constant 0 : i32
      %dma_start3A_79 = tpu.memref_slice %arg8[%add3A_37, %dma_start3A_78] : memref<10240x128xf32, #tpu.memory_space<vmem_shared>> -> memref<80x128xf32, #tpu.memory_space<vmem_shared>>
      %dma_start3A_80 = arith.constant 0 : i32
      %dma_start3A_81 = tpu.memref_slice %arg8[%add3A_37, %dma_start3A_80] : memref<10240x128xf32, #tpu.memory_space<vmem_shared>> -> memref<80x128xf32, #tpu.memory_space<vmem_shared>>
      %dma_start3A_82 = arith.constant 0 : i32
      %dma_start3A_83 = arith.constant 0 : i32
      %dma_start3A_84 = tpu.memref_slice %arg7[%run_scoped3A_38, %dma_start3A_82, %dma_start3A_83] : memref<2x80x128xf32, #tpu.memory_space<vmem>> -> memref<1x80x128xf32, #tpu.memory_space<vmem>>
      %dma_start3A_85 = tpu.memref_squeeze %dma_start3A_84 : memref<1x80x128xf32, #tpu.memory_space<vmem>> -> memref<80x128xf32, #tpu.memory_space<vmem>>
      tpu.enqueue_dma source(%dma_start3A_85 : memref<80x128xf32, #tpu.memory_space<vmem>>) target(%dma_start3A_81 : memref<80x128xf32, #tpu.memory_space<vmem_shared>>) target_semaphore(%run_scoped3A_73 : memref<!tpu.dma_semaphore, #tpu.memory_space<semaphore_mem>>)
      %dma_wait3A_86 = arith.constant 0 : i32
      %dma_wait3A_87 = arith.constant 0 : i32
      %dma_wait3A_88 = tpu.memref_slice %arg7[%run_scoped3A_38, %dma_wait3A_86, %dma_wait3A_87] : memref<2x80x128xf32, #tpu.memory_space<vmem>> -> memref<1x80x128xf32, #tpu.memory_space<vmem>>
      %dma_wait3A_89 = tpu.memref_squeeze %dma_wait3A_88 : memref<1x80x128xf32, #tpu.memory_space<vmem>> -> memref<80x128xf32, #tpu.memory_space<vmem>>
      %dma_wait3A_90 = arith.constant 0 : i32
      %dma_wait3A_91 = tpu.memref_slice %arg8[%add3A_37, %dma_wait3A_90] : memref<10240x128xf32, #tpu.memory_space<vmem_shared>> -> memref<80x128xf32, #tpu.memory_space<vmem_shared>>
      %dma_wait3A_92 = arith.constant 0 : i32
      %dma_wait3A_93 = tpu.memref_slice %arg8[%add3A_37, %dma_wait3A_92] : memref<10240x128xf32, #tpu.memory_space<vmem_shared>> -> memref<80x128xf32, #tpu.memory_space<vmem_shared>>
      %dma_wait3A_94 = arith.constant 0 : i32
      %dma_wait3A_95 = arith.constant 0 : i32
      %dma_wait3A_96 = tpu.memref_slice %arg7[%run_scoped3A_38, %dma_wait3A_94, %dma_wait3A_95] : memref<2x80x128xf32, #tpu.memory_space<vmem>> -> memref<1x80x128xf32, #tpu.memory_space<vmem>>
      %dma_wait3A_97 = tpu.memref_squeeze %dma_wait3A_96 : memref<1x80x128xf32, #tpu.memory_space<vmem>> -> memref<80x128xf32, #tpu.memory_space<vmem>>
      tpu.wait_dma2 semaphore(%run_scoped3A_73 : memref<!tpu.dma_semaphore, #tpu.memory_space<semaphore_mem>>) src(%dma_wait3A_97 : memref<80x128xf32, #tpu.memory_space<vmem>>) dst(%dma_wait3A_93 : memref<80x128xf32, #tpu.memory_space<vmem_shared>>)
      tpu.yield
    }) : () -> ()
    %barrier3A = arith.constant 0 : index
    tpu.barrier barrier_id(%barrier3A)
    %dma_start3A = arith.constant 0 : i32
    %dma_start3A_39 = arith.constant 0 : i32
    %dma_start3A_40 = arith.constant 0 : i32
    %dma_start3A_41 = arith.constant 0 : i32
    %dma_start3A_42 = tpu.memref_slice %arg7[%dma_start3A, %dma_start3A_40, %dma_start3A_41] : memref<2x80x128xf32, #tpu.memory_space<vmem>> -> memref<1x80x128xf32, #tpu.memory_space<vmem>>
    %dma_start3A_43 = tpu.memref_squeeze %dma_start3A_42 : memref<1x80x128xf32, #tpu.memory_space<vmem>> -> memref<80x128xf32, #tpu.memory_space<vmem>>
    %dma_start3A_44 = arith.constant 0 : i32
    %dma_start3A_45 = tpu.memref_slice %arg5[%dma_start3A_44] : memref<10000xi32, #tpu.memory_space<vmem>> -> memref<80xi32, #tpu.memory_space<vmem>>
    %dma_start3A_46 = arith.constant 0 : i32
    %dma_start3A_47 = arith.constant 0 : i32
    %dma_start3A_48 = tpu.memref_slice %arg2[%dma_start3A_46, %dma_start3A_47] : memref<10000x128xf32, #tpu.memory_space<hbm>> -> memref<10000x128xf32, #tpu.memory_space<hbm>>
    %dma_start3A_49 = tpu.memref_slice %arg9[%dma_start3A_39] : memref<2x!tpu.dma_semaphore, #tpu.memory_space<semaphore_mem>> -> memref<1x!tpu.dma_semaphore, #tpu.memory_space<semaphore_mem>>
    %dma_start3A_50 = tpu.memref_squeeze %dma_start3A_49 : memref<1x!tpu.dma_semaphore, #tpu.memory_space<semaphore_mem>> -> memref<!tpu.dma_semaphore, #tpu.memory_space<semaphore_mem>>
    tpu.enqueue_indirect_dma source(%dma_start3A_48 : memref<10000x128xf32, #tpu.memory_space<hbm>>) target(%dma_start3A_43 : memref<80x128xf32, #tpu.memory_space<vmem>>) offsets(%dma_start3A_45 : memref<80xi32, #tpu.memory_space<vmem>>) semaphore(%dma_start3A_50 : memref<!tpu.dma_semaphore, #tpu.memory_space<semaphore_mem>>)
    %scan3A_51 = arith.constant 0 : i32
    %scan3A_52 = arith.constant 0 : i32
    %scan3A_53 = arith.constant 125 : i32
    %scan3A_54 = arith.addi %scan3A_52, %scan3A_53 : i32
    %scan3A_55 = arith.constant 1 : i32
    %scan3A_56 = scf.for %scan3A_73 = %scan3A_52 to %scan3A_54 step %scan3A_55 iter_args(%scan3A_74 = %scan3A_51) -> (i32)  : i32 {
      %rem3A = arith.constant 2 : i32
      %rem3A_75 = arith.remsi %scan3A_73, %rem3A : i32
      %sub3A = arith.constant 1 : i32
      %sub3A_76 = arith.subi %sub3A, %rem3A_75 : i32
      %ge3A = arith.constant 1 : i32
      %ge3A_77 = arith.cmpi sge, %scan3A_73, %ge3A : i32
      %convert_element_type3A = arith.extui %ge3A_77 : i1 to i32
      %cond3A = arith.constant 0 : i32
      %cond3A_78 = arith.cmpi ne, %convert_element_type3A, %cond3A : i32
      scf.if %cond3A_78 {
        %sub3A_110 = arith.constant 1 : i32
        %sub3A_111 = arith.subi %scan3A_73, %sub3A_110 : i32
        %dma_wait3A_112 = arith.constant 0 : i32
        %dma_wait3A_113 = arith.constant 0 : i32
        %dma_wait3A_114 = tpu.memref_slice %arg7[%sub3A_76, %dma_wait3A_112, %dma_wait3A_113] : memref<2x80x128xf32, #tpu.memory_space<vmem>> -> memref<1x80x128xf32, #tpu.memory_space<vmem>>
        %dma_wait3A_115 = tpu.memref_squeeze %dma_wait3A_114 : memref<1x80x128xf32, #tpu.memory_space<vmem>> -> memref<80x128xf32, #tpu.memory_space<vmem>>
        %dma_wait3A_116 = arith.constant 0 : i32
        %dma_wait3A_117 = tpu.memref_slice %arg6[%sub3A_111, %dma_wait3A_116] : memref<125x80xi32, #tpu.memory_space<vmem>> -> memref<1x80xi32, #tpu.memory_space<vmem>>
        %dma_wait3A_118 = tpu.memref_squeeze %dma_wait3A_117 : memref<1x80xi32, #tpu.memory_space<vmem>> -> memref<80xi32, #tpu.memory_space<vmem>>
        %dma_wait3A_119 = arith.constant 0 : i32
        %dma_wait3A_120 = arith.constant 0 : i32
        %dma_wait3A_121 = tpu.memref_slice %arg8[%dma_wait3A_119, %dma_wait3A_120] : memref<10240x128xf32, #tpu.memory_space<vmem_shared>> -> memref<10240x128xf32, #tpu.memory_space<vmem_shared>>
        %dma_wait3A_122 = tpu.memref_slice %arg10[%sub3A_76] : memref<2x!tpu.dma_semaphore, #tpu.memory_space<semaphore_mem>> -> memref<1x!tpu.dma_semaphore, #tpu.memory_space<semaphore_mem>>
        %dma_wait3A_123 = tpu.memref_squeeze %dma_wait3A_122 : memref<1x!tpu.dma_semaphore, #tpu.memory_space<semaphore_mem>> -> memref<!tpu.dma_semaphore, #tpu.memory_space<semaphore_mem>>
        tpu.wait_indirect_dma semaphore(%dma_wait3A_123 : memref<!tpu.dma_semaphore, #tpu.memory_space<semaphore_mem>>) src(%dma_wait3A_115 : memref<80x128xf32, #tpu.memory_space<vmem>>) dst(%dma_wait3A_121 : memref<10240x128xf32, #tpu.memory_space<vmem_shared>>)
      } else {
      }
      %add3A_79 = arith.constant 1 : i32
      %add3A_80 = arith.addi %scan3A_73, %add3A_79 : i32
      %lt3A = arith.constant 125 : i32
      %lt3A_81 = arith.cmpi slt, %add3A_80, %lt3A : i32
      %convert_element_type3A_82 = arith.extui %lt3A_81 : i1 to i32
      %cond3A_83 = arith.constant 0 : i32
      %cond3A_84 = arith.cmpi ne, %convert_element_type3A_82, %cond3A_83 : i32
      scf.if %cond3A_84 {
        %add3A_110 = arith.constant 1 : i32
        %add3A_111 = arith.addi %scan3A_73, %add3A_110 : i32
        %mul3A_112 = arith.constant 80 : i32
        %mul3A_113 = arith.muli %add3A_111, %mul3A_112 : i32
        %dma_start3A_114 = arith.constant 0 : i32
        %dma_start3A_115 = arith.constant 0 : i32
        %dma_start3A_116 = tpu.memref_slice %arg7[%sub3A_76, %dma_start3A_114, %dma_start3A_115] : memref<2x80x128xf32, #tpu.memory_space<vmem>> -> memref<1x80x128xf32, #tpu.memory_space<vmem>>
        %dma_start3A_117 = tpu.memref_squeeze %dma_start3A_116 : memref<1x80x128xf32, #tpu.memory_space<vmem>> -> memref<80x128xf32, #tpu.memory_space<vmem>>
        %dma_start3A_118 = tpu.memref_slice %arg5[%mul3A_113] : memref<10000xi32, #tpu.memory_space<vmem>> -> memref<80xi32, #tpu.memory_space<vmem>>
        %dma_start3A_119 = arith.constant 0 : i32
        %dma_start3A_120 = arith.constant 0 : i32
        %dma_start3A_121 = tpu.memref_slice %arg2[%dma_start3A_119, %dma_start3A_120] : memref<10000x128xf32, #tpu.memory_space<hbm>> -> memref<10000x128xf32, #tpu.memory_space<hbm>>
        %dma_start3A_122 = tpu.memref_slice %arg9[%sub3A_76] : memref<2x!tpu.dma_semaphore, #tpu.memory_space<semaphore_mem>> -> memref<1x!tpu.dma_semaphore, #tpu.memory_space<semaphore_mem>>
        %dma_start3A_123 = tpu.memref_squeeze %dma_start3A_122 : memref<1x!tpu.dma_semaphore, #tpu.memory_space<semaphore_mem>> -> memref<!tpu.dma_semaphore, #tpu.memory_space<semaphore_mem>>
        tpu.enqueue_indirect_dma source(%dma_start3A_121 : memref<10000x128xf32, #tpu.memory_space<hbm>>) target(%dma_start3A_117 : memref<80x128xf32, #tpu.memory_space<vmem>>) offsets(%dma_start3A_118 : memref<80xi32, #tpu.memory_space<vmem>>) semaphore(%dma_start3A_123 : memref<!tpu.dma_semaphore, #tpu.memory_space<semaphore_mem>>)
      } else {
      }
      %mul3A_85 = arith.constant 80 : i32
      %mul3A_86 = arith.muli %scan3A_73, %mul3A_85 : i32
      %dma_wait3A_87 = arith.constant 0 : i32
      %dma_wait3A_88 = arith.constant 0 : i32
      %dma_wait3A_89 = tpu.memref_slice %arg7[%rem3A_75, %dma_wait3A_87, %dma_wait3A_88] : memref<2x80x128xf32, #tpu.memory_space<vmem>> -> memref<1x80x128xf32, #tpu.memory_space<vmem>>
      %dma_wait3A_90 = tpu.memref_squeeze %dma_wait3A_89 : memref<1x80x128xf32, #tpu.memory_space<vmem>> -> memref<80x128xf32, #tpu.memory_space<vmem>>
      %dma_wait3A_91 = tpu.memref_slice %arg5[%mul3A_86] : memref<10000xi32, #tpu.memory_space<vmem>> -> memref<80xi32, #tpu.memory_space<vmem>>
      %dma_wait3A_92 = arith.constant 0 : i32
      %dma_wait3A_93 = arith.constant 0 : i32
      %dma_wait3A_94 = tpu.memref_slice %arg2[%dma_wait3A_92, %dma_wait3A_93] : memref<10000x128xf32, #tpu.memory_space<hbm>> -> memref<10000x128xf32, #tpu.memory_space<hbm>>
      %dma_wait3A_95 = tpu.memref_slice %arg9[%rem3A_75] : memref<2x!tpu.dma_semaphore, #tpu.memory_space<semaphore_mem>> -> memref<1x!tpu.dma_semaphore, #tpu.memory_space<semaphore_mem>>
      %dma_wait3A_96 = tpu.memref_squeeze %dma_wait3A_95 : memref<1x!tpu.dma_semaphore, #tpu.memory_space<semaphore_mem>> -> memref<!tpu.dma_semaphore, #tpu.memory_space<semaphore_mem>>
      tpu.wait_indirect_dma semaphore(%dma_wait3A_96 : memref<!tpu.dma_semaphore, #tpu.memory_space<semaphore_mem>>) src(%dma_wait3A_94 : memref<10000x128xf32, #tpu.memory_space<hbm>>) dst(%dma_wait3A_90 : memref<80x128xf32, #tpu.memory_space<vmem>>)
      %dma_start3A_97 = arith.constant 0 : i32
      %dma_start3A_98 = arith.constant 0 : i32
      %dma_start3A_99 = tpu.memref_slice %arg7[%rem3A_75, %dma_start3A_97, %dma_start3A_98] : memref<2x80x128xf32, #tpu.memory_space<vmem>> -> memref<1x80x128xf32, #tpu.memory_space<vmem>>
      %dma_start3A_100 = tpu.memref_squeeze %dma_start3A_99 : memref<1x80x128xf32, #tpu.memory_space<vmem>> -> memref<80x128xf32, #tpu.memory_space<vmem>>
      %dma_start3A_101 = arith.constant 0 : i32
      %dma_start3A_102 = tpu.memref_slice %arg6[%scan3A_73, %dma_start3A_101] : memref<125x80xi32, #tpu.memory_space<vmem>> -> memref<1x80xi32, #tpu.memory_space<vmem>>
      %dma_start3A_103 = tpu.memref_squeeze %dma_start3A_102 : memref<1x80xi32, #tpu.memory_space<vmem>> -> memref<80xi32, #tpu.memory_space<vmem>>
      %dma_start3A_104 = arith.constant 0 : i32
      %dma_start3A_105 = arith.constant 0 : i32
      %dma_start3A_106 = tpu.memref_slice %arg8[%dma_start3A_104, %dma_start3A_105] : memref<10240x128xf32, #tpu.memory_space<vmem_shared>> -> memref<10240x128xf32, #tpu.memory_space<vmem_shared>>
      %dma_start3A_107 = tpu.memref_slice %arg10[%rem3A_75] : memref<2x!tpu.dma_semaphore, #tpu.memory_space<semaphore_mem>> -> memref<1x!tpu.dma_semaphore, #tpu.memory_space<semaphore_mem>>
      %dma_start3A_108 = tpu.memref_squeeze %dma_start3A_107 : memref<1x!tpu.dma_semaphore, #tpu.memory_space<semaphore_mem>> -> memref<!tpu.dma_semaphore, #tpu.memory_space<semaphore_mem>>
      tpu.enqueue_indirect_dma source(%dma_start3A_100 : memref<80x128xf32, #tpu.memory_space<vmem>>) target(%dma_start3A_106 : memref<10240x128xf32, #tpu.memory_space<vmem_shared>>) offsets(%dma_start3A_103 : memref<80xi32, #tpu.memory_space<vmem>>) semaphore(%dma_start3A_108 : memref<!tpu.dma_semaphore, #tpu.memory_space<semaphore_mem>>) {add = true}
      %scan3A_109 = arith.constant 0 : i32
      scf.yield %scan3A_109 : i32
    }
    %scan3A_57 = arith.constant 125 : i32
    %dma_wait3A = arith.constant 0 : i32
    %dma_wait3A_58 = arith.constant 124 : i32
    %dma_wait3A_59 = arith.constant 0 : i32
    %dma_wait3A_60 = arith.constant 0 : i32
    %dma_wait3A_61 = arith.constant 0 : i32
    %dma_wait3A_62 = tpu.memref_slice %arg7[%dma_wait3A, %dma_wait3A_60, %dma_wait3A_61] : memref<2x80x128xf32, #tpu.memory_space<vmem>> -> memref<1x80x128xf32, #tpu.memory_space<vmem>>
    %dma_wait3A_63 = tpu.memref_squeeze %dma_wait3A_62 : memref<1x80x128xf32, #tpu.memory_space<vmem>> -> memref<80x128xf32, #tpu.memory_space<vmem>>
    %dma_wait3A_64 = arith.constant 0 : i32
    %dma_wait3A_65 = tpu.memref_slice %arg6[%dma_wait3A_58, %dma_wait3A_64] : memref<125x80xi32, #tpu.memory_space<vmem>> -> memref<1x80xi32, #tpu.memory_space<vmem>>
    %dma_wait3A_66 = tpu.memref_squeeze %dma_wait3A_65 : memref<1x80xi32, #tpu.memory_space<vmem>> -> memref<80xi32, #tpu.memory_space<vmem>>
    %dma_wait3A_67 = arith.constant 0 : i32
    %dma_wait3A_68 = arith.constant 0 : i32
    %dma_wait3A_69 = tpu.memref_slice %arg8[%dma_wait3A_67, %dma_wait3A_68] : memref<10240x128xf32, #tpu.memory_space<vmem_shared>> -> memref<10240x128xf32, #tpu.memory_space<vmem_shared>>
    %dma_wait3A_70 = tpu.memref_slice %arg10[%dma_wait3A_59] : memref<2x!tpu.dma_semaphore, #tpu.memory_space<semaphore_mem>> -> memref<1x!tpu.dma_semaphore, #tpu.memory_space<semaphore_mem>>
    %dma_wait3A_71 = tpu.memref_squeeze %dma_wait3A_70 : memref<1x!tpu.dma_semaphore, #tpu.memory_space<semaphore_mem>> -> memref<!tpu.dma_semaphore, #tpu.memory_space<semaphore_mem>>
    tpu.wait_indirect_dma semaphore(%dma_wait3A_71 : memref<!tpu.dma_semaphore, #tpu.memory_space<semaphore_mem>>) src(%dma_wait3A_63 : memref<80x128xf32, #tpu.memory_space<vmem>>) dst(%dma_wait3A_69 : memref<10240x128xf32, #tpu.memory_space<vmem_shared>>)
    %barrier3A_72 = arith.constant 0 : index
    tpu.barrier barrier_id(%barrier3A_72)
    "tpu.region"() ({
      %run_scoped3A_73 = tpu.sem_alloc : memref<!tpu.dma_semaphore, #tpu.memory_space<semaphore_mem>>
      %dma_start3A_74 = arith.constant 0 : i32
      %dma_start3A_75 = tpu.memref_slice %arg4[%arg0, %mul3A_2, %dma_start3A_74] : memref<2x10240x128xf32, #tpu.memory_space<hbm>> -> memref<1x640x128xf32, #tpu.memory_space<hbm>>
      %dma_start3A_76 = tpu.memref_squeeze %dma_start3A_75 : memref<1x640x128xf32, #tpu.memory_space<hbm>> -> memref<640x128xf32, #tpu.memory_space<hbm>>
      %dma_start3A_77 = arith.constant 0 : i32
      %dma_start3A_78 = tpu.memref_slice %arg8[%mul3A_2, %dma_start3A_77] : memref<10240x128xf32, #tpu.memory_space<vmem_shared>> -> memref<640x128xf32, #tpu.memory_space<vmem_shared>>
      tpu.enqueue_dma source(%dma_start3A_78 : memref<640x128xf32, #tpu.memory_space<vmem_shared>>) target(%dma_start3A_76 : memref<640x128xf32, #tpu.memory_space<hbm>>) target_semaphore(%run_scoped3A_73 : memref<!tpu.dma_semaphore, #tpu.memory_space<semaphore_mem>>)
      %dma_wait3A_79 = arith.constant 0 : i32
      %dma_wait3A_80 = tpu.memref_slice %arg4[%arg0, %mul3A_2, %dma_wait3A_79] : memref<2x10240x128xf32, #tpu.memory_space<hbm>> -> memref<1x640x128xf32, #tpu.memory_space<hbm>>
      %dma_wait3A_81 = tpu.memref_squeeze %dma_wait3A_80 : memref<1x640x128xf32, #tpu.memory_space<hbm>> -> memref<640x128xf32, #tpu.memory_space<hbm>>
      %dma_wait3A_82 = arith.constant 0 : i32
      %dma_wait3A_83 = tpu.memref_slice %arg8[%mul3A_2, %dma_wait3A_82] : memref<10240x128xf32, #tpu.memory_space<vmem_shared>> -> memref<640x128xf32, #tpu.memory_space<vmem_shared>>
      tpu.wait_dma2 semaphore(%run_scoped3A_73 : memref<!tpu.dma_semaphore, #tpu.memory_space<semaphore_mem>>) src(%dma_wait3A_83 : memref<640x128xf32, #tpu.memory_space<vmem_shared>>) dst(%dma_wait3A_81 : memref<640x128xf32, #tpu.memory_space<hbm>>)
      tpu.yield
    }) : () -> ()
    return
  }
}

#map = affine_map<(d0, d1) -> (0, 0)>
#map1 = affine_map<(d0, d1) -> (0, 0, 0)>
module attributes {stable_mosaic.version = 14 : i64} {
  func.func @body(%arg0: i32, %arg1: i32, %arg2: memref<10000x128xf32, #tpu.memory_space<hbm>>, %arg3: memref<32x125x80xi32, #tpu.memory_space<hbm>>, %arg4: memref<2x10240x128xf32, #tpu.memory_space<hbm>>, %arg5: memref<10000xi32, #tpu.memory_space<vmem>>, %arg6: memref<125x80xi32, #tpu.memory_space<vmem>>, %arg7: memref<2x80x128xf32, #tpu.memory_space<vmem>>, %arg8: memref<10240x128xf32, #tpu.memory_space<vmem_shared>>, %arg9: memref<2x!tpu.dma_semaphore, #tpu.memory_space<semaphore_mem>>, %arg10: memref<2x!tpu.dma_semaphore, #tpu.memory_space<semaphore_mem>>) attributes {dimension_semantics = [#tpu.dimension_semantics<core_parallel>, #tpu.dimension_semantics<subcore_parallel>], iteration_bounds = array<i64: 2, 16>, scalar_prefetch = 0 : i64, scratch_operands = 6 : i64, tpu.core_type = #tpu.core_type<sc_vector_subcore>, window_params = [{transform_indices = #map}, {transform_indices = #map1}, {transform_indices = #map1}]} {
    %mul3A = arith.constant 16 : i32
    %mul3A_0 = arith.muli %arg0, %mul3A : i32
    %add3A = arith.addi %mul3A_0, %arg1 : i32
    %mul3A_1 = arith.constant 640 : i32
    %mul3A_2 = arith.muli %arg1, %mul3A_1 : i32
    "tpu.region"() ({
      %run_scoped3A_73 = tpu.sem_alloc : memref<!tpu.dma_semaphore, #tpu.memory_space<semaphore_mem>>
      %dma_start3A_74 = arith.constant 0 : i32
      %dma_start3A_75 = arith.constant 0 : i32
      %dma_start3A_76 = tpu.memref_slice %arg3[%add3A, %dma_start3A_74, %dma_start3A_75] : memref<32x125x80xi32, #tpu.memory_space<hbm>> -> memref<1x125x80xi32, #tpu.memory_space<hbm>>
      %dma_start3A_77 = tpu.memref_squeeze %dma_start3A_76 : memref<1x125x80xi32, #tpu.memory_space<hbm>> -> memref<125x80xi32, #tpu.memory_space<hbm>>
      %dma_start3A_78 = arith.constant 0 : i32
      %dma_start3A_79 = arith.constant 0 : i32
      %dma_start3A_80 = tpu.memref_slice %arg3[%add3A, %dma_start3A_78, %dma_start3A_79] : memref<32x125x80xi32, #tpu.memory_space<hbm>> -> memref<1x125x80xi32, #tpu.memory_space<hbm>>
      %dma_start3A_81 = tpu.memref_squeeze %dma_start3A_80 : memref<1x125x80xi32, #tpu.memory_space<hbm>> -> memref<125x80xi32, #tpu.memory_space<hbm>>
      tpu.enqueue_dma source(%dma_start3A_81 : memref<125x80xi32, #tpu.memory_space<hbm>>) target(%arg6 : memref<125x80xi32, #tpu.memory_space<vmem>>) target_semaphore(%run_scoped3A_73 : memref<!tpu.dma_semaphore, #tpu.memory_space<semaphore_mem>>)
      %dma_wait3A_82 = arith.constant 0 : i32
      %dma_wait3A_83 = arith.constant 0 : i32
      %dma_wait3A_84 = tpu.memref_slice %arg3[%add3A, %dma_wait3A_82, %dma_wait3A_83] : memref<32x125x80xi32, #tpu.memory_space<hbm>> -> memref<1x125x80xi32, #tpu.memory_space<hbm>>
      %dma_wait3A_85 = tpu.memref_squeeze %dma_wait3A_84 : memref<1x125x80xi32, #tpu.memory_space<hbm>> -> memref<125x80xi32, #tpu.memory_space<hbm>>
      %dma_wait3A_86 = arith.constant 0 : i32
      %dma_wait3A_87 = arith.constant 0 : i32
      %dma_wait3A_88 = tpu.memref_slice %arg3[%add3A, %dma_wait3A_86, %dma_wait3A_87] : memref<32x125x80xi32, #tpu.memory_space<hbm>> -> memref<1x125x80xi32, #tpu.memory_space<hbm>>
      %dma_wait3A_89 = tpu.memref_squeeze %dma_wait3A_88 : memref<1x125x80xi32, #tpu.memory_space<hbm>> -> memref<125x80xi32, #tpu.memory_space<hbm>>
      tpu.wait_dma2 semaphore(%run_scoped3A_73 : memref<!tpu.dma_semaphore, #tpu.memory_space<semaphore_mem>>) src(%dma_wait3A_89 : memref<125x80xi32, #tpu.memory_space<hbm>>) dst(%arg6 : memref<125x80xi32, #tpu.memory_space<vmem>>)
      tpu.yield
    }) : () -> ()
    %scan3A = arith.constant 0 : i32
    %scan3A_3 = arith.constant 0 : i32
    %scan3A_4 = arith.constant 80 : i32
    %scan3A_5 = arith.addi %scan3A_3, %scan3A_4 : i32
    %scan3A_6 = arith.constant 1 : i32
    %scan3A_7 = scf.for %scan3A_73 = %scan3A_3 to %scan3A_5 step %scan3A_6 iter_args(%scan3A_74 = %scan3A) -> (i32)  : i32 {
      %broadcast_in_dim3A = arith.constant 0.000000e+00 : f32
      %broadcast_in_dim3A_75 = vector.broadcast %broadcast_in_dim3A : f32 to vector<16xf32>
      %swap3A = arith.constant 0 : i32
      %swap3A_76 = arith.index_cast %swap3A : i32 to index
      %swap3A_77 = arith.index_cast %scan3A_73 : i32 to index
      %swap3A_78 = arith.constant 0 : index
      %swap3A_79 = tpu.vector_load %arg7[%swap3A_76, %swap3A_77, %swap3A_78] {strides = array<i32>} : memref<2x80x128xf32, #tpu.memory_space<vmem>>, vector<1x1x16xf32>,
      %swap3A_80 = vector.shape_cast %swap3A_79 : vector<1x1x16xf32> to vector<16xf32>
      %swap3A_81 = vector.shape_cast %broadcast_in_dim3A_75 : vector<16xf32> to vector<1x1x16xf32>
      tpu.vector_store %arg7[%swap3A_76, %swap3A_77, %swap3A_78], %swap3A_81 {strides = array<i32>} : memref<2x80x128xf32, #tpu.memory_space<vmem>>, vector<1x1x16xf32>,
      %broadcast_in_dim3A_82 = arith.constant 0.000000e+00 : f32
      %broadcast_in_dim3A_83 = vector.broadcast %broadcast_in_dim3A_82 : f32 to vector<16xf32>
      %swap3A_84 = arith.constant 0 : i32
      %swap3A_85 = arith.index_cast %swap3A_84 : i32 to index
      %swap3A_86 = arith.index_cast %scan3A_73 : i32 to index
      %swap3A_87 = arith.constant 16 : index
      %swap3A_88 = tpu.vector_load %arg7[%swap3A_85, %swap3A_86, %swap3A_87] {strides = array<i32>} : memref<2x80x128xf32, #tpu.memory_space<vmem>>, vector<1x1x16xf32>,
      %swap3A_89 = vector.shape_cast %swap3A_88 : vector<1x1x16xf32> to vector<16xf32>
      %swap3A_90 = vector.shape_cast %broadcast_in_dim3A_83 : vector<16xf32> to vector<1x1x16xf32>
      tpu.vector_store %arg7[%swap3A_85, %swap3A_86, %swap3A_87], %swap3A_90 {strides = array<i32>} : memref<2x80x128xf32, #tpu.memory_space<vmem>>, vector<1x1x16xf32>,
      %broadcast_in_dim3A_91 = arith.constant 0.000000e+00 : f32
      %broadcast_in_dim3A_92 = vector.broadcast %broadcast_in_dim3A_91 : f32 to vector<16xf32>
      %swap3A_93 = arith.constant 0 : i32
      %swap3A_94 = arith.index_cast %swap3A_93 : i32 to index
      %swap3A_95 = arith.index_cast %scan3A_73 : i32 to index
      %swap3A_96 = arith.constant 32 : index
      %swap3A_97 = tpu.vector_load %arg7[%swap3A_94, %swap3A_95, %swap3A_96] {strides = array<i32>} : memref<2x80x128xf32, #tpu.memory_space<vmem>>, vector<1x1x16xf32>,
      %swap3A_98 = vector.shape_cast %swap3A_97 : vector<1x1x16xf32> to vector<16xf32>
      %swap3A_99 = vector.shape_cast %broadcast_in_dim3A_92 : vector<16xf32> to vector<1x1x16xf32>
      tpu.vector_store %arg7[%swap3A_94, %swap3A_95, %swap3A_96], %swap3A_99 {strides = array<i32>} : memref<2x80x128xf32, #tpu.memory_space<vmem>>, vector<1x1x16xf32>,
      %broadcast_in_dim3A_100 = arith.constant 0.000000e+00 : f32
      %broadcast_in_dim3A_101 = vector.broadcast %broadcast_in_dim3A_100 : f32 to vector<16xf32>
      %swap3A_102 = arith.constant 0 : i32
      %swap3A_103 = arith.index_cast %swap3A_102 : i32 to index
      %swap3A_104 = arith.index_cast %scan3A_73 : i32 to index
      %swap3A_105 = arith.constant 48 : index
      %swap3A_106 = tpu.vector_load %arg7[%swap3A_103, %swap3A_104, %swap3A_105] {strides = array<i32>} : memref<2x80x128xf32, #tpu.memory_space<vmem>>, vector<1x1x16xf32>,
      %swap3A_107 = vector.shape_cast %swap3A_106 : vector<1x1x16xf32> to vector<16xf32>
      %swap3A_108 = vector.shape_cast %broadcast_in_dim3A_101 : vector<16xf32> to vector<1x1x16xf32>
      tpu.vector_store %arg7[%swap3A_103, %swap3A_104, %swap3A_105], %swap3A_108 {strides = array<i32>} : memref<2x80x128xf32, #tpu.memory_space<vmem>>, vector<1x1x16xf32>,
      %broadcast_in_dim3A_109 = arith.constant 0.000000e+00 : f32
      %broadcast_in_dim3A_110 = vector.broadcast %broadcast_in_dim3A_109 : f32 to vector<16xf32>
      %swap3A_111 = arith.constant 0 : i32
      %swap3A_112 = arith.index_cast %swap3A_111 : i32 to index
      %swap3A_113 = arith.index_cast %scan3A_73 : i32 to index
      %swap3A_114 = arith.constant 64 : index
      %swap3A_115 = tpu.vector_load %arg7[%swap3A_112, %swap3A_113, %swap3A_114] {strides = array<i32>} : memref<2x80x128xf32, #tpu.memory_space<vmem>>, vector<1x1x16xf32>,
      %swap3A_116 = vector.shape_cast %swap3A_115 : vector<1x1x16xf32> to vector<16xf32>
      %swap3A_117 = vector.shape_cast %broadcast_in_dim3A_110 : vector<16xf32> to vector<1x1x16xf32>
      tpu.vector_store %arg7[%swap3A_112, %swap3A_113, %swap3A_114], %swap3A_117 {strides = array<i32>} : memref<2x80x128xf32, #tpu.memory_space<vmem>>, vector<1x1x16xf32>,
      %broadcast_in_dim3A_118 = arith.constant 0.000000e+00 : f32
      %broadcast_in_dim3A_119 = vector.broadcast %broadcast_in_dim3A_118 : f32 to vector<16xf32>
      %swap3A_120 = arith.constant 0 : i32
      %swap3A_121 = arith.index_cast %swap3A_120 : i32 to index
      %swap3A_122 = arith.index_cast %scan3A_73 : i32 to index
      %swap3A_123 = arith.constant 80 : index
      %swap3A_124 = tpu.vector_load %arg7[%swap3A_121, %swap3A_122, %swap3A_123] {strides = array<i32>} : memref<2x80x128xf32, #tpu.memory_space<vmem>>, vector<1x1x16xf32>,
      %swap3A_125 = vector.shape_cast %swap3A_124 : vector<1x1x16xf32> to vector<16xf32>
      %swap3A_126 = vector.shape_cast %broadcast_in_dim3A_119 : vector<16xf32> to vector<1x1x16xf32>
      tpu.vector_store %arg7[%swap3A_121, %swap3A_122, %swap3A_123], %swap3A_126 {strides = array<i32>} : memref<2x80x128xf32, #tpu.memory_space<vmem>>, vector<1x1x16xf32>,
      %broadcast_in_dim3A_127 = arith.constant 0.000000e+00 : f32
      %broadcast_in_dim3A_128 = vector.broadcast %broadcast_in_dim3A_127 : f32 to vector<16xf32>
      %swap3A_129 = arith.constant 0 : i32
      %swap3A_130 = arith.index_cast %swap3A_129 : i32 to index
      %swap3A_131 = arith.index_cast %scan3A_73 : i32 to index
      %swap3A_132 = arith.constant 96 : index
      %swap3A_133 = tpu.vector_load %arg7[%swap3A_130, %swap3A_131, %swap3A_132] {strides = array<i32>} : memref<2x80x128xf32, #tpu.memory_space<vmem>>, vector<1x1x16xf32>,
      %swap3A_134 = vector.shape_cast %swap3A_133 : vector<1x1x16xf32> to vector<16xf32>
      %swap3A_135 = vector.shape_cast %broadcast_in_dim3A_128 : vector<16xf32> to vector<1x1x16xf32>
      tpu.vector_store %arg7[%swap3A_130, %swap3A_131, %swap3A_132], %swap3A_135 {strides = array<i32>} : memref<2x80x128xf32, #tpu.memory_space<vmem>>, vector<1x1x16xf32>,
      %broadcast_in_dim3A_136 = arith.constant 0.000000e+00 : f32
      %broadcast_in_dim3A_137 = vector.broadcast %broadcast_in_dim3A_136 : f32 to vector<16xf32>
      %swap3A_138 = arith.constant 0 : i32
      %swap3A_139 = arith.index_cast %swap3A_138 : i32 to index
      %swap3A_140 = arith.index_cast %scan3A_73 : i32 to index
      %swap3A_141 = arith.constant 112 : index
      %swap3A_142 = tpu.vector_load %arg7[%swap3A_139, %swap3A_140, %swap3A_141] {strides = array<i32>} : memref<2x80x128xf32, #tpu.memory_space<vmem>>, vector<1x1x16xf32>,
      %swap3A_143 = vector.shape_cast %swap3A_142 : vector<1x1x16xf32> to vector<16xf32>
      %swap3A_144 = vector.shape_cast %broadcast_in_dim3A_137 : vector<16xf32> to vector<1x1x16xf32>
      tpu.vector_store %arg7[%swap3A_139, %swap3A_140, %swap3A_141], %swap3A_144 {strides = array<i32>} : memref<2x80x128xf32, #tpu.memory_space<vmem>>, vector<1x1x16xf32>,
      %scan3A_145 = arith.constant 0 : i32
      scf.yield %scan3A_145 : i32
    }
    %scan3A_8 = arith.constant 80 : i32
    %scan3A_9 = arith.constant 0 : i32
    %scan3A_10 = arith.constant 0 : i32
    %scan3A_11 = arith.constant 125 : i32
    %scan3A_12 = arith.addi %scan3A_10, %scan3A_11 : i32
    %scan3A_13 = arith.constant 1 : i32
    %scan3A_14 = scf.for %scan3A_73 = %scan3A_10 to %scan3A_12 step %scan3A_13 iter_args(%scan3A_74 = %scan3A_9) -> (i32)  : i32 {
      %get3A = arith.index_cast %scan3A_73 : i32 to index
      %get3A_75 = arith.constant 0 : index
      %get3A_76 = tpu.vector_load %arg6[%get3A, %get3A_75] {strides = array<i32>} : memref<125x80xi32, #tpu.memory_space<vmem>>, vector<1x16xi32>,
      %get3A_77 = vector.shape_cast %get3A_76 : vector<1x16xi32> to vector<16xi32>
      %and3A = arith.constant 65535 : i32
      %and3A_78 = vector.broadcast %and3A : i32 to vector<16xi32>
      %and3A_79 = arith.andi %get3A_77, %and3A_78 : vector<16xi32>
      %mul3A_80 = arith.constant 80 : i32
      %mul3A_81 = arith.muli %scan3A_73, %mul3A_80 : i32
      %add3A_82 = arith.constant 0 : i32
      %add3A_83 = arith.addi %mul3A_81, %add3A_82 : i32
      %swap3A = arith.index_cast %add3A_83 : i32 to index
      %swap3A_84 = tpu.vector_load %arg5[%swap3A] {strides = array<i32>} : memref<10000xi32, #tpu.memory_space<vmem>>, vector<16xi32>,
      %swap3A_85 = vector.shape_cast %swap3A_84 : vector<16xi32> to vector<16xi32>
      %swap3A_86 = vector.shape_cast %and3A_79 : vector<16xi32> to vector<16xi32>
      tpu.vector_store %arg5[%swap3A], %swap3A_86 {strides = array<i32>} : memref<10000xi32, #tpu.memory_space<vmem>>, vector<16xi32>,
      %shift_right_logical3A = arith.constant 16 : i32
      %shift_right_logical3A_87 = vector.broadcast %shift_right_logical3A : i32 to vector<16xi32>
      %shift_right_logical3A_88 = arith.shrui %get3A_77, %shift_right_logical3A_87 : vector<16xi32>
      %swap3A_89 = arith.index_cast %scan3A_73 : i32 to index
      %swap3A_90 = arith.constant 0 : index
      %swap3A_91 = tpu.vector_load %arg6[%swap3A_89, %swap3A_90] {strides = array<i32>} : memref<125x80xi32, #tpu.memory_space<vmem>>, vector<1x16xi32>,
      %swap3A_92 = vector.shape_cast %swap3A_91 : vector<1x16xi32> to vector<16xi32>
      %swap3A_93 = vector.shape_cast %shift_right_logical3A_88 : vector<16xi32> to vector<1x16xi32>
      tpu.vector_store %arg6[%swap3A_89, %swap3A_90], %swap3A_93 {strides = array<i32>} : memref<125x80xi32, #tpu.memory_space<vmem>>, vector<1x16xi32>,
      %get3A_94 = arith.index_cast %scan3A_73 : i32 to index
      %get3A_95 = arith.constant 16 : index
      %get3A_96 = tpu.vector_load %arg6[%get3A_94, %get3A_95] {strides = array<i32>} : memref<125x80xi32, #tpu.memory_space<vmem>>, vector<1x16xi32>,
      %get3A_97 = vector.shape_cast %get3A_96 : vector<1x16xi32> to vector<16xi32>
      %and3A_98 = arith.constant 65535 : i32
      %and3A_99 = vector.broadcast %and3A_98 : i32 to vector<16xi32>
      %and3A_100 = arith.andi %get3A_97, %and3A_99 : vector<16xi32>
      %mul3A_101 = arith.constant 80 : i32
      %mul3A_102 = arith.muli %scan3A_73, %mul3A_101 : i32
      %add3A_103 = arith.constant 16 : i32
      %add3A_104 = arith.addi %mul3A_102, %add3A_103 : i32
      %swap3A_105 = arith.index_cast %add3A_104 : i32 to index
      %swap3A_106 = tpu.vector_load %arg5[%swap3A_105] {strides = array<i32>} : memref<10000xi32, #tpu.memory_space<vmem>>, vector<16xi32>,
      %swap3A_107 = vector.shape_cast %swap3A_106 : vector<16xi32> to vector<16xi32>
      %swap3A_108 = vector.shape_cast %and3A_100 : vector<16xi32> to vector<16xi32>
      tpu.vector_store %arg5[%swap3A_105], %swap3A_108 {strides = array<i32>} : memref<10000xi32, #tpu.memory_space<vmem>>, vector<16xi32>,
      %shift_right_logical3A_109 = arith.constant 16 : i32
      %shift_right_logical3A_110 = vector.broadcast %shift_right_logical3A_109 : i32 to vector<16xi32>
      %shift_right_logical3A_111 = arith.shrui %get3A_97, %shift_right_logical3A_110 : vector<16xi32>
      %swap3A_112 = arith.index_cast %scan3A_73 : i32 to index
      %swap3A_113 = arith.constant 16 : index
      %swap3A_114 = tpu.vector_load %arg6[%swap3A_112, %swap3A_113] {strides = array<i32>} : memref<125x80xi32, #tpu.memory_space<vmem>>, vector<1x16xi32>,
      %swap3A_115 = vector.shape_cast %swap3A_114 : vector<1x16xi32> to vector<16xi32>
      %swap3A_116 = vector.shape_cast %shift_right_logical3A_111 : vector<16xi32> to vector<1x16xi32>
      tpu.vector_store %arg6[%swap3A_112, %swap3A_113], %swap3A_116 {strides = array<i32>} : memref<125x80xi32, #tpu.memory_space<vmem>>, vector<1x16xi32>,
      %get3A_117 = arith.index_cast %scan3A_73 : i32 to index
      %get3A_118 = arith.constant 32 : index
      %get3A_119 = tpu.vector_load %arg6[%get3A_117, %get3A_118] {strides = array<i32>} : memref<125x80xi32, #tpu.memory_space<vmem>>, vector<1x16xi32>,
      %get3A_120 = vector.shape_cast %get3A_119 : vector<1x16xi32> to vector<16xi32>
      %and3A_121 = arith.constant 65535 : i32
      %and3A_122 = vector.broadcast %and3A_121 : i32 to vector<16xi32>
      %and3A_123 = arith.andi %get3A_120, %and3A_122 : vector<16xi32>
      %mul3A_124 = arith.constant 80 : i32
      %mul3A_125 = arith.muli %scan3A_73, %mul3A_124 : i32
      %add3A_126 = arith.constant 32 : i32
      %add3A_127 = arith.addi %mul3A_125, %add3A_126 : i32
      %swap3A_128 = arith.index_cast %add3A_127 : i32 to index
      %swap3A_129 = tpu.vector_load %arg5[%swap3A_128] {strides = array<i32>} : memref<10000xi32, #tpu.memory_space<vmem>>, vector<16xi32>,
      %swap3A_130 = vector.shape_cast %swap3A_129 : vector<16xi32> to vector<16xi32>
      %swap3A_131 = vector.shape_cast %and3A_123 : vector<16xi32> to vector<16xi32>
      tpu.vector_store %arg5[%swap3A_128], %swap3A_131 {strides = array<i32>} : memref<10000xi32, #tpu.memory_space<vmem>>, vector<16xi32>,
      %shift_right_logical3A_132 = arith.constant 16 : i32
      %shift_right_logical3A_133 = vector.broadcast %shift_right_logical3A_132 : i32 to vector<16xi32>
      %shift_right_logical3A_134 = arith.shrui %get3A_120, %shift_right_logical3A_133 : vector<16xi32>
      %swap3A_135 = arith.index_cast %scan3A_73 : i32 to index
      %swap3A_136 = arith.constant 32 : index
      %swap3A_137 = tpu.vector_load %arg6[%swap3A_135, %swap3A_136] {strides = array<i32>} : memref<125x80xi32, #tpu.memory_space<vmem>>, vector<1x16xi32>,
      %swap3A_138 = vector.shape_cast %swap3A_137 : vector<1x16xi32> to vector<16xi32>
      %swap3A_139 = vector.shape_cast %shift_right_logical3A_134 : vector<16xi32> to vector<1x16xi32>
      tpu.vector_store %arg6[%swap3A_135, %swap3A_136], %swap3A_139 {strides = array<i32>} : memref<125x80xi32, #tpu.memory_space<vmem>>, vector<1x16xi32>,
      %get3A_140 = arith.index_cast %scan3A_73 : i32 to index
      %get3A_141 = arith.constant 48 : index
      %get3A_142 = tpu.vector_load %arg6[%get3A_140, %get3A_141] {strides = array<i32>} : memref<125x80xi32, #tpu.memory_space<vmem>>, vector<1x16xi32>,
      %get3A_143 = vector.shape_cast %get3A_142 : vector<1x16xi32> to vector<16xi32>
      %and3A_144 = arith.constant 65535 : i32
      %and3A_145 = vector.broadcast %and3A_144 : i32 to vector<16xi32>
      %and3A_146 = arith.andi %get3A_143, %and3A_145 : vector<16xi32>
      %mul3A_147 = arith.constant 80 : i32
      %mul3A_148 = arith.muli %scan3A_73, %mul3A_147 : i32
      %add3A_149 = arith.constant 48 : i32
      %add3A_150 = arith.addi %mul3A_148, %add3A_149 : i32
      %swap3A_151 = arith.index_cast %add3A_150 : i32 to index
      %swap3A_152 = tpu.vector_load %arg5[%swap3A_151] {strides = array<i32>} : memref<10000xi32, #tpu.memory_space<vmem>>, vector<16xi32>,
      %swap3A_153 = vector.shape_cast %swap3A_152 : vector<16xi32> to vector<16xi32>
      %swap3A_154 = vector.shape_cast %and3A_146 : vector<16xi32> to vector<16xi32>
      tpu.vector_store %arg5[%swap3A_151], %swap3A_154 {strides = array<i32>} : memref<10000xi32, #tpu.memory_space<vmem>>, vector<16xi32>,
      %shift_right_logical3A_155 = arith.constant 16 : i32
      %shift_right_logical3A_156 = vector.broadcast %shift_right_logical3A_155 : i32 to vector<16xi32>
      %shift_right_logical3A_157 = arith.shrui %get3A_143, %shift_right_logical3A_156 : vector<16xi32>
      %swap3A_158 = arith.index_cast %scan3A_73 : i32 to index
      %swap3A_159 = arith.constant 48 : index
      %swap3A_160 = tpu.vector_load %arg6[%swap3A_158, %swap3A_159] {strides = array<i32>} : memref<125x80xi32, #tpu.memory_space<vmem>>, vector<1x16xi32>,
      %swap3A_161 = vector.shape_cast %swap3A_160 : vector<1x16xi32> to vector<16xi32>
      %swap3A_162 = vector.shape_cast %shift_right_logical3A_157 : vector<16xi32> to vector<1x16xi32>
      tpu.vector_store %arg6[%swap3A_158, %swap3A_159], %swap3A_162 {strides = array<i32>} : memref<125x80xi32, #tpu.memory_space<vmem>>, vector<1x16xi32>,
      %get3A_163 = arith.index_cast %scan3A_73 : i32 to index
      %get3A_164 = arith.constant 64 : index
      %get3A_165 = tpu.vector_load %arg6[%get3A_163, %get3A_164] {strides = array<i32>} : memref<125x80xi32, #tpu.memory_space<vmem>>, vector<1x16xi32>,
      %get3A_166 = vector.shape_cast %get3A_165 : vector<1x16xi32> to vector<16xi32>
      %and3A_167 = arith.constant 65535 : i32
      %and3A_168 = vector.broadcast %and3A_167 : i32 to vector<16xi32>
      %and3A_169 = arith.andi %get3A_166, %and3A_168 : vector<16xi32>
      %mul3A_170 = arith.constant 80 : i32
      %mul3A_171 = arith.muli %scan3A_73, %mul3A_170 : i32
      %add3A_172 = arith.constant 64 : i32
      %add3A_173 = arith.addi %mul3A_171, %add3A_172 : i32
      %swap3A_174 = arith.index_cast %add3A_173 : i32 to index
      %swap3A_175 = tpu.vector_load %arg5[%swap3A_174] {strides = array<i32>} : memref<10000xi32, #tpu.memory_space<vmem>>, vector<16xi32>,
      %swap3A_176 = vector.shape_cast %swap3A_175 : vector<16xi32> to vector<16xi32>
      %swap3A_177 = vector.shape_cast %and3A_169 : vector<16xi32> to vector<16xi32>
      tpu.vector_store %arg5[%swap3A_174], %swap3A_177 {strides = array<i32>} : memref<10000xi32, #tpu.memory_space<vmem>>, vector<16xi32>,
      %shift_right_logical3A_178 = arith.constant 16 : i32
      %shift_right_logical3A_179 = vector.broadcast %shift_right_logical3A_178 : i32 to vector<16xi32>
      %shift_right_logical3A_180 = arith.shrui %get3A_166, %shift_right_logical3A_179 : vector<16xi32>
      %swap3A_181 = arith.index_cast %scan3A_73 : i32 to index
      %swap3A_182 = arith.constant 64 : index
      %swap3A_183 = tpu.vector_load %arg6[%swap3A_181, %swap3A_182] {strides = array<i32>} : memref<125x80xi32, #tpu.memory_space<vmem>>, vector<1x16xi32>,
      %swap3A_184 = vector.shape_cast %swap3A_183 : vector<1x16xi32> to vector<16xi32>
      %swap3A_185 = vector.shape_cast %shift_right_logical3A_180 : vector<16xi32> to vector<1x16xi32>
      tpu.vector_store %arg6[%swap3A_181, %swap3A_182], %swap3A_185 {strides = array<i32>} : memref<125x80xi32, #tpu.memory_space<vmem>>, vector<1x16xi32>,
      %scan3A_186 = arith.constant 0 : i32
      scf.yield %scan3A_186 : i32
    }
    %scan3A_15 = arith.constant 125 : i32
    %add3A_16 = arith.constant 0 : i32
    %add3A_17 = arith.addi %mul3A_2, %add3A_16 : i32
    %run_scoped3A = arith.constant 0 : i32
    "tpu.region"() ({
      %run_scoped3A_73 = tpu.sem_alloc : memref<!tpu.dma_semaphore, #tpu.memory_space<semaphore_mem>>
      %dma_start3A_74 = arith.constant 0 : i32
      %dma_start3A_75 = arith.constant 0 : i32
      %dma_start3A_76 = tpu.memref_slice %arg7[%run_scoped3A, %dma_start3A_74, %dma_start3A_75] : memref<2x80x128xf32, #tpu.memory_space<vmem>> -> memref<1x80x128xf32, #tpu.memory_space<vmem>>
      %dma_start3A_77 = tpu.memref_squeeze %dma_start3A_76 : memref<1x80x128xf32, #tpu.memory_space<vmem>> -> memref<80x128xf32, #tpu.memory_space<vmem>>
      %dma_start3A_78 = arith.constant 0 : i32
      %dma_start3A_79 = tpu.memref_slice %arg8[%add3A_17, %dma_start3A_78] : memref<10240x128xf32, #tpu.memory_space<vmem_shared>> -> memref<80x128xf32, #tpu.memory_space<vmem_shared>>
      %dma_start3A_80 = arith.constant 0 : i32
      %dma_start3A_81 = tpu.memref_slice %arg8[%add3A_17, %dma_start3A_80] : memref<10240x128xf32, #tpu.memory_space<vmem_shared>> -> memref<80x128xf32, #tpu.memory_space<vmem_shared>>
      %dma_start3A_82 = arith.constant 0 : i32
      %dma_start3A_83 = arith.constant 0 : i32
      %dma_start3A_84 = tpu.memref_slice %arg7[%run_scoped3A, %dma_start3A_82, %dma_start3A_83] : memref<2x80x128xf32, #tpu.memory_space<vmem>> -> memref<1x80x128xf32, #tpu.memory_space<vmem>>
      %dma_start3A_85 = tpu.memref_squeeze %dma_start3A_84 : memref<1x80x128xf32, #tpu.memory_space<vmem>> -> memref<80x128xf32, #tpu.memory_space<vmem>>
      tpu.enqueue_dma source(%dma_start3A_85 : memref<80x128xf32, #tpu.memory_space<vmem>>) target(%dma_start3A_81 : memref<80x128xf32, #tpu.memory_space<vmem_shared>>) target_semaphore(%run_scoped3A_73 : memref<!tpu.dma_semaphore, #tpu.memory_space<semaphore_mem>>)
      %dma_wait3A_86 = arith.constant 0 : i32
      %dma_wait3A_87 = arith.constant 0 : i32
      %dma_wait3A_88 = tpu.memref_slice %arg7[%run_scoped3A, %dma_wait3A_86, %dma_wait3A_87] : memref<2x80x128xf32, #tpu.memory_space<vmem>> -> memref<1x80x128xf32, #tpu.memory_space<vmem>>
      %dma_wait3A_89 = tpu.memref_squeeze %dma_wait3A_88 : memref<1x80x128xf32, #tpu.memory_space<vmem>> -> memref<80x128xf32, #tpu.memory_space<vmem>>
      %dma_wait3A_90 = arith.constant 0 : i32
      %dma_wait3A_91 = tpu.memref_slice %arg8[%add3A_17, %dma_wait3A_90] : memref<10240x128xf32, #tpu.memory_space<vmem_shared>> -> memref<80x128xf32, #tpu.memory_space<vmem_shared>>
      %dma_wait3A_92 = arith.constant 0 : i32
      %dma_wait3A_93 = tpu.memref_slice %arg8[%add3A_17, %dma_wait3A_92] : memref<10240x128xf32, #tpu.memory_space<vmem_shared>> -> memref<80x128xf32, #tpu.memory_space<vmem_shared>>
      %dma_wait3A_94 = arith.constant 0 : i32
      %dma_wait3A_95 = arith.constant 0 : i32
      %dma_wait3A_96 = tpu.memref_slice %arg7[%run_scoped3A, %dma_wait3A_94, %dma_wait3A_95] : memref<2x80x128xf32, #tpu.memory_space<vmem>> -> memref<1x80x128xf32, #tpu.memory_space<vmem>>
      %dma_wait3A_97 = tpu.memref_squeeze %dma_wait3A_96 : memref<1x80x128xf32, #tpu.memory_space<vmem>> -> memref<80x128xf32, #tpu.memory_space<vmem>>
      tpu.wait_dma2 semaphore(%run_scoped3A_73 : memref<!tpu.dma_semaphore, #tpu.memory_space<semaphore_mem>>) src(%dma_wait3A_97 : memref<80x128xf32, #tpu.memory_space<vmem>>) dst(%dma_wait3A_93 : memref<80x128xf32, #tpu.memory_space<vmem_shared>>)
      tpu.yield
    }) : () -> ()
    %add3A_18 = arith.constant 80 : i32
    %add3A_19 = arith.addi %mul3A_2, %add3A_18 : i32
    %run_scoped3A_20 = arith.constant 0 : i32
    "tpu.region"() ({
      %run_scoped3A_73 = tpu.sem_alloc : memref<!tpu.dma_semaphore, #tpu.memory_space<semaphore_mem>>
      %dma_start3A_74 = arith.constant 0 : i32
      %dma_start3A_75 = arith.constant 0 : i32
      %dma_start3A_76 = tpu.memref_slice %arg7[%run_scoped3A_20, %dma_start3A_74, %dma_start3A_75] : memref<2x80x128xf32, #tpu.memory_space<vmem>> -> memref<1x80x128xf32, #tpu.memory_space<vmem>>
      %dma_start3A_77 = tpu.memref_squeeze %dma_start3A_76 : memref<1x80x128xf32, #tpu.memory_space<vmem>> -> memref<80x128xf32, #tpu.memory_space<vmem>>
      %dma_start3A_78 = arith.constant 0 : i32
      %dma_start3A_79 = tpu.memref_slice %arg8[%add3A_19, %dma_start3A_78] : memref<10240x128xf32, #tpu.memory_space<vmem_shared>> -> memref<80x128xf32, #tpu.memory_space<vmem_shared>>
      %dma_start3A_80 = arith.constant 0 : i32
      %dma_start3A_81 = tpu.memref_slice %arg8[%add3A_19, %dma_start3A_80] : memref<10240x128xf32, #tpu.memory_space<vmem_shared>> -> memref<80x128xf32, #tpu.memory_space<vmem_shared>>
      %dma_start3A_82 = arith.constant 0 : i32
      %dma_start3A_83 = arith.constant 0 : i32
      %dma_start3A_84 = tpu.memref_slice %arg7[%run_scoped3A_20, %dma_start3A_82, %dma_start3A_83] : memref<2x80x128xf32, #tpu.memory_space<vmem>> -> memref<1x80x128xf32, #tpu.memory_space<vmem>>
      %dma_start3A_85 = tpu.memref_squeeze %dma_start3A_84 : memref<1x80x128xf32, #tpu.memory_space<vmem>> -> memref<80x128xf32, #tpu.memory_space<vmem>>
      tpu.enqueue_dma source(%dma_start3A_85 : memref<80x128xf32, #tpu.memory_space<vmem>>) target(%dma_start3A_81 : memref<80x128xf32, #tpu.memory_space<vmem_shared>>) target_semaphore(%run_scoped3A_73 : memref<!tpu.dma_semaphore, #tpu.memory_space<semaphore_mem>>)
      %dma_wait3A_86 = arith.constant 0 : i32
      %dma_wait3A_87 = arith.constant 0 : i32
      %dma_wait3A_88 = tpu.memref_slice %arg7[%run_scoped3A_20, %dma_wait3A_86, %dma_wait3A_87] : memref<2x80x128xf32, #tpu.memory_space<vmem>> -> memref<1x80x128xf32, #tpu.memory_space<vmem>>
      %dma_wait3A_89 = tpu.memref_squeeze %dma_wait3A_88 : memref<1x80x128xf32, #tpu.memory_space<vmem>> -> memref<80x128xf32, #tpu.memory_space<vmem>>
      %dma_wait3A_90 = arith.constant 0 : i32
      %dma_wait3A_91 = tpu.memref_slice %arg8[%add3A_19, %dma_wait3A_90] : memref<10240x128xf32, #tpu.memory_space<vmem_shared>> -> memref<80x128xf32, #tpu.memory_space<vmem_shared>>
      %dma_wait3A_92 = arith.constant 0 : i32
      %dma_wait3A_93 = tpu.memref_slice %arg8[%add3A_19, %dma_wait3A_92] : memref<10240x128xf32, #tpu.memory_space<vmem_shared>> -> memref<80x128xf32, #tpu.memory_space<vmem_shared>>
      %dma_wait3A_94 = arith.constant 0 : i32
      %dma_wait3A_95 = arith.constant 0 : i32
      %dma_wait3A_96 = tpu.memref_slice %arg7[%run_scoped3A_20, %dma_wait3A_94, %dma_wait3A_95] : memref<2x80x128xf32, #tpu.memory_space<vmem>> -> memref<1x80x128xf32, #tpu.memory_space<vmem>>
      %dma_wait3A_97 = tpu.memref_squeeze %dma_wait3A_96 : memref<1x80x128xf32, #tpu.memory_space<vmem>> -> memref<80x128xf32, #tpu.memory_space<vmem>>
      tpu.wait_dma2 semaphore(%run_scoped3A_73 : memref<!tpu.dma_semaphore, #tpu.memory_space<semaphore_mem>>) src(%dma_wait3A_97 : memref<80x128xf32, #tpu.memory_space<vmem>>) dst(%dma_wait3A_93 : memref<80x128xf32, #tpu.memory_space<vmem_shared>>)
      tpu.yield
    }) : () -> ()
    %add3A_21 = arith.constant 160 : i32
    %add3A_22 = arith.addi %mul3A_2, %add3A_21 : i32
    %run_scoped3A_23 = arith.constant 0 : i32
    "tpu.region"() ({
      %run_scoped3A_73 = tpu.sem_alloc : memref<!tpu.dma_semaphore, #tpu.memory_space<semaphore_mem>>
      %dma_start3A_74 = arith.constant 0 : i32
      %dma_start3A_75 = arith.constant 0 : i32
      %dma_start3A_76 = tpu.memref_slice %arg7[%run_scoped3A_23, %dma_start3A_74, %dma_start3A_75] : memref<2x80x128xf32, #tpu.memory_space<vmem>> -> memref<1x80x128xf32, #tpu.memory_space<vmem>>
      %dma_start3A_77 = tpu.memref_squeeze %dma_start3A_76 : memref<1x80x128xf32, #tpu.memory_space<vmem>> -> memref<80x128xf32, #tpu.memory_space<vmem>>
      %dma_start3A_78 = arith.constant 0 : i32
      %dma_start3A_79 = tpu.memref_slice %arg8[%add3A_22, %dma_start3A_78] : memref<10240x128xf32, #tpu.memory_space<vmem_shared>> -> memref<80x128xf32, #tpu.memory_space<vmem_shared>>
      %dma_start3A_80 = arith.constant 0 : i32
      %dma_start3A_81 = tpu.memref_slice %arg8[%add3A_22, %dma_start3A_80] : memref<10240x128xf32, #tpu.memory_space<vmem_shared>> -> memref<80x128xf32, #tpu.memory_space<vmem_shared>>
      %dma_start3A_82 = arith.constant 0 : i32
      %dma_start3A_83 = arith.constant 0 : i32
      %dma_start3A_84 = tpu.memref_slice %arg7[%run_scoped3A_23, %dma_start3A_82, %dma_start3A_83] : memref<2x80x128xf32, #tpu.memory_space<vmem>> -> memref<1x80x128xf32, #tpu.memory_space<vmem>>
      %dma_start3A_85 = tpu.memref_squeeze %dma_start3A_84 : memref<1x80x128xf32, #tpu.memory_space<vmem>> -> memref<80x128xf32, #tpu.memory_space<vmem>>
      tpu.enqueue_dma source(%dma_start3A_85 : memref<80x128xf32, #tpu.memory_space<vmem>>) target(%dma_start3A_81 : memref<80x128xf32, #tpu.memory_space<vmem_shared>>) target_semaphore(%run_scoped3A_73 : memref<!tpu.dma_semaphore, #tpu.memory_space<semaphore_mem>>)
      %dma_wait3A_86 = arith.constant 0 : i32
      %dma_wait3A_87 = arith.constant 0 : i32
      %dma_wait3A_88 = tpu.memref_slice %arg7[%run_scoped3A_23, %dma_wait3A_86, %dma_wait3A_87] : memref<2x80x128xf32, #tpu.memory_space<vmem>> -> memref<1x80x128xf32, #tpu.memory_space<vmem>>
      %dma_wait3A_89 = tpu.memref_squeeze %dma_wait3A_88 : memref<1x80x128xf32, #tpu.memory_space<vmem>> -> memref<80x128xf32, #tpu.memory_space<vmem>>
      %dma_wait3A_90 = arith.constant 0 : i32
      %dma_wait3A_91 = tpu.memref_slice %arg8[%add3A_22, %dma_wait3A_90] : memref<10240x128xf32, #tpu.memory_space<vmem_shared>> -> memref<80x128xf32, #tpu.memory_space<vmem_shared>>
      %dma_wait3A_92 = arith.constant 0 : i32
      %dma_wait3A_93 = tpu.memref_slice %arg8[%add3A_22, %dma_wait3A_92] : memref<10240x128xf32, #tpu.memory_space<vmem_shared>> -> memref<80x128xf32, #tpu.memory_space<vmem_shared>>
      %dma_wait3A_94 = arith.constant 0 : i32
      %dma_wait3A_95 = arith.constant 0 : i32
      %dma_wait3A_96 = tpu.memref_slice %arg7[%run_scoped3A_23, %dma_wait3A_94, %dma_wait3A_95] : memref<2x80x128xf32, #tpu.memory_space<vmem>> -> memref<1x80x128xf32, #tpu.memory_space<vmem>>
      %dma_wait3A_97 = tpu.memref_squeeze %dma_wait3A_96 : memref<1x80x128xf32, #tpu.memory_space<vmem>> -> memref<80x128xf32, #tpu.memory_space<vmem>>
      tpu.wait_dma2 semaphore(%run_scoped3A_73 : memref<!tpu.dma_semaphore, #tpu.memory_space<semaphore_mem>>) src(%dma_wait3A_97 : memref<80x128xf32, #tpu.memory_space<vmem>>) dst(%dma_wait3A_93 : memref<80x128xf32, #tpu.memory_space<vmem_shared>>)
      tpu.yield
    }) : () -> ()
    %add3A_24 = arith.constant 240 : i32
    %add3A_25 = arith.addi %mul3A_2, %add3A_24 : i32
    %run_scoped3A_26 = arith.constant 0 : i32
    "tpu.region"() ({
      %run_scoped3A_73 = tpu.sem_alloc : memref<!tpu.dma_semaphore, #tpu.memory_space<semaphore_mem>>
      %dma_start3A_74 = arith.constant 0 : i32
      %dma_start3A_75 = arith.constant 0 : i32
      %dma_start3A_76 = tpu.memref_slice %arg7[%run_scoped3A_26, %dma_start3A_74, %dma_start3A_75] : memref<2x80x128xf32, #tpu.memory_space<vmem>> -> memref<1x80x128xf32, #tpu.memory_space<vmem>>
      %dma_start3A_77 = tpu.memref_squeeze %dma_start3A_76 : memref<1x80x128xf32, #tpu.memory_space<vmem>> -> memref<80x128xf32, #tpu.memory_space<vmem>>
      %dma_start3A_78 = arith.constant 0 : i32
      %dma_start3A_79 = tpu.memref_slice %arg8[%add3A_25, %dma_start3A_78] : memref<10240x128xf32, #tpu.memory_space<vmem_shared>> -> memref<80x128xf32, #tpu.memory_space<vmem_shared>>
      %dma_start3A_80 = arith.constant 0 : i32
      %dma_start3A_81 = tpu.memref_slice %arg8[%add3A_25, %dma_start3A_80] : memref<10240x128xf32, #tpu.memory_space<vmem_shared>> -> memref<80x128xf32, #tpu.memory_space<vmem_shared>>
      %dma_start3A_82 = arith.constant 0 : i32
      %dma_start3A_83 = arith.constant 0 : i32
      %dma_start3A_84 = tpu.memref_slice %arg7[%run_scoped3A_26, %dma_start3A_82, %dma_start3A_83] : memref<2x80x128xf32, #tpu.memory_space<vmem>> -> memref<1x80x128xf32, #tpu.memory_space<vmem>>
      %dma_start3A_85 = tpu.memref_squeeze %dma_start3A_84 : memref<1x80x128xf32, #tpu.memory_space<vmem>> -> memref<80x128xf32, #tpu.memory_space<vmem>>
      tpu.enqueue_dma source(%dma_start3A_85 : memref<80x128xf32, #tpu.memory_space<vmem>>) target(%dma_start3A_81 : memref<80x128xf32, #tpu.memory_space<vmem_shared>>) target_semaphore(%run_scoped3A_73 : memref<!tpu.dma_semaphore, #tpu.memory_space<semaphore_mem>>)
      %dma_wait3A_86 = arith.constant 0 : i32
      %dma_wait3A_87 = arith.constant 0 : i32
      %dma_wait3A_88 = tpu.memref_slice %arg7[%run_scoped3A_26, %dma_wait3A_86, %dma_wait3A_87] : memref<2x80x128xf32, #tpu.memory_space<vmem>> -> memref<1x80x128xf32, #tpu.memory_space<vmem>>
      %dma_wait3A_89 = tpu.memref_squeeze %dma_wait3A_88 : memref<1x80x128xf32, #tpu.memory_space<vmem>> -> memref<80x128xf32, #tpu.memory_space<vmem>>
      %dma_wait3A_90 = arith.constant 0 : i32
      %dma_wait3A_91 = tpu.memref_slice %arg8[%add3A_25, %dma_wait3A_90] : memref<10240x128xf32, #tpu.memory_space<vmem_shared>> -> memref<80x128xf32, #tpu.memory_space<vmem_shared>>
      %dma_wait3A_92 = arith.constant 0 : i32
      %dma_wait3A_93 = tpu.memref_slice %arg8[%add3A_25, %dma_wait3A_92] : memref<10240x128xf32, #tpu.memory_space<vmem_shared>> -> memref<80x128xf32, #tpu.memory_space<vmem_shared>>
      %dma_wait3A_94 = arith.constant 0 : i32
      %dma_wait3A_95 = arith.constant 0 : i32
      %dma_wait3A_96 = tpu.memref_slice %arg7[%run_scoped3A_26, %dma_wait3A_94, %dma_wait3A_95] : memref<2x80x128xf32, #tpu.memory_space<vmem>> -> memref<1x80x128xf32, #tpu.memory_space<vmem>>
      %dma_wait3A_97 = tpu.memref_squeeze %dma_wait3A_96 : memref<1x80x128xf32, #tpu.memory_space<vmem>> -> memref<80x128xf32, #tpu.memory_space<vmem>>
      tpu.wait_dma2 semaphore(%run_scoped3A_73 : memref<!tpu.dma_semaphore, #tpu.memory_space<semaphore_mem>>) src(%dma_wait3A_97 : memref<80x128xf32, #tpu.memory_space<vmem>>) dst(%dma_wait3A_93 : memref<80x128xf32, #tpu.memory_space<vmem_shared>>)
      tpu.yield
    }) : () -> ()
    %add3A_27 = arith.constant 320 : i32
    %add3A_28 = arith.addi %mul3A_2, %add3A_27 : i32
    %run_scoped3A_29 = arith.constant 0 : i32
    "tpu.region"() ({
      %run_scoped3A_73 = tpu.sem_alloc : memref<!tpu.dma_semaphore, #tpu.memory_space<semaphore_mem>>
      %dma_start3A_74 = arith.constant 0 : i32
      %dma_start3A_75 = arith.constant 0 : i32
      %dma_start3A_76 = tpu.memref_slice %arg7[%run_scoped3A_29, %dma_start3A_74, %dma_start3A_75] : memref<2x80x128xf32, #tpu.memory_space<vmem>> -> memref<1x80x128xf32, #tpu.memory_space<vmem>>
      %dma_start3A_77 = tpu.memref_squeeze %dma_start3A_76 : memref<1x80x128xf32, #tpu.memory_space<vmem>> -> memref<80x128xf32, #tpu.memory_space<vmem>>
      %dma_start3A_78 = arith.constant 0 : i32
      %dma_start3A_79 = tpu.memref_slice %arg8[%add3A_28, %dma_start3A_78] : memref<10240x128xf32, #tpu.memory_space<vmem_shared>> -> memref<80x128xf32, #tpu.memory_space<vmem_shared>>
      %dma_start3A_80 = arith.constant 0 : i32
      %dma_start3A_81 = tpu.memref_slice %arg8[%add3A_28, %dma_start3A_80] : memref<10240x128xf32, #tpu.memory_space<vmem_shared>> -> memref<80x128xf32, #tpu.memory_space<vmem_shared>>
      %dma_start3A_82 = arith.constant 0 : i32
      %dma_start3A_83 = arith.constant 0 : i32
      %dma_start3A_84 = tpu.memref_slice %arg7[%run_scoped3A_29, %dma_start3A_82, %dma_start3A_83] : memref<2x80x128xf32, #tpu.memory_space<vmem>> -> memref<1x80x128xf32, #tpu.memory_space<vmem>>
      %dma_start3A_85 = tpu.memref_squeeze %dma_start3A_84 : memref<1x80x128xf32, #tpu.memory_space<vmem>> -> memref<80x128xf32, #tpu.memory_space<vmem>>
      tpu.enqueue_dma source(%dma_start3A_85 : memref<80x128xf32, #tpu.memory_space<vmem>>) target(%dma_start3A_81 : memref<80x128xf32, #tpu.memory_space<vmem_shared>>) target_semaphore(%run_scoped3A_73 : memref<!tpu.dma_semaphore, #tpu.memory_space<semaphore_mem>>)
      %dma_wait3A_86 = arith.constant 0 : i32
      %dma_wait3A_87 = arith.constant 0 : i32
      %dma_wait3A_88 = tpu.memref_slice %arg7[%run_scoped3A_29, %dma_wait3A_86, %dma_wait3A_87] : memref<2x80x128xf32, #tpu.memory_space<vmem>> -> memref<1x80x128xf32, #tpu.memory_space<vmem>>
      %dma_wait3A_89 = tpu.memref_squeeze %dma_wait3A_88 : memref<1x80x128xf32, #tpu.memory_space<vmem>> -> memref<80x128xf32, #tpu.memory_space<vmem>>
      %dma_wait3A_90 = arith.constant 0 : i32
      %dma_wait3A_91 = tpu.memref_slice %arg8[%add3A_28, %dma_wait3A_90] : memref<10240x128xf32, #tpu.memory_space<vmem_shared>> -> memref<80x128xf32, #tpu.memory_space<vmem_shared>>
      %dma_wait3A_92 = arith.constant 0 : i32
      %dma_wait3A_93 = tpu.memref_slice %arg8[%add3A_28, %dma_wait3A_92] : memref<10240x128xf32, #tpu.memory_space<vmem_shared>> -> memref<80x128xf32, #tpu.memory_space<vmem_shared>>
      %dma_wait3A_94 = arith.constant 0 : i32
      %dma_wait3A_95 = arith.constant 0 : i32
      %dma_wait3A_96 = tpu.memref_slice %arg7[%run_scoped3A_29, %dma_wait3A_94, %dma_wait3A_95] : memref<2x80x128xf32, #tpu.memory_space<vmem>> -> memref<1x80x128xf32, #tpu.memory_space<vmem>>
      %dma_wait3A_97 = tpu.memref_squeeze %dma_wait3A_96 : memref<1x80x128xf32, #tpu.memory_space<vmem>> -> memref<80x128xf32, #tpu.memory_space<vmem>>
      tpu.wait_dma2 semaphore(%run_scoped3A_73 : memref<!tpu.dma_semaphore, #tpu.memory_space<semaphore_mem>>) src(%dma_wait3A_97 : memref<80x128xf32, #tpu.memory_space<vmem>>) dst(%dma_wait3A_93 : memref<80x128xf32, #tpu.memory_space<vmem_shared>>)
      tpu.yield
    }) : () -> ()
    %add3A_30 = arith.constant 400 : i32
    %add3A_31 = arith.addi %mul3A_2, %add3A_30 : i32
    %run_scoped3A_32 = arith.constant 0 : i32
    "tpu.region"() ({
      %run_scoped3A_73 = tpu.sem_alloc : memref<!tpu.dma_semaphore, #tpu.memory_space<semaphore_mem>>
      %dma_start3A_74 = arith.constant 0 : i32
      %dma_start3A_75 = arith.constant 0 : i32
      %dma_start3A_76 = tpu.memref_slice %arg7[%run_scoped3A_32, %dma_start3A_74, %dma_start3A_75] : memref<2x80x128xf32, #tpu.memory_space<vmem>> -> memref<1x80x128xf32, #tpu.memory_space<vmem>>
      %dma_start3A_77 = tpu.memref_squeeze %dma_start3A_76 : memref<1x80x128xf32, #tpu.memory_space<vmem>> -> memref<80x128xf32, #tpu.memory_space<vmem>>
      %dma_start3A_78 = arith.constant 0 : i32
      %dma_start3A_79 = tpu.memref_slice %arg8[%add3A_31, %dma_start3A_78] : memref<10240x128xf32, #tpu.memory_space<vmem_shared>> -> memref<80x128xf32, #tpu.memory_space<vmem_shared>>
      %dma_start3A_80 = arith.constant 0 : i32
      %dma_start3A_81 = tpu.memref_slice %arg8[%add3A_31, %dma_start3A_80] : memref<10240x128xf32, #tpu.memory_space<vmem_shared>> -> memref<80x128xf32, #tpu.memory_space<vmem_shared>>
      %dma_start3A_82 = arith.constant 0 : i32
      %dma_start3A_83 = arith.constant 0 : i32
      %dma_start3A_84 = tpu.memref_slice %arg7[%run_scoped3A_32, %dma_start3A_82, %dma_start3A_83] : memref<2x80x128xf32, #tpu.memory_space<vmem>> -> memref<1x80x128xf32, #tpu.memory_space<vmem>>
      %dma_start3A_85 = tpu.memref_squeeze %dma_start3A_84 : memref<1x80x128xf32, #tpu.memory_space<vmem>> -> memref<80x128xf32, #tpu.memory_space<vmem>>
      tpu.enqueue_dma source(%dma_start3A_85 : memref<80x128xf32, #tpu.memory_space<vmem>>) target(%dma_start3A_81 : memref<80x128xf32, #tpu.memory_space<vmem_shared>>) target_semaphore(%run_scoped3A_73 : memref<!tpu.dma_semaphore, #tpu.memory_space<semaphore_mem>>)
      %dma_wait3A_86 = arith.constant 0 : i32
      %dma_wait3A_87 = arith.constant 0 : i32
      %dma_wait3A_88 = tpu.memref_slice %arg7[%run_scoped3A_32, %dma_wait3A_86, %dma_wait3A_87] : memref<2x80x128xf32, #tpu.memory_space<vmem>> -> memref<1x80x128xf32, #tpu.memory_space<vmem>>
      %dma_wait3A_89 = tpu.memref_squeeze %dma_wait3A_88 : memref<1x80x128xf32, #tpu.memory_space<vmem>> -> memref<80x128xf32, #tpu.memory_space<vmem>>
      %dma_wait3A_90 = arith.constant 0 : i32
      %dma_wait3A_91 = tpu.memref_slice %arg8[%add3A_31, %dma_wait3A_90] : memref<10240x128xf32, #tpu.memory_space<vmem_shared>> -> memref<80x128xf32, #tpu.memory_space<vmem_shared>>
      %dma_wait3A_92 = arith.constant 0 : i32
      %dma_wait3A_93 = tpu.memref_slice %arg8[%add3A_31, %dma_wait3A_92] : memref<10240x128xf32, #tpu.memory_space<vmem_shared>> -> memref<80x128xf32, #tpu.memory_space<vmem_shared>>
      %dma_wait3A_94 = arith.constant 0 : i32
      %dma_wait3A_95 = arith.constant 0 : i32
      %dma_wait3A_96 = tpu.memref_slice %arg7[%run_scoped3A_32, %dma_wait3A_94, %dma_wait3A_95] : memref<2x80x128xf32, #tpu.memory_space<vmem>> -> memref<1x80x128xf32, #tpu.memory_space<vmem>>
      %dma_wait3A_97 = tpu.memref_squeeze %dma_wait3A_96 : memref<1x80x128xf32, #tpu.memory_space<vmem>> -> memref<80x128xf32, #tpu.memory_space<vmem>>
      tpu.wait_dma2 semaphore(%run_scoped3A_73 : memref<!tpu.dma_semaphore, #tpu.memory_space<semaphore_mem>>) src(%dma_wait3A_97 : memref<80x128xf32, #tpu.memory_space<vmem>>) dst(%dma_wait3A_93 : memref<80x128xf32, #tpu.memory_space<vmem_shared>>)
      tpu.yield
    }) : () -> ()
    %add3A_33 = arith.constant 480 : i32
    %add3A_34 = arith.addi %mul3A_2, %add3A_33 : i32
    %run_scoped3A_35 = arith.constant 0 : i32
    "tpu.region"() ({
      %run_scoped3A_73 = tpu.sem_alloc : memref<!tpu.dma_semaphore, #tpu.memory_space<semaphore_mem>>
      %dma_start3A_74 = arith.constant 0 : i32
      %dma_start3A_75 = arith.constant 0 : i32
      %dma_start3A_76 = tpu.memref_slice %arg7[%run_scoped3A_35, %dma_start3A_74, %dma_start3A_75] : memref<2x80x128xf32, #tpu.memory_space<vmem>> -> memref<1x80x128xf32, #tpu.memory_space<vmem>>
      %dma_start3A_77 = tpu.memref_squeeze %dma_start3A_76 : memref<1x80x128xf32, #tpu.memory_space<vmem>> -> memref<80x128xf32, #tpu.memory_space<vmem>>
      %dma_start3A_78 = arith.constant 0 : i32
      %dma_start3A_79 = tpu.memref_slice %arg8[%add3A_34, %dma_start3A_78] : memref<10240x128xf32, #tpu.memory_space<vmem_shared>> -> memref<80x128xf32, #tpu.memory_space<vmem_shared>>
      %dma_start3A_80 = arith.constant 0 : i32
      %dma_start3A_81 = tpu.memref_slice %arg8[%add3A_34, %dma_start3A_80] : memref<10240x128xf32, #tpu.memory_space<vmem_shared>> -> memref<80x128xf32, #tpu.memory_space<vmem_shared>>
      %dma_start3A_82 = arith.constant 0 : i32
      %dma_start3A_83 = arith.constant 0 : i32
      %dma_start3A_84 = tpu.memref_slice %arg7[%run_scoped3A_35, %dma_start3A_82, %dma_start3A_83] : memref<2x80x128xf32, #tpu.memory_space<vmem>> -> memref<1x80x128xf32, #tpu.memory_space<vmem>>
      %dma_start3A_85 = tpu.memref_squeeze %dma_start3A_84 : memref<1x80x128xf32, #tpu.memory_space<vmem>> -> memref<80x128xf32, #tpu.memory_space<vmem>>
      tpu.enqueue_dma source(%dma_start3A_85 : memref<80x128xf32, #tpu.memory_space<vmem>>) target(%dma_start3A_81 : memref<80x128xf32, #tpu.memory_space<vmem_shared>>) target_semaphore(%run_scoped3A_73 : memref<!tpu.dma_semaphore, #tpu.memory_space<semaphore_mem>>)
      %dma_wait3A_86 = arith.constant 0 : i32
      %dma_wait3A_87 = arith.constant 0 : i32
      %dma_wait3A_88 = tpu.memref_slice %arg7[%run_scoped3A_35, %dma_wait3A_86, %dma_wait3A_87] : memref<2x80x128xf32, #tpu.memory_space<vmem>> -> memref<1x80x128xf32, #tpu.memory_space<vmem>>
      %dma_wait3A_89 = tpu.memref_squeeze %dma_wait3A_88 : memref<1x80x128xf32, #tpu.memory_space<vmem>> -> memref<80x128xf32, #tpu.memory_space<vmem>>
      %dma_wait3A_90 = arith.constant 0 : i32
      %dma_wait3A_91 = tpu.memref_slice %arg8[%add3A_34, %dma_wait3A_90] : memref<10240x128xf32, #tpu.memory_space<vmem_shared>> -> memref<80x128xf32, #tpu.memory_space<vmem_shared>>
      %dma_wait3A_92 = arith.constant 0 : i32
      %dma_wait3A_93 = tpu.memref_slice %arg8[%add3A_34, %dma_wait3A_92] : memref<10240x128xf32, #tpu.memory_space<vmem_shared>> -> memref<80x128xf32, #tpu.memory_space<vmem_shared>>
      %dma_wait3A_94 = arith.constant 0 : i32
      %dma_wait3A_95 = arith.constant 0 : i32
      %dma_wait3A_96 = tpu.memref_slice %arg7[%run_scoped3A_35, %dma_wait3A_94, %dma_wait3A_95] : memref<2x80x128xf32, #tpu.memory_space<vmem>> -> memref<1x80x128xf32, #tpu.memory_space<vmem>>
      %dma_wait3A_97 = tpu.memref_squeeze %dma_wait3A_96 : memref<1x80x128xf32, #tpu.memory_space<vmem>> -> memref<80x128xf32, #tpu.memory_space<vmem>>
      tpu.wait_dma2 semaphore(%run_scoped3A_73 : memref<!tpu.dma_semaphore, #tpu.memory_space<semaphore_mem>>) src(%dma_wait3A_97 : memref<80x128xf32, #tpu.memory_space<vmem>>) dst(%dma_wait3A_93 : memref<80x128xf32, #tpu.memory_space<vmem_shared>>)
      tpu.yield
    }) : () -> ()
    %add3A_36 = arith.constant 560 : i32
    %add3A_37 = arith.addi %mul3A_2, %add3A_36 : i32
    %run_scoped3A_38 = arith.constant 0 : i32
    "tpu.region"() ({
      %run_scoped3A_73 = tpu.sem_alloc : memref<!tpu.dma_semaphore, #tpu.memory_space<semaphore_mem>>
      %dma_start3A_74 = arith.constant 0 : i32
      %dma_start3A_75 = arith.constant 0 : i32
      %dma_start3A_76 = tpu.memref_slice %arg7[%run_scoped3A_38, %dma_start3A_74, %dma_start3A_75] : memref<2x80x128xf32, #tpu.memory_space<vmem>> -> memref<1x80x128xf32, #tpu.memory_space<vmem>>
      %dma_start3A_77 = tpu.memref_squeeze %dma_start3A_76 : memref<1x80x128xf32, #tpu.memory_space<vmem>> -> memref<80x128xf32, #tpu.memory_space<vmem>>
      %dma_start3A_78 = arith.constant 0 : i32
      %dma_start3A_79 = tpu.memref_slice %arg8[%add3A_37, %dma_start3A_78] : memref<10240x128xf32, #tpu.memory_space<vmem_shared>> -> memref<80x128xf32, #tpu.memory_space<vmem_shared>>
      %dma_start3A_80 = arith.constant 0 : i32
      %dma_start3A_81 = tpu.memref_slice %arg8[%add3A_37, %dma_start3A_80] : memref<10240x128xf32, #tpu.memory_space<vmem_shared>> -> memref<80x128xf32, #tpu.memory_space<vmem_shared>>
      %dma_start3A_82 = arith.constant 0 : i32
      %dma_start3A_83 = arith.constant 0 : i32
      %dma_start3A_84 = tpu.memref_slice %arg7[%run_scoped3A_38, %dma_start3A_82, %dma_start3A_83] : memref<2x80x128xf32, #tpu.memory_space<vmem>> -> memref<1x80x128xf32, #tpu.memory_space<vmem>>
      %dma_start3A_85 = tpu.memref_squeeze %dma_start3A_84 : memref<1x80x128xf32, #tpu.memory_space<vmem>> -> memref<80x128xf32, #tpu.memory_space<vmem>>
      tpu.enqueue_dma source(%dma_start3A_85 : memref<80x128xf32, #tpu.memory_space<vmem>>) target(%dma_start3A_81 : memref<80x128xf32, #tpu.memory_space<vmem_shared>>) target_semaphore(%run_scoped3A_73 : memref<!tpu.dma_semaphore, #tpu.memory_space<semaphore_mem>>)
      %dma_wait3A_86 = arith.constant 0 : i32
      %dma_wait3A_87 = arith.constant 0 : i32
      %dma_wait3A_88 = tpu.memref_slice %arg7[%run_scoped3A_38, %dma_wait3A_86, %dma_wait3A_87] : memref<2x80x128xf32, #tpu.memory_space<vmem>> -> memref<1x80x128xf32, #tpu.memory_space<vmem>>
      %dma_wait3A_89 = tpu.memref_squeeze %dma_wait3A_88 : memref<1x80x128xf32, #tpu.memory_space<vmem>> -> memref<80x128xf32, #tpu.memory_space<vmem>>
      %dma_wait3A_90 = arith.constant 0 : i32
      %dma_wait3A_91 = tpu.memref_slice %arg8[%add3A_37, %dma_wait3A_90] : memref<10240x128xf32, #tpu.memory_space<vmem_shared>> -> memref<80x128xf32, #tpu.memory_space<vmem_shared>>
      %dma_wait3A_92 = arith.constant 0 : i32
      %dma_wait3A_93 = tpu.memref_slice %arg8[%add3A_37, %dma_wait3A_92] : memref<10240x128xf32, #tpu.memory_space<vmem_shared>> -> memref<80x128xf32, #tpu.memory_space<vmem_shared>>
      %dma_wait3A_94 = arith.constant 0 : i32
      %dma_wait3A_95 = arith.constant 0 : i32
      %dma_wait3A_96 = tpu.memref_slice %arg7[%run_scoped3A_38, %dma_wait3A_94, %dma_wait3A_95] : memref<2x80x128xf32, #tpu.memory_space<vmem>> -> memref<1x80x128xf32, #tpu.memory_space<vmem>>
      %dma_wait3A_97 = tpu.memref_squeeze %dma_wait3A_96 : memref<1x80x128xf32, #tpu.memory_space<vmem>> -> memref<80x128xf32, #tpu.memory_space<vmem>>
      tpu.wait_dma2 semaphore(%run_scoped3A_73 : memref<!tpu.dma_semaphore, #tpu.memory_space<semaphore_mem>>) src(%dma_wait3A_97 : memref<80x128xf32, #tpu.memory_space<vmem>>) dst(%dma_wait3A_93 : memref<80x128xf32, #tpu.memory_space<vmem_shared>>)
      tpu.yield
    }) : () -> ()
    %barrier3A = arith.constant 0 : index
    tpu.barrier barrier_id(%barrier3A)
    %dma_start3A = arith.constant 0 : i32
    %dma_start3A_39 = arith.constant 0 : i32
    %dma_start3A_40 = arith.constant 0 : i32
    %dma_start3A_41 = arith.constant 0 : i32
    %dma_start3A_42 = tpu.memref_slice %arg7[%dma_start3A, %dma_start3A_40, %dma_start3A_41] : memref<2x80x128xf32, #tpu.memory_space<vmem>> -> memref<1x80x128xf32, #tpu.memory_space<vmem>>
    %dma_start3A_43 = tpu.memref_squeeze %dma_start3A_42 : memref<1x80x128xf32, #tpu.memory_space<vmem>> -> memref<80x128xf32, #tpu.memory_space<vmem>>
    %dma_start3A_44 = arith.constant 0 : i32
    %dma_start3A_45 = tpu.memref_slice %arg5[%dma_start3A_44] : memref<10000xi32, #tpu.memory_space<vmem>> -> memref<80xi32, #tpu.memory_space<vmem>>
    %dma_start3A_46 = arith.constant 0 : i32
    %dma_start3A_47 = arith.constant 0 : i32
    %dma_start3A_48 = tpu.memref_slice %arg2[%dma_start3A_46, %dma_start3A_47] : memref<10000x128xf32, #tpu.memory_space<hbm>> -> memref<10000x128xf32, #tpu.memory_space<hbm>>
    %dma_start3A_49 = tpu.memref_slice %arg9[%dma_start3A_39] : memref<2x!tpu.dma_semaphore, #tpu.memory_space<semaphore_mem>> -> memref<1x!tpu.dma_semaphore, #tpu.memory_space<semaphore_mem>>
    %dma_start3A_50 = tpu.memref_squeeze %dma_start3A_49 : memref<1x!tpu.dma_semaphore, #tpu.memory_space<semaphore_mem>> -> memref<!tpu.dma_semaphore, #tpu.memory_space<semaphore_mem>>
    tpu.enqueue_indirect_dma source(%dma_start3A_48 : memref<10000x128xf32, #tpu.memory_space<hbm>>) target(%dma_start3A_43 : memref<80x128xf32, #tpu.memory_space<vmem>>) offsets(%dma_start3A_45 : memref<80xi32, #tpu.memory_space<vmem>>) semaphore(%dma_start3A_50 : memref<!tpu.dma_semaphore, #tpu.memory_space<semaphore_mem>>)
    %scan3A_51 = arith.constant 0 : i32
    %scan3A_52 = arith.constant 0 : i32
    %scan3A_53 = arith.constant 125 : i32
    %scan3A_54 = arith.addi %scan3A_52, %scan3A_53 : i32
    %scan3A_55 = arith.constant 1 : i32
    %scan3A_56 = scf.for %scan3A_73 = %scan3A_52 to %scan3A_54 step %scan3A_55 iter_args(%scan3A_74 = %scan3A_51) -> (i32)  : i32 {
      %rem3A = arith.constant 2 : i32
      %rem3A_75 = arith.remsi %scan3A_73, %rem3A : i32
      %sub3A = arith.constant 1 : i32
      %sub3A_76 = arith.subi %sub3A, %rem3A_75 : i32
      %ge3A = arith.constant 1 : i32
      %ge3A_77 = arith.cmpi sge, %scan3A_73, %ge3A : i32
      %convert_element_type3A = arith.extui %ge3A_77 : i1 to i32
      %cond3A = arith.constant 0 : i32
      %cond3A_78 = arith.cmpi ne, %convert_element_type3A, %cond3A : i32
      scf.if %cond3A_78 {
        %sub3A_110 = arith.constant 1 : i32
        %sub3A_111 = arith.subi %scan3A_73, %sub3A_110 : i32
        %dma_wait3A_112 = arith.constant 0 : i32
        %dma_wait3A_113 = arith.constant 0 : i32
        %dma_wait3A_114 = tpu.memref_slice %arg7[%sub3A_76, %dma_wait3A_112, %dma_wait3A_113] : memref<2x80x128xf32, #tpu.memory_space<vmem>> -> memref<1x80x128xf32, #tpu.memory_space<vmem>>
        %dma_wait3A_115 = tpu.memref_squeeze %dma_wait3A_114 : memref<1x80x128xf32, #tpu.memory_space<vmem>> -> memref<80x128xf32, #tpu.memory_space<vmem>>
        %dma_wait3A_116 = arith.constant 0 : i32
        %dma_wait3A_117 = tpu.memref_slice %arg6[%sub3A_111, %dma_wait3A_116] : memref<125x80xi32, #tpu.memory_space<vmem>> -> memref<1x80xi32, #tpu.memory_space<vmem>>
        %dma_wait3A_118 = tpu.memref_squeeze %dma_wait3A_117 : memref<1x80xi32, #tpu.memory_space<vmem>> -> memref<80xi32, #tpu.memory_space<vmem>>
        %dma_wait3A_119 = arith.constant 0 : i32
        %dma_wait3A_120 = arith.constant 0 : i32
        %dma_wait3A_121 = tpu.memref_slice %arg8[%dma_wait3A_119, %dma_wait3A_120] : memref<10240x128xf32, #tpu.memory_space<vmem_shared>> -> memref<10240x128xf32, #tpu.memory_space<vmem_shared>>
        %dma_wait3A_122 = tpu.memref_slice %arg10[%sub3A_76] : memref<2x!tpu.dma_semaphore, #tpu.memory_space<semaphore_mem>> -> memref<1x!tpu.dma_semaphore, #tpu.memory_space<semaphore_mem>>
        %dma_wait3A_123 = tpu.memref_squeeze %dma_wait3A_122 : memref<1x!tpu.dma_semaphore, #tpu.memory_space<semaphore_mem>> -> memref<!tpu.dma_semaphore, #tpu.memory_space<semaphore_mem>>
        tpu.wait_indirect_dma semaphore(%dma_wait3A_123 : memref<!tpu.dma_semaphore, #tpu.memory_space<semaphore_mem>>) src(%dma_wait3A_115 : memref<80x128xf32, #tpu.memory_space<vmem>>) dst(%dma_wait3A_121 : memref<10240x128xf32, #tpu.memory_space<vmem_shared>>)
      } else {
      }
      %add3A_79 = arith.constant 1 : i32
      %add3A_80 = arith.addi %scan3A_73, %add3A_79 : i32
      %lt3A = arith.constant 125 : i32
      %lt3A_81 = arith.cmpi slt, %add3A_80, %lt3A : i32
      %convert_element_type3A_82 = arith.extui %lt3A_81 : i1 to i32
      %cond3A_83 = arith.constant 0 : i32
      %cond3A_84 = arith.cmpi ne, %convert_element_type3A_82, %cond3A_83 : i32
      scf.if %cond3A_84 {
        %add3A_110 = arith.constant 1 : i32
        %add3A_111 = arith.addi %scan3A_73, %add3A_110 : i32
        %mul3A_112 = arith.constant 80 : i32
        %mul3A_113 = arith.muli %add3A_111, %mul3A_112 : i32
        %dma_start3A_114 = arith.constant 0 : i32
        %dma_start3A_115 = arith.constant 0 : i32
        %dma_start3A_116 = tpu.memref_slice %arg7[%sub3A_76, %dma_start3A_114, %dma_start3A_115] : memref<2x80x128xf32, #tpu.memory_space<vmem>> -> memref<1x80x128xf32, #tpu.memory_space<vmem>>
        %dma_start3A_117 = tpu.memref_squeeze %dma_start3A_116 : memref<1x80x128xf32, #tpu.memory_space<vmem>> -> memref<80x128xf32, #tpu.memory_space<vmem>>
        %dma_start3A_118 = tpu.memref_slice %arg5[%mul3A_113] : memref<10000xi32, #tpu.memory_space<vmem>> -> memref<80xi32, #tpu.memory_space<vmem>>
        %dma_start3A_119 = arith.constant 0 : i32
        %dma_start3A_120 = arith.constant 0 : i32
        %dma_start3A_121 = tpu.memref_slice %arg2[%dma_start3A_119, %dma_start3A_120] : memref<10000x128xf32, #tpu.memory_space<hbm>> -> memref<10000x128xf32, #tpu.memory_space<hbm>>
        %dma_start3A_122 = tpu.memref_slice %arg9[%sub3A_76] : memref<2x!tpu.dma_semaphore, #tpu.memory_space<semaphore_mem>> -> memref<1x!tpu.dma_semaphore, #tpu.memory_space<semaphore_mem>>
        %dma_start3A_123 = tpu.memref_squeeze %dma_start3A_122 : memref<1x!tpu.dma_semaphore, #tpu.memory_space<semaphore_mem>> -> memref<!tpu.dma_semaphore, #tpu.memory_space<semaphore_mem>>
        tpu.enqueue_indirect_dma source(%dma_start3A_121 : memref<10000x128xf32, #tpu.memory_space<hbm>>) target(%dma_start3A_117 : memref<80x128xf32, #tpu.memory_space<vmem>>) offsets(%dma_start3A_118 : memref<80xi32, #tpu.memory_space<vmem>>) semaphore(%dma_start3A_123 : memref<!tpu.dma_semaphore, #tpu.memory_space<semaphore_mem>>)
      } else {
      }
      %mul3A_85 = arith.constant 80 : i32
      %mul3A_86 = arith.muli %scan3A_73, %mul3A_85 : i32
      %dma_wait3A_87 = arith.constant 0 : i32
      %dma_wait3A_88 = arith.constant 0 : i32
      %dma_wait3A_89 = tpu.memref_slice %arg7[%rem3A_75, %dma_wait3A_87, %dma_wait3A_88] : memref<2x80x128xf32, #tpu.memory_space<vmem>> -> memref<1x80x128xf32, #tpu.memory_space<vmem>>
      %dma_wait3A_90 = tpu.memref_squeeze %dma_wait3A_89 : memref<1x80x128xf32, #tpu.memory_space<vmem>> -> memref<80x128xf32, #tpu.memory_space<vmem>>
      %dma_wait3A_91 = tpu.memref_slice %arg5[%mul3A_86] : memref<10000xi32, #tpu.memory_space<vmem>> -> memref<80xi32, #tpu.memory_space<vmem>>
      %dma_wait3A_92 = arith.constant 0 : i32
      %dma_wait3A_93 = arith.constant 0 : i32
      %dma_wait3A_94 = tpu.memref_slice %arg2[%dma_wait3A_92, %dma_wait3A_93] : memref<10000x128xf32, #tpu.memory_space<hbm>> -> memref<10000x128xf32, #tpu.memory_space<hbm>>
      %dma_wait3A_95 = tpu.memref_slice %arg9[%rem3A_75] : memref<2x!tpu.dma_semaphore, #tpu.memory_space<semaphore_mem>> -> memref<1x!tpu.dma_semaphore, #tpu.memory_space<semaphore_mem>>
      %dma_wait3A_96 = tpu.memref_squeeze %dma_wait3A_95 : memref<1x!tpu.dma_semaphore, #tpu.memory_space<semaphore_mem>> -> memref<!tpu.dma_semaphore, #tpu.memory_space<semaphore_mem>>
      tpu.wait_indirect_dma semaphore(%dma_wait3A_96 : memref<!tpu.dma_semaphore, #tpu.memory_space<semaphore_mem>>) src(%dma_wait3A_94 : memref<10000x128xf32, #tpu.memory_space<hbm>>) dst(%dma_wait3A_90 : memref<80x128xf32, #tpu.memory_space<vmem>>)
      %dma_start3A_97 = arith.constant 0 : i32
      %dma_start3A_98 = arith.constant 0 : i32
      %dma_start3A_99 = tpu.memref_slice %arg7[%rem3A_75, %dma_start3A_97, %dma_start3A_98] : memref<2x80x128xf32, #tpu.memory_space<vmem>> -> memref<1x80x128xf32, #tpu.memory_space<vmem>>
      %dma_start3A_100 = tpu.memref_squeeze %dma_start3A_99 : memref<1x80x128xf32, #tpu.memory_space<vmem>> -> memref<80x128xf32, #tpu.memory_space<vmem>>
      %dma_start3A_101 = arith.constant 0 : i32
      %dma_start3A_102 = tpu.memref_slice %arg6[%scan3A_73, %dma_start3A_101] : memref<125x80xi32, #tpu.memory_space<vmem>> -> memref<1x80xi32, #tpu.memory_space<vmem>>
      %dma_start3A_103 = tpu.memref_squeeze %dma_start3A_102 : memref<1x80xi32, #tpu.memory_space<vmem>> -> memref<80xi32, #tpu.memory_space<vmem>>
      %dma_start3A_104 = arith.constant 0 : i32
      %dma_start3A_105 = arith.constant 0 : i32
      %dma_start3A_106 = tpu.memref_slice %arg8[%dma_start3A_104, %dma_start3A_105] : memref<10240x128xf32, #tpu.memory_space<vmem_shared>> -> memref<10240x128xf32, #tpu.memory_space<vmem_shared>>
      %dma_start3A_107 = tpu.memref_slice %arg10[%rem3A_75] : memref<2x!tpu.dma_semaphore, #tpu.memory_space<semaphore_mem>> -> memref<1x!tpu.dma_semaphore, #tpu.memory_space<semaphore_mem>>
      %dma_start3A_108 = tpu.memref_squeeze %dma_start3A_107 : memref<1x!tpu.dma_semaphore, #tpu.memory_space<semaphore_mem>> -> memref<!tpu.dma_semaphore, #tpu.memory_space<semaphore_mem>>
      tpu.enqueue_indirect_dma source(%dma_start3A_100 : memref<80x128xf32, #tpu.memory_space<vmem>>) target(%dma_start3A_106 : memref<10240x128xf32, #tpu.memory_space<vmem_shared>>) offsets(%dma_start3A_103 : memref<80xi32, #tpu.memory_space<vmem>>) semaphore(%dma_start3A_108 : memref<!tpu.dma_semaphore, #tpu.memory_space<semaphore_mem>>) {add = true}
      %scan3A_109 = arith.constant 0 : i32
      scf.yield %scan3A_109 : i32
    }
    %scan3A_57 = arith.constant 125 : i32
    %dma_wait3A = arith.constant 0 : i32
    %dma_wait3A_58 = arith.constant 124 : i32
    %dma_wait3A_59 = arith.constant 0 : i32
    %dma_wait3A_60 = arith.constant 0 : i32
    %dma_wait3A_61 = arith.constant 0 : i32
    %dma_wait3A_62 = tpu.memref_slice %arg7[%dma_wait3A, %dma_wait3A_60, %dma_wait3A_61] : memref<2x80x128xf32, #tpu.memory_space<vmem>> -> memref<1x80x128xf32, #tpu.memory_space<vmem>>
    %dma_wait3A_63 = tpu.memref_squeeze %dma_wait3A_62 : memref<1x80x128xf32, #tpu.memory_space<vmem>> -> memref<80x128xf32, #tpu.memory_space<vmem>>
    %dma_wait3A_64 = arith.constant 0 : i32
    %dma_wait3A_65 = tpu.memref_slice %arg6[%dma_wait3A_58, %dma_wait3A_64] : memref<125x80xi32, #tpu.memory_space<vmem>> -> memref<1x80xi32, #tpu.memory_space<vmem>>
    %dma_wait3A_66 = tpu.memref_squeeze %dma_wait3A_65 : memref<1x80xi32, #tpu.memory_space<vmem>> -> memref<80xi32, #tpu.memory_space<vmem>>
    %dma_wait3A_67 = arith.constant 0 : i32
    %dma_wait3A_68 = arith.constant 0 : i32
    %dma_wait3A_69 = tpu.memref_slice %arg8[%dma_wait3A_67, %dma_wait3A_68] : memref<10240x128xf32, #tpu.memory_space<vmem_shared>> -> memref<10240x128xf32, #tpu.memory_space<vmem_shared>>
    %dma_wait3A_70 = tpu.memref_slice %arg10[%dma_wait3A_59] : memref<2x!tpu.dma_semaphore, #tpu.memory_space<semaphore_mem>> -> memref<1x!tpu.dma_semaphore, #tpu.memory_space<semaphore_mem>>
    %dma_wait3A_71 = tpu.memref_squeeze %dma_wait3A_70 : memref<1x!tpu.dma_semaphore, #tpu.memory_space<semaphore_mem>> -> memref<!tpu.dma_semaphore, #tpu.memory_space<semaphore_mem>>
    tpu.wait_indirect_dma semaphore(%dma_wait3A_71 : memref<!tpu.dma_semaphore, #tpu.memory_space<semaphore_mem>>) src(%dma_wait3A_63 : memref<80x128xf32, #tpu.memory_space<vmem>>) dst(%dma_wait3A_69 : memref<10240x128xf32, #tpu.memory_space<vmem_shared>>)
    %barrier3A_72 = arith.constant 0 : index
    tpu.barrier barrier_id(%barrier3A_72)
    "tpu.region"() ({
      %run_scoped3A_73 = tpu.sem_alloc : memref<!tpu.dma_semaphore, #tpu.memory_space<semaphore_mem>>
      %dma_start3A_74 = arith.constant 0 : i32
      %dma_start3A_75 = tpu.memref_slice %arg4[%arg0, %mul3A_2, %dma_start3A_74] : memref<2x10240x128xf32, #tpu.memory_space<hbm>> -> memref<1x640x128xf32, #tpu.memory_space<hbm>>
      %dma_start3A_76 = tpu.memref_squeeze %dma_start3A_75 : memref<1x640x128xf32, #tpu.memory_space<hbm>> -> memref<640x128xf32, #tpu.memory_space<hbm>>
      %dma_start3A_77 = arith.constant 0 : i32
      %dma_start3A_78 = tpu.memref_slice %arg8[%mul3A_2, %dma_start3A_77] : memref<10240x128xf32, #tpu.memory_space<vmem_shared>> -> memref<640x128xf32, #tpu.memory_space<vmem_shared>>
      tpu.enqueue_dma source(%dma_start3A_78 : memref<640x128xf32, #tpu.memory_space<vmem_shared>>) target(%dma_start3A_76 : memref<640x128xf32, #tpu.memory_space<hbm>>) target_semaphore(%run_scoped3A_73 : memref<!tpu.dma_semaphore, #tpu.memory_space<semaphore_mem>>)
      %dma_wait3A_79 = arith.constant 0 : i32
      %dma_wait3A_80 = tpu.memref_slice %arg4[%arg0, %mul3A_2, %dma_wait3A_79] : memref<2x10240x128xf32, #tpu.memory_space<hbm>> -> memref<1x640x128xf32, #tpu.memory_space<hbm>>
      %dma_wait3A_81 = tpu.memref_squeeze %dma_wait3A_80 : memref<1x640x128xf32, #tpu.memory_space<hbm>> -> memref<640x128xf32, #tpu.memory_space<hbm>>
      %dma_wait3A_82 = arith.constant 0 : i32
      %dma_wait3A_83 = tpu.memref_slice %arg8[%mul3A_2, %dma_wait3A_82] : memref<10240x128xf32, #tpu.memory_space<vmem_shared>> -> memref<640x128xf32, #tpu.memory_space<vmem_shared>>
      tpu.wait_dma2 semaphore(%run_scoped3A_73 : memref<!tpu.dma_semaphore, #tpu.memory_space<semaphore_mem>>) src(%dma_wait3A_83 : memref<640x128xf32, #tpu.memory_space<vmem_shared>>) dst(%dma_wait3A_81 : memref<640x128xf32, #tpu.memory_space<hbm>>)
      tpu.yield
    }) : () -> ()
    return
  }
}

#map = affine_map<(d0, d1) -> (0, 0, 0)>
module attributes {stable_mosaic.version = 14 : i64} {
  func.func @body(%arg0: i32, %arg1: i32, %arg2: memref<32x125x80xi32, #tpu.memory_space<hbm>>, %arg3: memref<2x10240x128xf32, #tpu.memory_space<hbm>>, %arg4: memref<125x80xi32, #tpu.memory_space<vmem>>, %arg5: memref<80x128xf32, #tpu.memory_space<vmem>>, %arg6: memref<10240x128xf32, #tpu.memory_space<vmem_shared>>, %arg7: memref<2x!tpu.dma_semaphore, #tpu.memory_space<semaphore_mem>>) attributes {dimension_semantics = [#tpu.dimension_semantics<core_parallel>, #tpu.dimension_semantics<subcore_parallel>], iteration_bounds = array<i64: 2, 16>, scalar_prefetch = 0 : i64, scratch_operands = 4 : i64, tpu.core_type = #tpu.core_type<sc_vector_subcore>, window_params = [{transform_indices = #map}, {transform_indices = #map}]} {
    %mul3A = arith.constant 16 : i32
    %mul3A_0 = arith.muli %arg0, %mul3A : i32
    %add3A = arith.addi %mul3A_0, %arg1 : i32
    %mul3A_1 = arith.constant 640 : i32
    %mul3A_2 = arith.muli %arg1, %mul3A_1 : i32
    "tpu.region"() ({
      %run_scoped3A = tpu.sem_alloc : memref<!tpu.dma_semaphore, #tpu.memory_space<semaphore_mem>>
      %dma_start3A = arith.constant 0 : i32
      %dma_start3A_66 = arith.constant 0 : i32
      %dma_start3A_67 = tpu.memref_slice %arg2[%add3A, %dma_start3A, %dma_start3A_66] : memref<32x125x80xi32, #tpu.memory_space<hbm>> -> memref<1x125x80xi32, #tpu.memory_space<hbm>>
      %dma_start3A_68 = tpu.memref_squeeze %dma_start3A_67 : memref<1x125x80xi32, #tpu.memory_space<hbm>> -> memref<125x80xi32, #tpu.memory_space<hbm>>
      %dma_start3A_69 = arith.constant 0 : i32
      %dma_start3A_70 = arith.constant 0 : i32
      %dma_start3A_71 = tpu.memref_slice %arg2[%add3A, %dma_start3A_69, %dma_start3A_70] : memref<32x125x80xi32, #tpu.memory_space<hbm>> -> memref<1x125x80xi32, #tpu.memory_space<hbm>>
      %dma_start3A_72 = tpu.memref_squeeze %dma_start3A_71 : memref<1x125x80xi32, #tpu.memory_space<hbm>> -> memref<125x80xi32, #tpu.memory_space<hbm>>
      tpu.enqueue_dma source(%dma_start3A_72 : memref<125x80xi32, #tpu.memory_space<hbm>>) target(%arg4 : memref<125x80xi32, #tpu.memory_space<vmem>>) target_semaphore(%run_scoped3A : memref<!tpu.dma_semaphore, #tpu.memory_space<semaphore_mem>>)
      %dma_wait3A_73 = arith.constant 0 : i32
      %dma_wait3A_74 = arith.constant 0 : i32
      %dma_wait3A_75 = tpu.memref_slice %arg2[%add3A, %dma_wait3A_73, %dma_wait3A_74] : memref<32x125x80xi32, #tpu.memory_space<hbm>> -> memref<1x125x80xi32, #tpu.memory_space<hbm>>
      %dma_wait3A_76 = tpu.memref_squeeze %dma_wait3A_75 : memref<1x125x80xi32, #tpu.memory_space<hbm>> -> memref<125x80xi32, #tpu.memory_space<hbm>>
      %dma_wait3A_77 = arith.constant 0 : i32
      %dma_wait3A_78 = arith.constant 0 : i32
      %dma_wait3A_79 = tpu.memref_slice %arg2[%add3A, %dma_wait3A_77, %dma_wait3A_78] : memref<32x125x80xi32, #tpu.memory_space<hbm>> -> memref<1x125x80xi32, #tpu.memory_space<hbm>>
      %dma_wait3A_80 = tpu.memref_squeeze %dma_wait3A_79 : memref<1x125x80xi32, #tpu.memory_space<hbm>> -> memref<125x80xi32, #tpu.memory_space<hbm>>
      tpu.wait_dma2 semaphore(%run_scoped3A : memref<!tpu.dma_semaphore, #tpu.memory_space<semaphore_mem>>) src(%dma_wait3A_80 : memref<125x80xi32, #tpu.memory_space<hbm>>) dst(%arg4 : memref<125x80xi32, #tpu.memory_space<vmem>>)
      tpu.yield
    }) : () -> ()
    %scan3A = arith.constant 0 : i32
    %scan3A_3 = arith.constant 0 : i32
    %scan3A_4 = arith.constant 80 : i32
    %scan3A_5 = arith.addi %scan3A_3, %scan3A_4 : i32
    %scan3A_6 = arith.constant 1 : i32
    %scan3A_7 = scf.for %scan3A_66 = %scan3A_3 to %scan3A_5 step %scan3A_6 iter_args(%scan3A_67 = %scan3A) -> (i32)  : i32 {
      %broadcast_in_dim3A = arith.constant 0.000000e+00 : f32
      %broadcast_in_dim3A_68 = vector.broadcast %broadcast_in_dim3A : f32 to vector<16xf32>
      %swap3A = arith.index_cast %scan3A_66 : i32 to index
      %swap3A_69 = arith.constant 0 : index
      %swap3A_70 = tpu.vector_load %arg5[%swap3A, %swap3A_69] {strides = array<i32>} : memref<80x128xf32, #tpu.memory_space<vmem>>, vector<1x16xf32>,
      %swap3A_71 = vector.shape_cast %swap3A_70 : vector<1x16xf32> to vector<16xf32>
      %swap3A_72 = vector.shape_cast %broadcast_in_dim3A_68 : vector<16xf32> to vector<1x16xf32>
      tpu.vector_store %arg5[%swap3A, %swap3A_69], %swap3A_72 {strides = array<i32>} : memref<80x128xf32, #tpu.memory_space<vmem>>, vector<1x16xf32>,
      %broadcast_in_dim3A_73 = arith.constant 0.000000e+00 : f32
      %broadcast_in_dim3A_74 = vector.broadcast %broadcast_in_dim3A_73 : f32 to vector<16xf32>
      %swap3A_75 = arith.index_cast %scan3A_66 : i32 to index
      %swap3A_76 = arith.constant 16 : index
      %swap3A_77 = tpu.vector_load %arg5[%swap3A_75, %swap3A_76] {strides = array<i32>} : memref<80x128xf32, #tpu.memory_space<vmem>>, vector<1x16xf32>,
      %swap3A_78 = vector.shape_cast %swap3A_77 : vector<1x16xf32> to vector<16xf32>
      %swap3A_79 = vector.shape_cast %broadcast_in_dim3A_74 : vector<16xf32> to vector<1x16xf32>
      tpu.vector_store %arg5[%swap3A_75, %swap3A_76], %swap3A_79 {strides = array<i32>} : memref<80x128xf32, #tpu.memory_space<vmem>>, vector<1x16xf32>,
      %broadcast_in_dim3A_80 = arith.constant 0.000000e+00 : f32
      %broadcast_in_dim3A_81 = vector.broadcast %broadcast_in_dim3A_80 : f32 to vector<16xf32>
      %swap3A_82 = arith.index_cast %scan3A_66 : i32 to index
      %swap3A_83 = arith.constant 32 : index
      %swap3A_84 = tpu.vector_load %arg5[%swap3A_82, %swap3A_83] {strides = array<i32>} : memref<80x128xf32, #tpu.memory_space<vmem>>, vector<1x16xf32>,
      %swap3A_85 = vector.shape_cast %swap3A_84 : vector<1x16xf32> to vector<16xf32>
      %swap3A_86 = vector.shape_cast %broadcast_in_dim3A_81 : vector<16xf32> to vector<1x16xf32>
      tpu.vector_store %arg5[%swap3A_82, %swap3A_83], %swap3A_86 {strides = array<i32>} : memref<80x128xf32, #tpu.memory_space<vmem>>, vector<1x16xf32>,
      %broadcast_in_dim3A_87 = arith.constant 0.000000e+00 : f32
      %broadcast_in_dim3A_88 = vector.broadcast %broadcast_in_dim3A_87 : f32 to vector<16xf32>
      %swap3A_89 = arith.index_cast %scan3A_66 : i32 to index
      %swap3A_90 = arith.constant 48 : index
      %swap3A_91 = tpu.vector_load %arg5[%swap3A_89, %swap3A_90] {strides = array<i32>} : memref<80x128xf32, #tpu.memory_space<vmem>>, vector<1x16xf32>,
      %swap3A_92 = vector.shape_cast %swap3A_91 : vector<1x16xf32> to vector<16xf32>
      %swap3A_93 = vector.shape_cast %broadcast_in_dim3A_88 : vector<16xf32> to vector<1x16xf32>
      tpu.vector_store %arg5[%swap3A_89, %swap3A_90], %swap3A_93 {strides = array<i32>} : memref<80x128xf32, #tpu.memory_space<vmem>>, vector<1x16xf32>,
      %broadcast_in_dim3A_94 = arith.constant 0.000000e+00 : f32
      %broadcast_in_dim3A_95 = vector.broadcast %broadcast_in_dim3A_94 : f32 to vector<16xf32>
      %swap3A_96 = arith.index_cast %scan3A_66 : i32 to index
      %swap3A_97 = arith.constant 64 : index
      %swap3A_98 = tpu.vector_load %arg5[%swap3A_96, %swap3A_97] {strides = array<i32>} : memref<80x128xf32, #tpu.memory_space<vmem>>, vector<1x16xf32>,
      %swap3A_99 = vector.shape_cast %swap3A_98 : vector<1x16xf32> to vector<16xf32>
      %swap3A_100 = vector.shape_cast %broadcast_in_dim3A_95 : vector<16xf32> to vector<1x16xf32>
      tpu.vector_store %arg5[%swap3A_96, %swap3A_97], %swap3A_100 {strides = array<i32>} : memref<80x128xf32, #tpu.memory_space<vmem>>, vector<1x16xf32>,
      %broadcast_in_dim3A_101 = arith.constant 0.000000e+00 : f32
      %broadcast_in_dim3A_102 = vector.broadcast %broadcast_in_dim3A_101 : f32 to vector<16xf32>
      %swap3A_103 = arith.index_cast %scan3A_66 : i32 to index
      %swap3A_104 = arith.constant 80 : index
      %swap3A_105 = tpu.vector_load %arg5[%swap3A_103, %swap3A_104] {strides = array<i32>} : memref<80x128xf32, #tpu.memory_space<vmem>>, vector<1x16xf32>,
      %swap3A_106 = vector.shape_cast %swap3A_105 : vector<1x16xf32> to vector<16xf32>
      %swap3A_107 = vector.shape_cast %broadcast_in_dim3A_102 : vector<16xf32> to vector<1x16xf32>
      tpu.vector_store %arg5[%swap3A_103, %swap3A_104], %swap3A_107 {strides = array<i32>} : memref<80x128xf32, #tpu.memory_space<vmem>>, vector<1x16xf32>,
      %broadcast_in_dim3A_108 = arith.constant 0.000000e+00 : f32
      %broadcast_in_dim3A_109 = vector.broadcast %broadcast_in_dim3A_108 : f32 to vector<16xf32>
      %swap3A_110 = arith.index_cast %scan3A_66 : i32 to index
      %swap3A_111 = arith.constant 96 : index
      %swap3A_112 = tpu.vector_load %arg5[%swap3A_110, %swap3A_111] {strides = array<i32>} : memref<80x128xf32, #tpu.memory_space<vmem>>, vector<1x16xf32>,
      %swap3A_113 = vector.shape_cast %swap3A_112 : vector<1x16xf32> to vector<16xf32>
      %swap3A_114 = vector.shape_cast %broadcast_in_dim3A_109 : vector<16xf32> to vector<1x16xf32>
      tpu.vector_store %arg5[%swap3A_110, %swap3A_111], %swap3A_114 {strides = array<i32>} : memref<80x128xf32, #tpu.memory_space<vmem>>, vector<1x16xf32>,
      %broadcast_in_dim3A_115 = arith.constant 0.000000e+00 : f32
      %broadcast_in_dim3A_116 = vector.broadcast %broadcast_in_dim3A_115 : f32 to vector<16xf32>
      %swap3A_117 = arith.index_cast %scan3A_66 : i32 to index
      %swap3A_118 = arith.constant 112 : index
      %swap3A_119 = tpu.vector_load %arg5[%swap3A_117, %swap3A_118] {strides = array<i32>} : memref<80x128xf32, #tpu.memory_space<vmem>>, vector<1x16xf32>,
      %swap3A_120 = vector.shape_cast %swap3A_119 : vector<1x16xf32> to vector<16xf32>
      %swap3A_121 = vector.shape_cast %broadcast_in_dim3A_116 : vector<16xf32> to vector<1x16xf32>
      tpu.vector_store %arg5[%swap3A_117, %swap3A_118], %swap3A_121 {strides = array<i32>} : memref<80x128xf32, #tpu.memory_space<vmem>>, vector<1x16xf32>,
      %scan3A_122 = arith.constant 0 : i32
      scf.yield %scan3A_122 : i32
    }
    %scan3A_8 = arith.constant 80 : i32
    %scan3A_9 = arith.constant 0 : i32
    %scan3A_10 = arith.constant 0 : i32
    %scan3A_11 = arith.constant 125 : i32
    %scan3A_12 = arith.addi %scan3A_10, %scan3A_11 : i32
    %scan3A_13 = arith.constant 1 : i32
    %scan3A_14 = scf.for %scan3A_66 = %scan3A_10 to %scan3A_12 step %scan3A_13 iter_args(%scan3A_67 = %scan3A_9) -> (i32)  : i32 {
      %get3A = arith.index_cast %scan3A_66 : i32 to index
      %get3A_68 = arith.constant 0 : index
      %get3A_69 = tpu.vector_load %arg4[%get3A, %get3A_68] {strides = array<i32>} : memref<125x80xi32, #tpu.memory_space<vmem>>, vector<1x16xi32>,
      %get3A_70 = vector.shape_cast %get3A_69 : vector<1x16xi32> to vector<16xi32>
      %shift_right_logical3A = arith.constant 16 : i32
      %shift_right_logical3A_71 = vector.broadcast %shift_right_logical3A : i32 to vector<16xi32>
      %shift_right_logical3A_72 = arith.shrui %get3A_70, %shift_right_logical3A_71 : vector<16xi32>
      %swap3A = arith.index_cast %scan3A_66 : i32 to index
      %swap3A_73 = arith.constant 0 : index
      %swap3A_74 = tpu.vector_load %arg4[%swap3A, %swap3A_73] {strides = array<i32>} : memref<125x80xi32, #tpu.memory_space<vmem>>, vector<1x16xi32>,
      %swap3A_75 = vector.shape_cast %swap3A_74 : vector<1x16xi32> to vector<16xi32>
      %swap3A_76 = vector.shape_cast %shift_right_logical3A_72 : vector<16xi32> to vector<1x16xi32>
      tpu.vector_store %arg4[%swap3A, %swap3A_73], %swap3A_76 {strides = array<i32>} : memref<125x80xi32, #tpu.memory_space<vmem>>, vector<1x16xi32>,
      %get3A_77 = arith.index_cast %scan3A_66 : i32 to index
      %get3A_78 = arith.constant 16 : index
      %get3A_79 = tpu.vector_load %arg4[%get3A_77, %get3A_78] {strides = array<i32>} : memref<125x80xi32, #tpu.memory_space<vmem>>, vector<1x16xi32>,
      %get3A_80 = vector.shape_cast %get3A_79 : vector<1x16xi32> to vector<16xi32>
      %shift_right_logical3A_81 = arith.constant 16 : i32
      %shift_right_logical3A_82 = vector.broadcast %shift_right_logical3A_81 : i32 to vector<16xi32>
      %shift_right_logical3A_83 = arith.shrui %get3A_80, %shift_right_logical3A_82 : vector<16xi32>
      %swap3A_84 = arith.index_cast %scan3A_66 : i32 to index
      %swap3A_85 = arith.constant 16 : index
      %swap3A_86 = tpu.vector_load %arg4[%swap3A_84, %swap3A_85] {strides = array<i32>} : memref<125x80xi32, #tpu.memory_space<vmem>>, vector<1x16xi32>,
      %swap3A_87 = vector.shape_cast %swap3A_86 : vector<1x16xi32> to vector<16xi32>
      %swap3A_88 = vector.shape_cast %shift_right_logical3A_83 : vector<16xi32> to vector<1x16xi32>
      tpu.vector_store %arg4[%swap3A_84, %swap3A_85], %swap3A_88 {strides = array<i32>} : memref<125x80xi32, #tpu.memory_space<vmem>>, vector<1x16xi32>,
      %get3A_89 = arith.index_cast %scan3A_66 : i32 to index
      %get3A_90 = arith.constant 32 : index
      %get3A_91 = tpu.vector_load %arg4[%get3A_89, %get3A_90] {strides = array<i32>} : memref<125x80xi32, #tpu.memory_space<vmem>>, vector<1x16xi32>,
      %get3A_92 = vector.shape_cast %get3A_91 : vector<1x16xi32> to vector<16xi32>
      %shift_right_logical3A_93 = arith.constant 16 : i32
      %shift_right_logical3A_94 = vector.broadcast %shift_right_logical3A_93 : i32 to vector<16xi32>
      %shift_right_logical3A_95 = arith.shrui %get3A_92, %shift_right_logical3A_94 : vector<16xi32>
      %swap3A_96 = arith.index_cast %scan3A_66 : i32 to index
      %swap3A_97 = arith.constant 32 : index
      %swap3A_98 = tpu.vector_load %arg4[%swap3A_96, %swap3A_97] {strides = array<i32>} : memref<125x80xi32, #tpu.memory_space<vmem>>, vector<1x16xi32>,
      %swap3A_99 = vector.shape_cast %swap3A_98 : vector<1x16xi32> to vector<16xi32>
      %swap3A_100 = vector.shape_cast %shift_right_logical3A_95 : vector<16xi32> to vector<1x16xi32>
      tpu.vector_store %arg4[%swap3A_96, %swap3A_97], %swap3A_100 {strides = array<i32>} : memref<125x80xi32, #tpu.memory_space<vmem>>, vector<1x16xi32>,
      %get3A_101 = arith.index_cast %scan3A_66 : i32 to index
      %get3A_102 = arith.constant 48 : index
      %get3A_103 = tpu.vector_load %arg4[%get3A_101, %get3A_102] {strides = array<i32>} : memref<125x80xi32, #tpu.memory_space<vmem>>, vector<1x16xi32>,
      %get3A_104 = vector.shape_cast %get3A_103 : vector<1x16xi32> to vector<16xi32>
      %shift_right_logical3A_105 = arith.constant 16 : i32
      %shift_right_logical3A_106 = vector.broadcast %shift_right_logical3A_105 : i32 to vector<16xi32>
      %shift_right_logical3A_107 = arith.shrui %get3A_104, %shift_right_logical3A_106 : vector<16xi32>
      %swap3A_108 = arith.index_cast %scan3A_66 : i32 to index
      %swap3A_109 = arith.constant 48 : index
      %swap3A_110 = tpu.vector_load %arg4[%swap3A_108, %swap3A_109] {strides = array<i32>} : memref<125x80xi32, #tpu.memory_space<vmem>>, vector<1x16xi32>,
      %swap3A_111 = vector.shape_cast %swap3A_110 : vector<1x16xi32> to vector<16xi32>
      %swap3A_112 = vector.shape_cast %shift_right_logical3A_107 : vector<16xi32> to vector<1x16xi32>
      tpu.vector_store %arg4[%swap3A_108, %swap3A_109], %swap3A_112 {strides = array<i32>} : memref<125x80xi32, #tpu.memory_space<vmem>>, vector<1x16xi32>,
      %get3A_113 = arith.index_cast %scan3A_66 : i32 to index
      %get3A_114 = arith.constant 64 : index
      %get3A_115 = tpu.vector_load %arg4[%get3A_113, %get3A_114] {strides = array<i32>} : memref<125x80xi32, #tpu.memory_space<vmem>>, vector<1x16xi32>,
      %get3A_116 = vector.shape_cast %get3A_115 : vector<1x16xi32> to vector<16xi32>
      %shift_right_logical3A_117 = arith.constant 16 : i32
      %shift_right_logical3A_118 = vector.broadcast %shift_right_logical3A_117 : i32 to vector<16xi32>
      %shift_right_logical3A_119 = arith.shrui %get3A_116, %shift_right_logical3A_118 : vector<16xi32>
      %swap3A_120 = arith.index_cast %scan3A_66 : i32 to index
      %swap3A_121 = arith.constant 64 : index
      %swap3A_122 = tpu.vector_load %arg4[%swap3A_120, %swap3A_121] {strides = array<i32>} : memref<125x80xi32, #tpu.memory_space<vmem>>, vector<1x16xi32>,
      %swap3A_123 = vector.shape_cast %swap3A_122 : vector<1x16xi32> to vector<16xi32>
      %swap3A_124 = vector.shape_cast %shift_right_logical3A_119 : vector<16xi32> to vector<1x16xi32>
      tpu.vector_store %arg4[%swap3A_120, %swap3A_121], %swap3A_124 {strides = array<i32>} : memref<125x80xi32, #tpu.memory_space<vmem>>, vector<1x16xi32>,
      %scan3A_125 = arith.constant 0 : i32
      scf.yield %scan3A_125 : i32
    }
    %scan3A_15 = arith.constant 125 : i32
    %add3A_16 = arith.constant 0 : i32
    %add3A_17 = arith.addi %mul3A_2, %add3A_16 : i32
    "tpu.region"() ({
      %run_scoped3A = tpu.sem_alloc : memref<!tpu.dma_semaphore, #tpu.memory_space<semaphore_mem>>
      %dma_start3A = arith.constant 0 : i32
      %dma_start3A_66 = tpu.memref_slice %arg6[%add3A_17, %dma_start3A] : memref<10240x128xf32, #tpu.memory_space<vmem_shared>> -> memref<80x128xf32, #tpu.memory_space<vmem_shared>>
      %dma_start3A_67 = arith.constant 0 : i32
      %dma_start3A_68 = tpu.memref_slice %arg6[%add3A_17, %dma_start3A_67] : memref<10240x128xf32, #tpu.memory_space<vmem_shared>> -> memref<80x128xf32, #tpu.memory_space<vmem_shared>>
      tpu.enqueue_dma source(%arg5 : memref<80x128xf32, #tpu.memory_space<vmem>>) target(%dma_start3A_68 : memref<80x128xf32, #tpu.memory_space<vmem_shared>>) target_semaphore(%run_scoped3A : memref<!tpu.dma_semaphore, #tpu.memory_space<semaphore_mem>>)
      %dma_wait3A_69 = arith.constant 0 : i32
      %dma_wait3A_70 = tpu.memref_slice %arg6[%add3A_17, %dma_wait3A_69] : memref<10240x128xf32, #tpu.memory_space<vmem_shared>> -> memref<80x128xf32, #tpu.memory_space<vmem_shared>>
      %dma_wait3A_71 = arith.constant 0 : i32
      %dma_wait3A_72 = tpu.memref_slice %arg6[%add3A_17, %dma_wait3A_71] : memref<10240x128xf32, #tpu.memory_space<vmem_shared>> -> memref<80x128xf32, #tpu.memory_space<vmem_shared>>
      tpu.wait_dma2 semaphore(%run_scoped3A : memref<!tpu.dma_semaphore, #tpu.memory_space<semaphore_mem>>) src(%arg5 : memref<80x128xf32, #tpu.memory_space<vmem>>) dst(%dma_wait3A_72 : memref<80x128xf32, #tpu.memory_space<vmem_shared>>)
      tpu.yield
    }) : () -> ()
    %add3A_18 = arith.constant 80 : i32
    %add3A_19 = arith.addi %mul3A_2, %add3A_18 : i32
    "tpu.region"() ({
      %run_scoped3A = tpu.sem_alloc : memref<!tpu.dma_semaphore, #tpu.memory_space<semaphore_mem>>
      %dma_start3A = arith.constant 0 : i32
      %dma_start3A_66 = tpu.memref_slice %arg6[%add3A_19, %dma_start3A] : memref<10240x128xf32, #tpu.memory_space<vmem_shared>> -> memref<80x128xf32, #tpu.memory_space<vmem_shared>>
      %dma_start3A_67 = arith.constant 0 : i32
      %dma_start3A_68 = tpu.memref_slice %arg6[%add3A_19, %dma_start3A_67] : memref<10240x128xf32, #tpu.memory_space<vmem_shared>> -> memref<80x128xf32, #tpu.memory_space<vmem_shared>>
      tpu.enqueue_dma source(%arg5 : memref<80x128xf32, #tpu.memory_space<vmem>>) target(%dma_start3A_68 : memref<80x128xf32, #tpu.memory_space<vmem_shared>>) target_semaphore(%run_scoped3A : memref<!tpu.dma_semaphore, #tpu.memory_space<semaphore_mem>>)
      %dma_wait3A_69 = arith.constant 0 : i32
      %dma_wait3A_70 = tpu.memref_slice %arg6[%add3A_19, %dma_wait3A_69] : memref<10240x128xf32, #tpu.memory_space<vmem_shared>> -> memref<80x128xf32, #tpu.memory_space<vmem_shared>>
      %dma_wait3A_71 = arith.constant 0 : i32
      %dma_wait3A_72 = tpu.memref_slice %arg6[%add3A_19, %dma_wait3A_71] : memref<10240x128xf32, #tpu.memory_space<vmem_shared>> -> memref<80x128xf32, #tpu.memory_space<vmem_shared>>
      tpu.wait_dma2 semaphore(%run_scoped3A : memref<!tpu.dma_semaphore, #tpu.memory_space<semaphore_mem>>) src(%arg5 : memref<80x128xf32, #tpu.memory_space<vmem>>) dst(%dma_wait3A_72 : memref<80x128xf32, #tpu.memory_space<vmem_shared>>)
      tpu.yield
    }) : () -> ()
    %add3A_20 = arith.constant 160 : i32
    %add3A_21 = arith.addi %mul3A_2, %add3A_20 : i32
    "tpu.region"() ({
      %run_scoped3A = tpu.sem_alloc : memref<!tpu.dma_semaphore, #tpu.memory_space<semaphore_mem>>
      %dma_start3A = arith.constant 0 : i32
      %dma_start3A_66 = tpu.memref_slice %arg6[%add3A_21, %dma_start3A] : memref<10240x128xf32, #tpu.memory_space<vmem_shared>> -> memref<80x128xf32, #tpu.memory_space<vmem_shared>>
      %dma_start3A_67 = arith.constant 0 : i32
      %dma_start3A_68 = tpu.memref_slice %arg6[%add3A_21, %dma_start3A_67] : memref<10240x128xf32, #tpu.memory_space<vmem_shared>> -> memref<80x128xf32, #tpu.memory_space<vmem_shared>>
      tpu.enqueue_dma source(%arg5 : memref<80x128xf32, #tpu.memory_space<vmem>>) target(%dma_start3A_68 : memref<80x128xf32, #tpu.memory_space<vmem_shared>>) target_semaphore(%run_scoped3A : memref<!tpu.dma_semaphore, #tpu.memory_space<semaphore_mem>>)
      %dma_wait3A_69 = arith.constant 0 : i32
      %dma_wait3A_70 = tpu.memref_slice %arg6[%add3A_21, %dma_wait3A_69] : memref<10240x128xf32, #tpu.memory_space<vmem_shared>> -> memref<80x128xf32, #tpu.memory_space<vmem_shared>>
      %dma_wait3A_71 = arith.constant 0 : i32
      %dma_wait3A_72 = tpu.memref_slice %arg6[%add3A_21, %dma_wait3A_71] : memref<10240x128xf32, #tpu.memory_space<vmem_shared>> -> memref<80x128xf32, #tpu.memory_space<vmem_shared>>
      tpu.wait_dma2 semaphore(%run_scoped3A : memref<!tpu.dma_semaphore, #tpu.memory_space<semaphore_mem>>) src(%arg5 : memref<80x128xf32, #tpu.memory_space<vmem>>) dst(%dma_wait3A_72 : memref<80x128xf32, #tpu.memory_space<vmem_shared>>)
      tpu.yield
    }) : () -> ()
    %add3A_22 = arith.constant 240 : i32
    %add3A_23 = arith.addi %mul3A_2, %add3A_22 : i32
    "tpu.region"() ({
      %run_scoped3A = tpu.sem_alloc : memref<!tpu.dma_semaphore, #tpu.memory_space<semaphore_mem>>
      %dma_start3A = arith.constant 0 : i32
      %dma_start3A_66 = tpu.memref_slice %arg6[%add3A_23, %dma_start3A] : memref<10240x128xf32, #tpu.memory_space<vmem_shared>> -> memref<80x128xf32, #tpu.memory_space<vmem_shared>>
      %dma_start3A_67 = arith.constant 0 : i32
      %dma_start3A_68 = tpu.memref_slice %arg6[%add3A_23, %dma_start3A_67] : memref<10240x128xf32, #tpu.memory_space<vmem_shared>> -> memref<80x128xf32, #tpu.memory_space<vmem_shared>>
      tpu.enqueue_dma source(%arg5 : memref<80x128xf32, #tpu.memory_space<vmem>>) target(%dma_start3A_68 : memref<80x128xf32, #tpu.memory_space<vmem_shared>>) target_semaphore(%run_scoped3A : memref<!tpu.dma_semaphore, #tpu.memory_space<semaphore_mem>>)
      %dma_wait3A_69 = arith.constant 0 : i32
      %dma_wait3A_70 = tpu.memref_slice %arg6[%add3A_23, %dma_wait3A_69] : memref<10240x128xf32, #tpu.memory_space<vmem_shared>> -> memref<80x128xf32, #tpu.memory_space<vmem_shared>>
      %dma_wait3A_71 = arith.constant 0 : i32
      %dma_wait3A_72 = tpu.memref_slice %arg6[%add3A_23, %dma_wait3A_71] : memref<10240x128xf32, #tpu.memory_space<vmem_shared>> -> memref<80x128xf32, #tpu.memory_space<vmem_shared>>
      tpu.wait_dma2 semaphore(%run_scoped3A : memref<!tpu.dma_semaphore, #tpu.memory_space<semaphore_mem>>) src(%arg5 : memref<80x128xf32, #tpu.memory_space<vmem>>) dst(%dma_wait3A_72 : memref<80x128xf32, #tpu.memory_space<vmem_shared>>)
      tpu.yield
    }) : () -> ()
    %add3A_24 = arith.constant 320 : i32
    %add3A_25 = arith.addi %mul3A_2, %add3A_24 : i32
    "tpu.region"() ({
      %run_scoped3A = tpu.sem_alloc : memref<!tpu.dma_semaphore, #tpu.memory_space<semaphore_mem>>
      %dma_start3A = arith.constant 0 : i32
      %dma_start3A_66 = tpu.memref_slice %arg6[%add3A_25, %dma_start3A] : memref<10240x128xf32, #tpu.memory_space<vmem_shared>> -> memref<80x128xf32, #tpu.memory_space<vmem_shared>>
      %dma_start3A_67 = arith.constant 0 : i32
      %dma_start3A_68 = tpu.memref_slice %arg6[%add3A_25, %dma_start3A_67] : memref<10240x128xf32, #tpu.memory_space<vmem_shared>> -> memref<80x128xf32, #tpu.memory_space<vmem_shared>>
      tpu.enqueue_dma source(%arg5 : memref<80x128xf32, #tpu.memory_space<vmem>>) target(%dma_start3A_68 : memref<80x128xf32, #tpu.memory_space<vmem_shared>>) target_semaphore(%run_scoped3A : memref<!tpu.dma_semaphore, #tpu.memory_space<semaphore_mem>>)
      %dma_wait3A_69 = arith.constant 0 : i32
      %dma_wait3A_70 = tpu.memref_slice %arg6[%add3A_25, %dma_wait3A_69] : memref<10240x128xf32, #tpu.memory_space<vmem_shared>> -> memref<80x128xf32, #tpu.memory_space<vmem_shared>>
      %dma_wait3A_71 = arith.constant 0 : i32
      %dma_wait3A_72 = tpu.memref_slice %arg6[%add3A_25, %dma_wait3A_71] : memref<10240x128xf32, #tpu.memory_space<vmem_shared>> -> memref<80x128xf32, #tpu.memory_space<vmem_shared>>
      tpu.wait_dma2 semaphore(%run_scoped3A : memref<!tpu.dma_semaphore, #tpu.memory_space<semaphore_mem>>) src(%arg5 : memref<80x128xf32, #tpu.memory_space<vmem>>) dst(%dma_wait3A_72 : memref<80x128xf32, #tpu.memory_space<vmem_shared>>)
      tpu.yield
    }) : () -> ()
    %add3A_26 = arith.constant 400 : i32
    %add3A_27 = arith.addi %mul3A_2, %add3A_26 : i32
    "tpu.region"() ({
      %run_scoped3A = tpu.sem_alloc : memref<!tpu.dma_semaphore, #tpu.memory_space<semaphore_mem>>
      %dma_start3A = arith.constant 0 : i32
      %dma_start3A_66 = tpu.memref_slice %arg6[%add3A_27, %dma_start3A] : memref<10240x128xf32, #tpu.memory_space<vmem_shared>> -> memref<80x128xf32, #tpu.memory_space<vmem_shared>>
      %dma_start3A_67 = arith.constant 0 : i32
      %dma_start3A_68 = tpu.memref_slice %arg6[%add3A_27, %dma_start3A_67] : memref<10240x128xf32, #tpu.memory_space<vmem_shared>> -> memref<80x128xf32, #tpu.memory_space<vmem_shared>>
      tpu.enqueue_dma source(%arg5 : memref<80x128xf32, #tpu.memory_space<vmem>>) target(%dma_start3A_68 : memref<80x128xf32, #tpu.memory_space<vmem_shared>>) target_semaphore(%run_scoped3A : memref<!tpu.dma_semaphore, #tpu.memory_space<semaphore_mem>>)
      %dma_wait3A_69 = arith.constant 0 : i32
      %dma_wait3A_70 = tpu.memref_slice %arg6[%add3A_27, %dma_wait3A_69] : memref<10240x128xf32, #tpu.memory_space<vmem_shared>> -> memref<80x128xf32, #tpu.memory_space<vmem_shared>>
      %dma_wait3A_71 = arith.constant 0 : i32
      %dma_wait3A_72 = tpu.memref_slice %arg6[%add3A_27, %dma_wait3A_71] : memref<10240x128xf32, #tpu.memory_space<vmem_shared>> -> memref<80x128xf32, #tpu.memory_space<vmem_shared>>
      tpu.wait_dma2 semaphore(%run_scoped3A : memref<!tpu.dma_semaphore, #tpu.memory_space<semaphore_mem>>) src(%arg5 : memref<80x128xf32, #tpu.memory_space<vmem>>) dst(%dma_wait3A_72 : memref<80x128xf32, #tpu.memory_space<vmem_shared>>)
      tpu.yield
    }) : () -> ()
    %add3A_28 = arith.constant 480 : i32
    %add3A_29 = arith.addi %mul3A_2, %add3A_28 : i32
    "tpu.region"() ({
      %run_scoped3A = tpu.sem_alloc : memref<!tpu.dma_semaphore, #tpu.memory_space<semaphore_mem>>
      %dma_start3A = arith.constant 0 : i32
      %dma_start3A_66 = tpu.memref_slice %arg6[%add3A_29, %dma_start3A] : memref<10240x128xf32, #tpu.memory_space<vmem_shared>> -> memref<80x128xf32, #tpu.memory_space<vmem_shared>>
      %dma_start3A_67 = arith.constant 0 : i32
      %dma_start3A_68 = tpu.memref_slice %arg6[%add3A_29, %dma_start3A_67] : memref<10240x128xf32, #tpu.memory_space<vmem_shared>> -> memref<80x128xf32, #tpu.memory_space<vmem_shared>>
      tpu.enqueue_dma source(%arg5 : memref<80x128xf32, #tpu.memory_space<vmem>>) target(%dma_start3A_68 : memref<80x128xf32, #tpu.memory_space<vmem_shared>>) target_semaphore(%run_scoped3A : memref<!tpu.dma_semaphore, #tpu.memory_space<semaphore_mem>>)
      %dma_wait3A_69 = arith.constant 0 : i32
      %dma_wait3A_70 = tpu.memref_slice %arg6[%add3A_29, %dma_wait3A_69] : memref<10240x128xf32, #tpu.memory_space<vmem_shared>> -> memref<80x128xf32, #tpu.memory_space<vmem_shared>>
      %dma_wait3A_71 = arith.constant 0 : i32
      %dma_wait3A_72 = tpu.memref_slice %arg6[%add3A_29, %dma_wait3A_71] : memref<10240x128xf32, #tpu.memory_space<vmem_shared>> -> memref<80x128xf32, #tpu.memory_space<vmem_shared>>
      tpu.wait_dma2 semaphore(%run_scoped3A : memref<!tpu.dma_semaphore, #tpu.memory_space<semaphore_mem>>) src(%arg5 : memref<80x128xf32, #tpu.memory_space<vmem>>) dst(%dma_wait3A_72 : memref<80x128xf32, #tpu.memory_space<vmem_shared>>)
      tpu.yield
    }) : () -> ()
    %add3A_30 = arith.constant 560 : i32
    %add3A_31 = arith.addi %mul3A_2, %add3A_30 : i32
    "tpu.region"() ({
      %run_scoped3A = tpu.sem_alloc : memref<!tpu.dma_semaphore, #tpu.memory_space<semaphore_mem>>
      %dma_start3A = arith.constant 0 : i32
      %dma_start3A_66 = tpu.memref_slice %arg6[%add3A_31, %dma_start3A] : memref<10240x128xf32, #tpu.memory_space<vmem_shared>> -> memref<80x128xf32, #tpu.memory_space<vmem_shared>>
      %dma_start3A_67 = arith.constant 0 : i32
      %dma_start3A_68 = tpu.memref_slice %arg6[%add3A_31, %dma_start3A_67] : memref<10240x128xf32, #tpu.memory_space<vmem_shared>> -> memref<80x128xf32, #tpu.memory_space<vmem_shared>>
      tpu.enqueue_dma source(%arg5 : memref<80x128xf32, #tpu.memory_space<vmem>>) target(%dma_start3A_68 : memref<80x128xf32, #tpu.memory_space<vmem_shared>>) target_semaphore(%run_scoped3A : memref<!tpu.dma_semaphore, #tpu.memory_space<semaphore_mem>>)
      %dma_wait3A_69 = arith.constant 0 : i32
      %dma_wait3A_70 = tpu.memref_slice %arg6[%add3A_31, %dma_wait3A_69] : memref<10240x128xf32, #tpu.memory_space<vmem_shared>> -> memref<80x128xf32, #tpu.memory_space<vmem_shared>>
      %dma_wait3A_71 = arith.constant 0 : i32
      %dma_wait3A_72 = tpu.memref_slice %arg6[%add3A_31, %dma_wait3A_71] : memref<10240x128xf32, #tpu.memory_space<vmem_shared>> -> memref<80x128xf32, #tpu.memory_space<vmem_shared>>
      tpu.wait_dma2 semaphore(%run_scoped3A : memref<!tpu.dma_semaphore, #tpu.memory_space<semaphore_mem>>) src(%arg5 : memref<80x128xf32, #tpu.memory_space<vmem>>) dst(%dma_wait3A_72 : memref<80x128xf32, #tpu.memory_space<vmem_shared>>)
      tpu.yield
    }) : () -> ()
    %scan3A_32 = arith.constant 0 : i32
    %scan3A_33 = arith.constant 0 : i32
    %scan3A_34 = arith.constant 80 : i32
    %scan3A_35 = arith.addi %scan3A_33, %scan3A_34 : i32
    %scan3A_36 = arith.constant 1 : i32
    %scan3A_37 = scf.for %scan3A_66 = %scan3A_33 to %scan3A_35 step %scan3A_36 iter_args(%scan3A_67 = %scan3A_32) -> (i32)  : i32 {
      %broadcast_in_dim3A = arith.constant 1.000000e+00 : f32
      %broadcast_in_dim3A_68 = vector.broadcast %broadcast_in_dim3A : f32 to vector<16xf32>
      %swap3A = arith.index_cast %scan3A_66 : i32 to index
      %swap3A_69 = arith.constant 0 : index
      %swap3A_70 = tpu.vector_load %arg5[%swap3A, %swap3A_69] {strides = array<i32>} : memref<80x128xf32, #tpu.memory_space<vmem>>, vector<1x16xf32>,
      %swap3A_71 = vector.shape_cast %swap3A_70 : vector<1x16xf32> to vector<16xf32>
      %swap3A_72 = vector.shape_cast %broadcast_in_dim3A_68 : vector<16xf32> to vector<1x16xf32>
      tpu.vector_store %arg5[%swap3A, %swap3A_69], %swap3A_72 {strides = array<i32>} : memref<80x128xf32, #tpu.memory_space<vmem>>, vector<1x16xf32>,
      %broadcast_in_dim3A_73 = arith.constant 1.000000e+00 : f32
      %broadcast_in_dim3A_74 = vector.broadcast %broadcast_in_dim3A_73 : f32 to vector<16xf32>
      %swap3A_75 = arith.index_cast %scan3A_66 : i32 to index
      %swap3A_76 = arith.constant 16 : index
      %swap3A_77 = tpu.vector_load %arg5[%swap3A_75, %swap3A_76] {strides = array<i32>} : memref<80x128xf32, #tpu.memory_space<vmem>>, vector<1x16xf32>,
      %swap3A_78 = vector.shape_cast %swap3A_77 : vector<1x16xf32> to vector<16xf32>
      %swap3A_79 = vector.shape_cast %broadcast_in_dim3A_74 : vector<16xf32> to vector<1x16xf32>
      tpu.vector_store %arg5[%swap3A_75, %swap3A_76], %swap3A_79 {strides = array<i32>} : memref<80x128xf32, #tpu.memory_space<vmem>>, vector<1x16xf32>,
      %broadcast_in_dim3A_80 = arith.constant 1.000000e+00 : f32
      %broadcast_in_dim3A_81 = vector.broadcast %broadcast_in_dim3A_80 : f32 to vector<16xf32>
      %swap3A_82 = arith.index_cast %scan3A_66 : i32 to index
      %swap3A_83 = arith.constant 32 : index
      %swap3A_84 = tpu.vector_load %arg5[%swap3A_82, %swap3A_83] {strides = array<i32>} : memref<80x128xf32, #tpu.memory_space<vmem>>, vector<1x16xf32>,
      %swap3A_85 = vector.shape_cast %swap3A_84 : vector<1x16xf32> to vector<16xf32>
      %swap3A_86 = vector.shape_cast %broadcast_in_dim3A_81 : vector<16xf32> to vector<1x16xf32>
      tpu.vector_store %arg5[%swap3A_82, %swap3A_83], %swap3A_86 {strides = array<i32>} : memref<80x128xf32, #tpu.memory_space<vmem>>, vector<1x16xf32>,
      %broadcast_in_dim3A_87 = arith.constant 1.000000e+00 : f32
      %broadcast_in_dim3A_88 = vector.broadcast %broadcast_in_dim3A_87 : f32 to vector<16xf32>
      %swap3A_89 = arith.index_cast %scan3A_66 : i32 to index
      %swap3A_90 = arith.constant 48 : index
      %swap3A_91 = tpu.vector_load %arg5[%swap3A_89, %swap3A_90] {strides = array<i32>} : memref<80x128xf32, #tpu.memory_space<vmem>>, vector<1x16xf32>,
      %swap3A_92 = vector.shape_cast %swap3A_91 : vector<1x16xf32> to vector<16xf32>
      %swap3A_93 = vector.shape_cast %broadcast_in_dim3A_88 : vector<16xf32> to vector<1x16xf32>
      tpu.vector_store %arg5[%swap3A_89, %swap3A_90], %swap3A_93 {strides = array<i32>} : memref<80x128xf32, #tpu.memory_space<vmem>>, vector<1x16xf32>,
      %broadcast_in_dim3A_94 = arith.constant 1.000000e+00 : f32
      %broadcast_in_dim3A_95 = vector.broadcast %broadcast_in_dim3A_94 : f32 to vector<16xf32>
      %swap3A_96 = arith.index_cast %scan3A_66 : i32 to index
      %swap3A_97 = arith.constant 64 : index
      %swap3A_98 = tpu.vector_load %arg5[%swap3A_96, %swap3A_97] {strides = array<i32>} : memref<80x128xf32, #tpu.memory_space<vmem>>, vector<1x16xf32>,
      %swap3A_99 = vector.shape_cast %swap3A_98 : vector<1x16xf32> to vector<16xf32>
      %swap3A_100 = vector.shape_cast %broadcast_in_dim3A_95 : vector<16xf32> to vector<1x16xf32>
      tpu.vector_store %arg5[%swap3A_96, %swap3A_97], %swap3A_100 {strides = array<i32>} : memref<80x128xf32, #tpu.memory_space<vmem>>, vector<1x16xf32>,
      %broadcast_in_dim3A_101 = arith.constant 1.000000e+00 : f32
      %broadcast_in_dim3A_102 = vector.broadcast %broadcast_in_dim3A_101 : f32 to vector<16xf32>
      %swap3A_103 = arith.index_cast %scan3A_66 : i32 to index
      %swap3A_104 = arith.constant 80 : index
      %swap3A_105 = tpu.vector_load %arg5[%swap3A_103, %swap3A_104] {strides = array<i32>} : memref<80x128xf32, #tpu.memory_space<vmem>>, vector<1x16xf32>,
      %swap3A_106 = vector.shape_cast %swap3A_105 : vector<1x16xf32> to vector<16xf32>
      %swap3A_107 = vector.shape_cast %broadcast_in_dim3A_102 : vector<16xf32> to vector<1x16xf32>
      tpu.vector_store %arg5[%swap3A_103, %swap3A_104], %swap3A_107 {strides = array<i32>} : memref<80x128xf32, #tpu.memory_space<vmem>>, vector<1x16xf32>,
      %broadcast_in_dim3A_108 = arith.constant 1.000000e+00 : f32
      %broadcast_in_dim3A_109 = vector.broadcast %broadcast_in_dim3A_108 : f32 to vector<16xf32>
      %swap3A_110 = arith.index_cast %scan3A_66 : i32 to index
      %swap3A_111 = arith.constant 96 : index
      %swap3A_112 = tpu.vector_load %arg5[%swap3A_110, %swap3A_111] {strides = array<i32>} : memref<80x128xf32, #tpu.memory_space<vmem>>, vector<1x16xf32>,
      %swap3A_113 = vector.shape_cast %swap3A_112 : vector<1x16xf32> to vector<16xf32>
      %swap3A_114 = vector.shape_cast %broadcast_in_dim3A_109 : vector<16xf32> to vector<1x16xf32>
      tpu.vector_store %arg5[%swap3A_110, %swap3A_111], %swap3A_114 {strides = array<i32>} : memref<80x128xf32, #tpu.memory_space<vmem>>, vector<1x16xf32>,
      %broadcast_in_dim3A_115 = arith.constant 1.000000e+00 : f32
      %broadcast_in_dim3A_116 = vector.broadcast %broadcast_in_dim3A_115 : f32 to vector<16xf32>
      %swap3A_117 = arith.index_cast %scan3A_66 : i32 to index
      %swap3A_118 = arith.constant 112 : index
      %swap3A_119 = tpu.vector_load %arg5[%swap3A_117, %swap3A_118] {strides = array<i32>} : memref<80x128xf32, #tpu.memory_space<vmem>>, vector<1x16xf32>,
      %swap3A_120 = vector.shape_cast %swap3A_119 : vector<1x16xf32> to vector<16xf32>
      %swap3A_121 = vector.shape_cast %broadcast_in_dim3A_116 : vector<16xf32> to vector<1x16xf32>
      tpu.vector_store %arg5[%swap3A_117, %swap3A_118], %swap3A_121 {strides = array<i32>} : memref<80x128xf32, #tpu.memory_space<vmem>>, vector<1x16xf32>,
      %scan3A_122 = arith.constant 0 : i32
      scf.yield %scan3A_122 : i32
    }
    %scan3A_38 = arith.constant 80 : i32
    %barrier3A = arith.constant 0 : index
    tpu.barrier barrier_id(%barrier3A)
    %scan3A_39 = arith.constant 0 : i32
    %scan3A_40 = arith.constant 0 : i32
    %scan3A_41 = arith.constant 125 : i32
    %scan3A_42 = arith.addi %scan3A_40, %scan3A_41 : i32
    %scan3A_43 = arith.constant 1 : i32
    %scan3A_44 = scf.for %scan3A_66 = %scan3A_40 to %scan3A_42 step %scan3A_43 iter_args(%scan3A_67 = %scan3A_39) -> (i32)  : i32 {
      %rem3A = arith.constant 2 : i32
      %rem3A_68 = arith.remsi %scan3A_66, %rem3A : i32
      %ge3A = arith.constant 2 : i32
      %ge3A_69 = arith.cmpi sge, %scan3A_66, %ge3A : i32
      %convert_element_type3A = arith.extui %ge3A_69 : i1 to i32
      %cond3A = arith.constant 0 : i32
      %cond3A_70 = arith.cmpi ne, %convert_element_type3A, %cond3A : i32
      scf.if %cond3A_70 {
        %sub3A = arith.constant 2 : i32
        %sub3A_79 = arith.subi %scan3A_66, %sub3A : i32
        %dma_wait3A_80 = arith.constant 0 : i32
        %dma_wait3A_81 = tpu.memref_slice %arg4[%sub3A_79, %dma_wait3A_80] : memref<125x80xi32, #tpu.memory_space<vmem>> -> memref<1x80xi32, #tpu.memory_space<vmem>>
        %dma_wait3A_82 = tpu.memref_squeeze %dma_wait3A_81 : memref<1x80xi32, #tpu.memory_space<vmem>> -> memref<80xi32, #tpu.memory_space<vmem>>
        %dma_wait3A_83 = arith.constant 0 : i32
        %dma_wait3A_84 = arith.constant 0 : i32
        %dma_wait3A_85 = tpu.memref_slice %arg6[%dma_wait3A_83, %dma_wait3A_84] : memref<10240x128xf32, #tpu.memory_space<vmem_shared>> -> memref<10240x128xf32, #tpu.memory_space<vmem_shared>>
        %dma_wait3A_86 = tpu.memref_slice %arg7[%rem3A_68] : memref<2x!tpu.dma_semaphore, #tpu.memory_space<semaphore_mem>> -> memref<1x!tpu.dma_semaphore, #tpu.memory_space<semaphore_mem>>
        %dma_wait3A_87 = tpu.memref_squeeze %dma_wait3A_86 : memref<1x!tpu.dma_semaphore, #tpu.memory_space<semaphore_mem>> -> memref<!tpu.dma_semaphore, #tpu.memory_space<semaphore_mem>>
        tpu.wait_indirect_dma semaphore(%dma_wait3A_87 : memref<!tpu.dma_semaphore, #tpu.memory_space<semaphore_mem>>) src(%arg5 : memref<80x128xf32, #tpu.memory_space<vmem>>) dst(%dma_wait3A_85 : memref<10240x128xf32, #tpu.memory_space<vmem_shared>>)
      } else {
      }
      %dma_start3A = arith.constant 0 : i32
      %dma_start3A_71 = tpu.memref_slice %arg4[%scan3A_66, %dma_start3A] : memref<125x80xi32, #tpu.memory_space<vmem>> -> memref<1x80xi32, #tpu.memory_space<vmem>>
      %dma_start3A_72 = tpu.memref_squeeze %dma_start3A_71 : memref<1x80xi32, #tpu.memory_space<vmem>> -> memref<80xi32, #tpu.memory_space<vmem>>
      %dma_start3A_73 = arith.constant 0 : i32
      %dma_start3A_74 = arith.constant 0 : i32
      %dma_start3A_75 = tpu.memref_slice %arg6[%dma_start3A_73, %dma_start3A_74] : memref<10240x128xf32, #tpu.memory_space<vmem_shared>> -> memref<10240x128xf32, #tpu.memory_space<vmem_shared>>
      %dma_start3A_76 = tpu.memref_slice %arg7[%rem3A_68] : memref<2x!tpu.dma_semaphore, #tpu.memory_space<semaphore_mem>> -> memref<1x!tpu.dma_semaphore, #tpu.memory_space<semaphore_mem>>
      %dma_start3A_77 = tpu.memref_squeeze %dma_start3A_76 : memref<1x!tpu.dma_semaphore, #tpu.memory_space<semaphore_mem>> -> memref<!tpu.dma_semaphore, #tpu.memory_space<semaphore_mem>>
      tpu.enqueue_indirect_dma source(%arg5 : memref<80x128xf32, #tpu.memory_space<vmem>>) target(%dma_start3A_75 : memref<10240x128xf32, #tpu.memory_space<vmem_shared>>) offsets(%dma_start3A_72 : memref<80xi32, #tpu.memory_space<vmem>>) semaphore(%dma_start3A_77 : memref<!tpu.dma_semaphore, #tpu.memory_space<semaphore_mem>>) {add = true}
      %scan3A_78 = arith.constant 0 : i32
      scf.yield %scan3A_78 : i32
    }
    %scan3A_45 = arith.constant 125 : i32
    %dma_wait3A = arith.constant 123 : i32
    %dma_wait3A_46 = arith.constant 1 : i32
    %dma_wait3A_47 = arith.constant 0 : i32
    %dma_wait3A_48 = tpu.memref_slice %arg4[%dma_wait3A, %dma_wait3A_47] : memref<125x80xi32, #tpu.memory_space<vmem>> -> memref<1x80xi32, #tpu.memory_space<vmem>>
    %dma_wait3A_49 = tpu.memref_squeeze %dma_wait3A_48 : memref<1x80xi32, #tpu.memory_space<vmem>> -> memref<80xi32, #tpu.memory_space<vmem>>
    %dma_wait3A_50 = arith.constant 0 : i32
    %dma_wait3A_51 = arith.constant 0 : i32
    %dma_wait3A_52 = tpu.memref_slice %arg6[%dma_wait3A_50, %dma_wait3A_51] : memref<10240x128xf32, #tpu.memory_space<vmem_shared>> -> memref<10240x128xf32, #tpu.memory_space<vmem_shared>>
    %dma_wait3A_53 = tpu.memref_slice %arg7[%dma_wait3A_46] : memref<2x!tpu.dma_semaphore, #tpu.memory_space<semaphore_mem>> -> memref<1x!tpu.dma_semaphore, #tpu.memory_space<semaphore_mem>>
    %dma_wait3A_54 = tpu.memref_squeeze %dma_wait3A_53 : memref<1x!tpu.dma_semaphore, #tpu.memory_space<semaphore_mem>> -> memref<!tpu.dma_semaphore, #tpu.memory_space<semaphore_mem>>
    tpu.wait_indirect_dma semaphore(%dma_wait3A_54 : memref<!tpu.dma_semaphore, #tpu.memory_space<semaphore_mem>>) src(%arg5 : memref<80x128xf32, #tpu.memory_space<vmem>>) dst(%dma_wait3A_52 : memref<10240x128xf32, #tpu.memory_space<vmem_shared>>)
    %dma_wait3A_55 = arith.constant 124 : i32
    %dma_wait3A_56 = arith.constant 0 : i32
    %dma_wait3A_57 = arith.constant 0 : i32
    %dma_wait3A_58 = tpu.memref_slice %arg4[%dma_wait3A_55, %dma_wait3A_57] : memref<125x80xi32, #tpu.memory_space<vmem>> -> memref<1x80xi32, #tpu.memory_space<vmem>>
    %dma_wait3A_59 = tpu.memref_squeeze %dma_wait3A_58 : memref<1x80xi32, #tpu.memory_space<vmem>> -> memref<80xi32, #tpu.memory_space<vmem>>
    %dma_wait3A_60 = arith.constant 0 : i32
    %dma_wait3A_61 = arith.constant 0 : i32
    %dma_wait3A_62 = tpu.memref_slice %arg6[%dma_wait3A_60, %dma_wait3A_61] : memref<10240x128xf32, #tpu.memory_space<vmem_shared>> -> memref<10240x128xf32, #tpu.memory_space<vmem_shared>>
    %dma_wait3A_63 = tpu.memref_slice %arg7[%dma_wait3A_56] : memref<2x!tpu.dma_semaphore, #tpu.memory_space<semaphore_mem>> -> memref<1x!tpu.dma_semaphore, #tpu.memory_space<semaphore_mem>>
    %dma_wait3A_64 = tpu.memref_squeeze %dma_wait3A_63 : memref<1x!tpu.dma_semaphore, #tpu.memory_space<semaphore_mem>> -> memref<!tpu.dma_semaphore, #tpu.memory_space<semaphore_mem>>
    tpu.wait_indirect_dma semaphore(%dma_wait3A_64 : memref<!tpu.dma_semaphore, #tpu.memory_space<semaphore_mem>>) src(%arg5 : memref<80x128xf32, #tpu.memory_space<vmem>>) dst(%dma_wait3A_62 : memref<10240x128xf32, #tpu.memory_space<vmem_shared>>)
    %barrier3A_65 = arith.constant 0 : index
    tpu.barrier barrier_id(%barrier3A_65)
    "tpu.region"() ({
      %run_scoped3A = tpu.sem_alloc : memref<!tpu.dma_semaphore, #tpu.memory_space<semaphore_mem>>
      %dma_start3A = arith.constant 0 : i32
      %dma_start3A_66 = tpu.memref_slice %arg3[%arg0, %mul3A_2, %dma_start3A] : memref<2x10240x128xf32, #tpu.memory_space<hbm>> -> memref<1x640x128xf32, #tpu.memory_space<hbm>>
      %dma_start3A_67 = tpu.memref_squeeze %dma_start3A_66 : memref<1x640x128xf32, #tpu.memory_space<hbm>> -> memref<640x128xf32, #tpu.memory_space<hbm>>
      %dma_start3A_68 = arith.constant 0 : i32
      %dma_start3A_69 = tpu.memref_slice %arg6[%mul3A_2, %dma_start3A_68] : memref<10240x128xf32, #tpu.memory_space<vmem_shared>> -> memref<640x128xf32, #tpu.memory_space<vmem_shared>>
      tpu.enqueue_dma source(%dma_start3A_69 : memref<640x128xf32, #tpu.memory_space<vmem_shared>>) target(%dma_start3A_67 : memref<640x128xf32, #tpu.memory_space<hbm>>) target_semaphore(%run_scoped3A : memref<!tpu.dma_semaphore, #tpu.memory_space<semaphore_mem>>)
      %dma_wait3A_70 = arith.constant 0 : i32
      %dma_wait3A_71 = tpu.memref_slice %arg3[%arg0, %mul3A_2, %dma_wait3A_70] : memref<2x10240x128xf32, #tpu.memory_space<hbm>> -> memref<1x640x128xf32, #tpu.memory_space<hbm>>
      %dma_wait3A_72 = tpu.memref_squeeze %dma_wait3A_71 : memref<1x640x128xf32, #tpu.memory_space<hbm>> -> memref<640x128xf32, #tpu.memory_space<hbm>>
      %dma_wait3A_73 = arith.constant 0 : i32
      %dma_wait3A_74 = tpu.memref_slice %arg6[%mul3A_2, %dma_wait3A_73] : memref<10240x128xf32, #tpu.memory_space<vmem_shared>> -> memref<640x128xf32, #tpu.memory_space<vmem_shared>>
      tpu.wait_dma2 semaphore(%run_scoped3A : memref<!tpu.dma_semaphore, #tpu.memory_space<semaphore_mem>>) src(%dma_wait3A_74 : memref<640x128xf32, #tpu.memory_space<vmem_shared>>) dst(%dma_wait3A_72 : memref<640x128xf32, #tpu.memory_space<hbm>>)
      tpu.yield
    }) : () -> ()
    return
  }
}

module attributes {stable_mosaic.version = 14 : i64} {
  func.func @body(%arg0: i32, %arg1: memref<1000x128xf32, #tpu.memory_space<vmem>>, %arg2: memref<128x128xf32, #tpu.memory_space<vmem>>, %arg3: memref<128x128xf32, #tpu.memory_space<vmem>>, %arg4: memref<1x128xf32, #tpu.memory_space<vmem>>, %arg5: memref<1000x128xf32, #tpu.memory_space<vmem>>, %arg6: memref<1000x128xf32, #tpu.memory_space<vmem>>) attributes {dimension_semantics = [#tpu.dimension_semantics<arbitrary>], iteration_bounds = array<i64: 10>, scalar_prefetch = 0 : i64, scratch_operands = 0 : i64, tpu.core_type = #tpu.core_type<tc>, window_params = [{transform_indices = @transform_0, window_bounds = array<i64: 1000, 128>}, {pipeline_mode = #tpu.pipeline_mode<synchronous>, transform_indices = @transform_1, window_bounds = array<i64: 128, 128>}, {pipeline_mode = #tpu.pipeline_mode<synchronous>, transform_indices = @transform_2, window_bounds = array<i64: 128, 128>}, {pipeline_mode = #tpu.pipeline_mode<synchronous>, transform_indices = @transform_3, window_bounds = array<i64: 1, 128>}, {transform_indices = @transform_4, window_bounds = array<i64: 1000, 128>}, {transform_indices = @transform_5, window_bounds = array<i64: 1000, 128>}]} {
    %get3A = arith.constant 0 : index
    %get3A_0 = arith.constant 0 : index
    %get3A_1 = vector.load %arg1[%get3A, %get3A_0] : memref<1000x128xf32, #tpu.memory_space<vmem>>, vector<1000x128xf32>
    %get3A_2 = arith.constant 0 : index
    %get3A_3 = arith.constant 0 : index
    %get3A_4 = vector.load %arg2[%get3A_2, %get3A_3] : memref<128x128xf32, #tpu.memory_space<vmem>>, vector<128x128xf32>
    %dot_general3A = arith.constant dense<0.000000e+00> : vector<1000x128xf32>
    %dot_general3A_5 = tpu.matmul %get3A_1, %get3A_4, %dot_general3A {dimension_numbers = #tpu.dot_dimension_numbers<[1], [1], [0], [0], [0, 0, 1, 0], [], []>, transpose_lhs_hint = false} : vector<1000x128xf32>, vector<128x128xf32>, vector<1000x128xf32> -> vector<1000x128xf32>
    %swap3A = arith.constant 0 : index
    %swap3A_6 = arith.constant 0 : index
    %swap3A_7 = vector.load %arg5[%swap3A, %swap3A_6] : memref<1000x128xf32, #tpu.memory_space<vmem>>, vector<1000x128xf32>
    tpu.vector_store %arg5[%swap3A, %swap3A_6], %dot_general3A_5 {strides = array<i32>} : memref<1000x128xf32, #tpu.memory_space<vmem>>, vector<1000x128xf32>,
    %get3A_8 = arith.constant 0 : index
    %get3A_9 = arith.constant 0 : index
    %get3A_10 = vector.load %arg3[%get3A_8, %get3A_9] : memref<128x128xf32, #tpu.memory_space<vmem>>, vector<128x128xf32>
    %dot_general3A_11 = arith.constant dense<0.000000e+00> : vector<1000x128xf32>
    %dot_general3A_12 = tpu.matmul %get3A_1, %get3A_10, %dot_general3A_11 {dimension_numbers = #tpu.dot_dimension_numbers<[1], [1], [0], [0], [0, 0, 1, 0], [], []>, transpose_lhs_hint = false} : vector<1000x128xf32>, vector<128x128xf32>, vector<1000x128xf32> -> vector<1000x128xf32>
    %get3A_13 = arith.constant 0 : index
    %get3A_14 = arith.constant 0 : index
    %get3A_15 = vector.load %arg4[%get3A_13, %get3A_14] : memref<1x128xf32, #tpu.memory_space<vmem>>, vector<1x128xf32>
    %add3A = vector.broadcast %get3A_15 : vector<1x128xf32> to vector<1000x128xf32>
    %add3A_16 = arith.addf %dot_general3A_12, %add3A : vector<1000x128xf32>
    %swap3A_17 = arith.constant 0 : index
    %swap3A_18 = arith.constant 0 : index
    %swap3A_19 = vector.load %arg6[%swap3A_17, %swap3A_18] : memref<1000x128xf32, #tpu.memory_space<vmem>>, vector<1000x128xf32>
    tpu.vector_store %arg6[%swap3A_17, %swap3A_18], %add3A_16 {strides = array<i32>} : memref<1000x128xf32, #tpu.memory_space<vmem>>, vector<1000x128xf32>,
    return
  }
  func.func @transform_0(%arg0: i32) -> (i32, i32) {
    %c0_i32 = arith.constant 0 : i32
    %c0_i32_0 = arith.constant 0 : i32
    return %arg0, %c0_i32 : i32, i32
  }
  func.func @transform_1(%arg0: i32) -> (i32, i32) {
    %c0_i32 = arith.constant 0 : i32
    %c0_i32_0 = arith.constant 0 : i32
    %c0_i32_1 = arith.constant 0 : i32
    return %c0_i32, %c0_i32_0 : i32, i32
  }
  func.func @transform_2(%arg0: i32) -> (i32, i32) {
    %c0_i32 = arith.constant 0 : i32
    %c0_i32_0 = arith.constant 0 : i32
    %c0_i32_1 = arith.constant 0 : i32
    return %c0_i32, %c0_i32_0 : i32, i32
  }
  func.func @transform_3(%arg0: i32) -> (i32, i32) {
    %c0_i32 = arith.constant 0 : i32
    %c0_i32_0 = arith.constant 0 : i32
    %c0_i32_1 = arith.constant 0 : i32
    return %c0_i32, %c0_i32_0 : i32, i32
  }
  func.func @transform_4(%arg0: i32) -> (i32, i32) {
    %c0_i32 = arith.constant 0 : i32
    %c0_i32_0 = arith.constant 0 : i32
    return %arg0, %c0_i32 : i32, i32
  }
  func.func @transform_5(%arg0: i32) -> (i32, i32) {
    %c0_i32 = arith.constant 0 : i32
    %c0_i32_0 = arith.constant 0 : i32
    return %arg0, %c0_i32 : i32, i32
  }
}

module attributes {stable_mosaic.version = 14 : i64} {
  func.func @body(%arg0: i32, %arg1: memref<2x1000x128xf32, #tpu.memory_space<vmem>>, %arg2: memref<2x1000x128xf32, #tpu.memory_space<vmem>>, %arg3: memref<1000x128xf32, #tpu.memory_space<vmem>>, %arg4: memref<128x128xf32, #tpu.memory_space<vmem>>, %arg5: memref<128x128xf32, #tpu.memory_space<vmem>>, %arg6: memref<1x128xf32, #tpu.memory_space<vmem>>, %arg7: memref<1000x128xf32, #tpu.memory_space<vmem>>, %arg8: memref<1000x128xf32, #tpu.memory_space<vmem>>) attributes {dimension_semantics = [#tpu.dimension_semantics<arbitrary>], iteration_bounds = array<i64: 10>, scalar_prefetch = 0 : i64, scratch_operands = 0 : i64, tpu.core_type = #tpu.core_type<tc>, window_params = [{transform_indices = @transform_0, window_bounds = array<i64: 2, 1000, 128>}, {transform_indices = @transform_1, window_bounds = array<i64: 2, 1000, 128>}, {transform_indices = @transform_2, window_bounds = array<i64: 1000, 128>}, {pipeline_mode = #tpu.pipeline_mode<synchronous>, transform_indices = @transform_3, window_bounds = array<i64: 128, 128>}, {pipeline_mode = #tpu.pipeline_mode<synchronous>, transform_indices = @transform_4, window_bounds = array<i64: 128, 128>}, {pipeline_mode = #tpu.pipeline_mode<synchronous>, transform_indices = @transform_5, window_bounds = array<i64: 1, 128>}, {transform_indices = @transform_6, window_bounds = array<i64: 1000, 128>}, {transform_indices = @transform_7, window_bounds = array<i64: 1000, 128>}]} {
    %get3A = arith.constant 0 : index
    %get3A_0 = arith.constant 0 : index
    %get3A_1 = arith.constant 0 : index
    %get3A_2 = vector.load %arg1[%get3A, %get3A_0, %get3A_1] : memref<2x1000x128xf32, #tpu.memory_space<vmem>>, vector<1x1000x128xf32>
    %get3A_3 = vector.shape_cast %get3A_2 : vector<1x1000x128xf32> to vector<1000x128xf32>
    %get3A_4 = arith.constant 1 : index
    %get3A_5 = arith.constant 0 : index
    %get3A_6 = arith.constant 0 : index
    %get3A_7 = vector.load %arg1[%get3A_4, %get3A_5, %get3A_6] : memref<2x1000x128xf32, #tpu.memory_space<vmem>>, vector<1x1000x128xf32>
    %get3A_8 = vector.shape_cast %get3A_7 : vector<1x1000x128xf32> to vector<1000x128xf32>
    %add3A = arith.addf %get3A_3, %get3A_8 : vector<1000x128xf32>
    %get3A_9 = arith.constant 0 : index
    %get3A_10 = arith.constant 0 : index
    %get3A_11 = arith.constant 0 : index
    %get3A_12 = vector.load %arg2[%get3A_9, %get3A_10, %get3A_11] : memref<2x1000x128xf32, #tpu.memory_space<vmem>>, vector<1x1000x1xf32>
    %get3A_13 = vector.shape_cast %get3A_12 : vector<1x1000x1xf32> to vector<1000x1xf32>
    %get3A_14 = arith.constant 1 : index
    %get3A_15 = arith.constant 0 : index
    %get3A_16 = arith.constant 0 : index
    %get3A_17 = vector.load %arg2[%get3A_14, %get3A_15, %get3A_16] : memref<2x1000x128xf32, #tpu.memory_space<vmem>>, vector<1x1000x1xf32>
    %get3A_18 = vector.shape_cast %get3A_17 : vector<1x1000x1xf32> to vector<1000x1xf32>
    %add3A_19 = arith.addf %get3A_13, %get3A_18 : vector<1000x1xf32>
    %max3A = arith.constant 1.000000e+00 : f32
    %max3A_20 = vector.broadcast %max3A : f32 to vector<1000x1xf32>
    %max3A_21 = arith.maximumf %add3A_19, %max3A_20 : vector<1000x1xf32>
    %div3A = arith.constant 1.000000e+00 : f32
    %div3A_22 = vector.broadcast %div3A : f32 to vector<1000x1xf32>
    %div3A_23 = arith.divf %div3A_22, %max3A_21 : vector<1000x1xf32>
    %mul3A = vector.broadcast %div3A_23 : vector<1000x1xf32> to vector<1000x128xf32>
    %mul3A_24 = arith.mulf %add3A, %mul3A : vector<1000x128xf32>
    %get3A_25 = arith.constant 0 : index
    %get3A_26 = arith.constant 0 : index
    %get3A_27 = vector.load %arg3[%get3A_25, %get3A_26] : memref<1000x128xf32, #tpu.memory_space<vmem>>, vector<1000x128xf32>
    %add3A_28 = arith.addf %mul3A_24, %get3A_27 : vector<1000x128xf32>
    %max3A_29 = arith.constant 0.000000e+00 : f32
    %max3A_30 = vector.broadcast %max3A_29 : f32 to vector<1000x128xf32>
    %max3A_31 = arith.maximumf %add3A_28, %max3A_30 : vector<1000x128xf32>
    %get3A_32 = arith.constant 0 : index
    %get3A_33 = arith.constant 0 : index
    %get3A_34 = vector.load %arg4[%get3A_32, %get3A_33] : memref<128x128xf32, #tpu.memory_space<vmem>>, vector<128x128xf32>
    %dot_general3A = arith.constant dense<0.000000e+00> : vector<1000x128xf32>
    %dot_general3A_35 = tpu.matmul %max3A_31, %get3A_34, %dot_general3A {dimension_numbers = #tpu.dot_dimension_numbers<[1], [1], [0], [0], [0, 0, 1, 0], [], []>, transpose_lhs_hint = false} : vector<1000x128xf32>, vector<128x128xf32>, vector<1000x128xf32> -> vector<1000x128xf32>
    %swap3A = arith.constant 0 : index
    %swap3A_36 = arith.constant 0 : index
    %swap3A_37 = vector.load %arg7[%swap3A, %swap3A_36] : memref<1000x128xf32, #tpu.memory_space<vmem>>, vector<1000x128xf32>
    tpu.vector_store %arg7[%swap3A, %swap3A_36], %dot_general3A_35 {strides = array<i32>} : memref<1000x128xf32, #tpu.memory_space<vmem>>, vector<1000x128xf32>,
    %get3A_38 = arith.constant 0 : index
    %get3A_39 = arith.constant 0 : index
    %get3A_40 = vector.load %arg5[%get3A_38, %get3A_39] : memref<128x128xf32, #tpu.memory_space<vmem>>, vector<128x128xf32>
    %dot_general3A_41 = arith.constant dense<0.000000e+00> : vector<1000x128xf32>
    %dot_general3A_42 = tpu.matmul %max3A_31, %get3A_40, %dot_general3A_41 {dimension_numbers = #tpu.dot_dimension_numbers<[1], [1], [0], [0], [0, 0, 1, 0], [], []>, transpose_lhs_hint = false} : vector<1000x128xf32>, vector<128x128xf32>, vector<1000x128xf32> -> vector<1000x128xf32>
    %get3A_43 = arith.constant 0 : index
    %get3A_44 = arith.constant 0 : index
    %get3A_45 = vector.load %arg6[%get3A_43, %get3A_44] : memref<1x128xf32, #tpu.memory_space<vmem>>, vector<1x128xf32>
    %add3A_46 = vector.broadcast %get3A_45 : vector<1x128xf32> to vector<1000x128xf32>
    %add3A_47 = arith.addf %dot_general3A_42, %add3A_46 : vector<1000x128xf32>
    %swap3A_48 = arith.constant 0 : index
    %swap3A_49 = arith.constant 0 : index
    %swap3A_50 = vector.load %arg8[%swap3A_48, %swap3A_49] : memref<1000x128xf32, #tpu.memory_space<vmem>>, vector<1000x128xf32>
    tpu.vector_store %arg8[%swap3A_48, %swap3A_49], %add3A_47 {strides = array<i32>} : memref<1000x128xf32, #tpu.memory_space<vmem>>, vector<1000x128xf32>,
    return
  }
  func.func @transform_0(%arg0: i32) -> (i32, i32, i32) {
    %c0_i32 = arith.constant 0 : i32
    %c0_i32_0 = arith.constant 0 : i32
    %c0_i32_1 = arith.constant 0 : i32
    return %c0_i32, %arg0, %c0_i32_0 : i32, i32, i32
  }
  func.func @transform_1(%arg0: i32) -> (i32, i32, i32) {
    %c0_i32 = arith.constant 0 : i32
    %c0_i32_0 = arith.constant 0 : i32
    %c0_i32_1 = arith.constant 0 : i32
    return %c0_i32, %arg0, %c0_i32_0 : i32, i32, i32
  }
  func.func @transform_2(%arg0: i32) -> (i32, i32) {
    %c0_i32 = arith.constant 0 : i32
    %c0_i32_0 = arith.constant 0 : i32
    return %arg0, %c0_i32 : i32, i32
  }
  func.func @transform_3(%arg0: i32) -> (i32, i32) {
    %c0_i32 = arith.constant 0 : i32
    %c0_i32_0 = arith.constant 0 : i32
    %c0_i32_1 = arith.constant 0 : i32
    return %c0_i32, %c0_i32_0 : i32, i32
  }
  func.func @transform_4(%arg0: i32) -> (i32, i32) {
    %c0_i32 = arith.constant 0 : i32
    %c0_i32_0 = arith.constant 0 : i32
    %c0_i32_1 = arith.constant 0 : i32
    return %c0_i32, %c0_i32_0 : i32, i32
  }
  func.func @transform_5(%arg0: i32) -> (i32, i32) {
    %c0_i32 = arith.constant 0 : i32
    %c0_i32_0 = arith.constant 0 : i32
    %c0_i32_1 = arith.constant 0 : i32
    return %c0_i32, %c0_i32_0 : i32, i32
  }
  func.func @transform_6(%arg0: i32) -> (i32, i32) {
    %c0_i32 = arith.constant 0 : i32
    %c0_i32_0 = arith.constant 0 : i32
    return %arg0, %c0_i32 : i32, i32
  }
  func.func @transform_7(%arg0: i32) -> (i32, i32) {
    %c0_i32 = arith.constant 0 : i32
    %c0_i32_0 = arith.constant 0 : i32
    return %arg0, %c0_i32 : i32, i32
  }
}

module attributes {stable_mosaic.version = 14 : i64} {
  func.func @body(%arg0: i32, %arg1: memref<2x1000x128xf32, #tpu.memory_space<vmem>>, %arg2: memref<2x1000x128xf32, #tpu.memory_space<vmem>>, %arg3: memref<1000x128xf32, #tpu.memory_space<vmem>>, %arg4: memref<40x128xf32, #tpu.memory_space<vmem>>, %arg5: memref<1x40xf32, #tpu.memory_space<vmem>>, %arg6: memref<1000x40xf32, #tpu.memory_space<vmem>>) attributes {dimension_semantics = [#tpu.dimension_semantics<arbitrary>], iteration_bounds = array<i64: 10>, scalar_prefetch = 0 : i64, scratch_operands = 0 : i64, tpu.core_type = #tpu.core_type<tc>, window_params = [{transform_indices = @transform_0, window_bounds = array<i64: 2, 1000, 128>}, {transform_indices = @transform_1, window_bounds = array<i64: 2, 1000, 128>}, {transform_indices = @transform_2, window_bounds = array<i64: 1000, 128>}, {pipeline_mode = #tpu.pipeline_mode<synchronous>, transform_indices = @transform_3, window_bounds = array<i64: 40, 128>}, {pipeline_mode = #tpu.pipeline_mode<synchronous>, transform_indices = @transform_4, window_bounds = array<i64: 1, 40>}, {transform_indices = @transform_5, window_bounds = array<i64: 1000, 40>}]} {
    %get3A = arith.constant 0 : index
    %get3A_0 = arith.constant 0 : index
    %get3A_1 = arith.constant 0 : index
    %get3A_2 = vector.load %arg1[%get3A, %get3A_0, %get3A_1] : memref<2x1000x128xf32, #tpu.memory_space<vmem>>, vector<1x1000x128xf32>
    %get3A_3 = vector.shape_cast %get3A_2 : vector<1x1000x128xf32> to vector<1000x128xf32>
    %get3A_4 = arith.constant 1 : index
    %get3A_5 = arith.constant 0 : index
    %get3A_6 = arith.constant 0 : index
    %get3A_7 = vector.load %arg1[%get3A_4, %get3A_5, %get3A_6] : memref<2x1000x128xf32, #tpu.memory_space<vmem>>, vector<1x1000x128xf32>
    %get3A_8 = vector.shape_cast %get3A_7 : vector<1x1000x128xf32> to vector<1000x128xf32>
    %add3A = arith.addf %get3A_3, %get3A_8 : vector<1000x128xf32>
    %get3A_9 = arith.constant 0 : index
    %get3A_10 = arith.constant 0 : index
    %get3A_11 = arith.constant 0 : index
    %get3A_12 = vector.load %arg2[%get3A_9, %get3A_10, %get3A_11] : memref<2x1000x128xf32, #tpu.memory_space<vmem>>, vector<1x1000x1xf32>
    %get3A_13 = vector.shape_cast %get3A_12 : vector<1x1000x1xf32> to vector<1000x1xf32>
    %get3A_14 = arith.constant 1 : index
    %get3A_15 = arith.constant 0 : index
    %get3A_16 = arith.constant 0 : index
    %get3A_17 = vector.load %arg2[%get3A_14, %get3A_15, %get3A_16] : memref<2x1000x128xf32, #tpu.memory_space<vmem>>, vector<1x1000x1xf32>
    %get3A_18 = vector.shape_cast %get3A_17 : vector<1x1000x1xf32> to vector<1000x1xf32>
    %add3A_19 = arith.addf %get3A_13, %get3A_18 : vector<1000x1xf32>
    %max3A = arith.constant 1.000000e+00 : f32
    %max3A_20 = vector.broadcast %max3A : f32 to vector<1000x1xf32>
    %max3A_21 = arith.maximumf %add3A_19, %max3A_20 : vector<1000x1xf32>
    %div3A = arith.constant 1.000000e+00 : f32
    %div3A_22 = vector.broadcast %div3A : f32 to vector<1000x1xf32>
    %div3A_23 = arith.divf %div3A_22, %max3A_21 : vector<1000x1xf32>
    %mul3A = vector.broadcast %div3A_23 : vector<1000x1xf32> to vector<1000x128xf32>
    %mul3A_24 = arith.mulf %add3A, %mul3A : vector<1000x128xf32>
    %get3A_25 = arith.constant 0 : index
    %get3A_26 = arith.constant 0 : index
    %get3A_27 = vector.load %arg3[%get3A_25, %get3A_26] : memref<1000x128xf32, #tpu.memory_space<vmem>>, vector<1000x128xf32>
    %add3A_28 = arith.addf %mul3A_24, %get3A_27 : vector<1000x128xf32>
    %max3A_29 = arith.constant 0.000000e+00 : f32
    %max3A_30 = vector.broadcast %max3A_29 : f32 to vector<1000x128xf32>
    %max3A_31 = arith.maximumf %add3A_28, %max3A_30 : vector<1000x128xf32>
    %get3A_32 = arith.constant 0 : index
    %get3A_33 = arith.constant 0 : index
    %get3A_34 = vector.load %arg4[%get3A_32, %get3A_33] : memref<40x128xf32, #tpu.memory_space<vmem>>, vector<40x128xf32>
    %dot_general3A = arith.constant dense<0.000000e+00> : vector<1000x40xf32>
    %dot_general3A_35 = tpu.matmul %max3A_31, %get3A_34, %dot_general3A {dimension_numbers = #tpu.dot_dimension_numbers<[1], [1], [0], [0], [0, 0, 1, 0], [], []>, transpose_lhs_hint = false} : vector<1000x128xf32>, vector<40x128xf32>, vector<1000x40xf32> -> vector<1000x40xf32>
    %get3A_36 = arith.constant 0 : index
    %get3A_37 = arith.constant 0 : index
    %get3A_38 = vector.load %arg5[%get3A_36, %get3A_37] : memref<1x40xf32, #tpu.memory_space<vmem>>, vector<1x40xf32>
    %add3A_39 = vector.broadcast %get3A_38 : vector<1x40xf32> to vector<1000x40xf32>
    %add3A_40 = arith.addf %dot_general3A_35, %add3A_39 : vector<1000x40xf32>
    %swap3A = arith.constant 0 : index
    %swap3A_41 = arith.constant 0 : index
    %swap3A_42 = vector.load %arg6[%swap3A, %swap3A_41] : memref<1000x40xf32, #tpu.memory_space<vmem>>, vector<1000x40xf32>
    tpu.vector_store %arg6[%swap3A, %swap3A_41], %add3A_40 {strides = array<i32>} : memref<1000x40xf32, #tpu.memory_space<vmem>>, vector<1000x40xf32>,
    return
  }
  func.func @transform_0(%arg0: i32) -> (i32, i32, i32) {
    %c0_i32 = arith.constant 0 : i32
    %c0_i32_0 = arith.constant 0 : i32
    %c0_i32_1 = arith.constant 0 : i32
    return %c0_i32, %arg0, %c0_i32_0 : i32, i32, i32
  }
  func.func @transform_1(%arg0: i32) -> (i32, i32, i32) {
    %c0_i32 = arith.constant 0 : i32
    %c0_i32_0 = arith.constant 0 : i32
    %c0_i32_1 = arith.constant 0 : i32
    return %c0_i32, %arg0, %c0_i32_0 : i32, i32, i32
  }
  func.func @transform_2(%arg0: i32) -> (i32, i32) {
    %c0_i32 = arith.constant 0 : i32
    %c0_i32_0 = arith.constant 0 : i32
    return %arg0, %c0_i32 : i32, i32
  }
  func.func @transform_3(%arg0: i32) -> (i32, i32) {
    %c0_i32 = arith.constant 0 : i32
    %c0_i32_0 = arith.constant 0 : i32
    %c0_i32_1 = arith.constant 0 : i32
    return %c0_i32, %c0_i32_0 : i32, i32
  }
  func.func @transform_4(%arg0: i32) -> (i32, i32) {
    %c0_i32 = arith.constant 0 : i32
    %c0_i32_0 = arith.constant 0 : i32
    %c0_i32_1 = arith.constant 0 : i32
    return %c0_i32, %c0_i32_0 : i32, i32
  }
  func.func @transform_5(%arg0: i32) -> (i32, i32) {
    %c0_i32 = arith.constant 0 : i32
    %c0_i32_0 = arith.constant 0 : i32
    return %arg0, %c0_i32 : i32, i32
  }
}

</mosaic_0001>

<sc_bundles>
// kernel: kernel.11.cloned.1.call-start
scs
__scs_entry_jumppad:
0x0: {  	(pc) =	sbr.rel $0x88, $3  }
0x1: {  	(tag) =	ssettag $0x0;
	lr =	simm.s32 $0x1  }
0x2: {  	[smem:$0x3F97] =	sst lr;
	_ =	strace $0xD0000000  }
0x3: {  	_ = 	snop  }
0x4: {  	_ = 	snop  }
0x5: {  	_ = 	snop  }
0x6: {  	_ = 	snop  }
0x7: {  	_ = 	snop  }
__scs_overlays_trampoline_lowered:
0x8: {  	[smem:$0x3FA6] =	sst s0  }
0x9: {  	[smem:$0x3FA7] =	sst s1  }
0xa: {  	[smem:$0x3FA8] =	sst s2  }
0xb: {  	[smem:$0x3FA9] =	sst s3  }
0xc: {  	[smem:$0x3FAA] =	sst s4  }
0xd: {  	[smem:$0x3FAB] =	sst s5  }
0xe: {  	[smem:$0x3FAC] =	sst s6  }
0xf: {  	[smem:$0x3FAD] =	sst s7  }
0x10: {  	[smem:$0x3FAE] =	sst s8  }
0x11: {  	[smem:$0x3FAF] =	sst s9;
	s0 =	simm.s32 @!p0 $0x0  }
0x12: {  	s1 =	sld [smem:$0x3F95];
	s0 =	simm.s32 @p0 $0x1  }
0x13: {  	[smem:$0x3FB0] =	sst s0;
	s0 =	simm.s32 @!p1 $0x0  }
0x14: {  	s2 =	sld [smem:$0x3F94];
	s0 =	simm.s32 @p1 $0x1  }
0x15: {  	[smem:$0x3FB1] =	sst s0;
	s0 =	simm.s32 @!p2 $0x0  }
0x16: {  	s3 =	sld [smem:$0x3FDB];
	s0 =	simm.s32 @p2 $0x1  }
0x17: {  	s4 =	simm.s32 $0x1BF5;
	[smem:$0x3FB3] =	sst s0  }
0x18: {  	s0 =	sld [smem:$0x3F96];
	_ =	swait.ge [sflag:s4], $0x0  }
0x19: {  	s7 =	sld [smem:$0x3F97]  }
0x1a: {  	s8 =	sadd.s32 $0xFFFFE003, lr  }
0x1b: {  	s9 =	sadd.s32 $0xFFFFFEF7, lr;
	s5 =	simm.s32 $0xFFFFFFFF;
	p2 =	slt.u32 s8, $0xFFFFF086  }
0x1c: {  	p1 =	slt.u32 s9, $0xF7A;
	s5 =	simm.s32 @!p2 $0x0  }
0x1d: {  	s5 =	simm.s32 @p1 $0x1;
	p0 =	seq.s32 s7, s2  }
0x1e: {  	s7 =	smul.u32 @!p0 $0xF7A, s2;
	p2 =	seq.s32 @!p0 s5, $0x0  }
0x1f: {  	s9 =	smul.u32 $0xF7A, s1;
	s8 =	simm.s32 @!p0 $0x1BF5;
	p2 =	por !p2, p0  }
0x20: {  	[sflag:s8] =	ssyncset.s32 @!p0 $0xFFFFF086;
	s6 =	sadd.s32 @!p0 s3, s7;
	s7 =	simm.s32 @!p0 $0x108  }
0x21: {  	s3 =	sadd.s32 s3, s9;
	s6 =	sadd.s32 @!p0 $0x88, s6;
	s7 =	simm.s32 @p2 $0x1082  }
0x22: {  	[simem:s7], [sflag:s8] =	dma.local @!p0 [hbm:s6], $0xF7A  }
0x23: {  	s9 =	sor.u32 $0xD0000000, s2;
	s6 =	simm.s32 $0x108;
	_ =	swait.ge @!p0 [sflag:s8], $0x0  }
0x24: {  	s3 =	sadd.s32 $0x88, s3;
	s6 =	simm.s32 @!p1 $0x1082;
	[sflag:s4] =	ssyncset.s32 $0xFFFFF086  }
0x25: {  	[simem:s6], [sflag:s4] =	dma.local [hbm:s3], $0xF7A  }
0x26: {  	[smem:$0x3F97] =	sst s1;
	(tag) =	ssettag s2;
	_ =	strace s9  }
0x27: {  	s1 =	sld [smem:$0x3FA7]  }
0x28: {  	s2 =	sld [smem:$0x3FA8]  }
0x29: {  	s4 =	sld [smem:$0x3FAA]  }
0x2a: {  	p0 =	seq.s32 s5, $0x0;
	s5 =	sld [smem:$0x3FAB]  }
0x2b: {  	s6 =	sld [smem:$0x3FAC]  }
0x2c: {  	s7 =	sld [smem:$0x3FAD]  }
0x2d: {  	s3 =	simm.s32 $0x108;
	s8 =	sld [smem:$0x3FAE]  }
0x2e: {  	s3 =	simm.s32 @!p0 $0x1082;
	s9 =	sld [smem:$0x3FAF]  }
0x2f: {  	lr =	sadd.s32 s0, s3;
	s0 =	sld [smem:$0x3FA6]  }
0x30: {  	s3 =	sld [smem:$0x3FA9]  }
0x31: {  	[smem:$0x3FB2] =	sst s10  }
0x32: {  	s10 =	sld [smem:$0x3FB0];
	_ =	sdelay $0x3  }
0x33: {  	p0 =	seq.s32 s10, $0x1;
	s10 =	sld [smem:$0x3FB2];
	_ =	sdelay $0x3  }
0x34: {  	[smem:$0x3FB2] =	sst s10  }
0x35: {  	s10 =	sld [smem:$0x3FB1];
	_ =	sdelay $0x3  }
0x36: {  	p1 =	seq.s32 s10, $0x1;
	s10 =	sld [smem:$0x3FB2];
	_ =	sdelay $0x3  }
0x37: {  	[smem:$0x3FB2] =	sst s10  }
0x38: {  	s10 =	sld [smem:$0x3FB3]  }
0x39: {  	_ = 	snop;
	(pc) =	sbr.ind lr, $3  }
0x3a: {  	_ = 	snop  }
0x3b: {  	_ = 	snop  }
0x3c: {  	p2 =	seq.s32 s10, $0x1;
	s10 =	sld [smem:$0x3FB2]  }
0x3d: {  	_ =	shalt  }
0x3e: {  	_ =	shalt  }
0x3f: {  	_ =	shalt  }
0x40: {  	_ =	shalt  }
0x41: {  	_ =	shalt  }
0x42: {  	_ =	shalt  }
0x43: {  	_ =	shalt  }
0x44: {  	_ =	shalt  }
0x45: {  	_ =	shalt  }
0x46: {  	_ =	shalt  }
0x47: {  	_ =	shalt  }
0x48: {  	_ =	shalt  }
0x49: {  	_ =	shalt  }
0x4a: {  	_ =	shalt  }
0x4b: {  	_ =	shalt  }
0x4c: {  	_ =	shalt  }
0x4d: {  	_ =	shalt  }
0x4e: {  	_ =	shalt  }
0x4f: {  	_ =	shalt  }
0x50: {  	_ =	shalt  }
0x51: {  	_ =	shalt  }
0x52: {  	_ =	shalt  }
0x53: {  	_ =	shalt  }
0x54: {  	_ =	shalt  }
0x55: {  	_ =	shalt  }
0x56: {  	_ =	shalt  }
0x57: {  	_ =	shalt  }
0x58: {  	_ =	shalt  }
0x59: {  	_ =	shalt  }
0x5a: {  	_ =	shalt  }
0x5b: {  	_ =	shalt  }
0x5c: {  	_ =	shalt  }
0x5d: {  	_ =	shalt  }
0x5e: {  	_ =	shalt  }
0x5f: {  	_ =	shalt  }
0x60: {  	_ =	shalt  }
0x61: {  	_ =	shalt  }
0x62: {  	_ =	shalt  }
0x63: {  	_ =	shalt  }
0x64: {  	_ =	shalt  }
0x65: {  	_ =	shalt  }
0x66: {  	_ =	shalt  }
0x67: {  	_ =	shalt  }
0x68: {  	_ =	shalt  }
0x69: {  	_ =	shalt  }
0x6a: {  	_ =	shalt  }
0x6b: {  	_ =	shalt  }
0x6c: {  	_ =	shalt  }
0x6d: {  	_ =	shalt  }
0x6e: {  	_ =	shalt  }
0x6f: {  	_ =	shalt  }
0x70: {  	_ =	shalt  }
0x71: {  	_ =	shalt  }
0x72: {  	_ =	shalt  }
0x73: {  	_ =	shalt  }
0x74: {  	_ =	shalt  }
0x75: {  	_ =	shalt  }
0x76: {  	_ =	shalt  }
0x77: {  	_ =	shalt  }
0x78: {  	_ =	shalt  }
0x79: {  	_ =	shalt  }
0x7a: {  	_ =	shalt  }
0x7b: {  	_ =	shalt  }
0x7c: {  	_ =	shalt  }
0x7d: {  	_ =	shalt  }
0x7e: {  	_ =	shalt  }
0x7f: {  	_ =	shalt  }
0x80: {  	_ =	shalt  }
0x81: {  	_ =	shalt  }
0x82: {  	_ =	shalt  }
0x83: {  	_ =	shalt  }
0x84: {  	_ =	shalt  }
0x85: {  	_ =	shalt  }
0x86: {  	_ =	shalt  }
0x87: {  	_ =	shalt  }
.Lfunc_end0:
.L_simem_size_0:
called_computation.1_lowered:
.L_overlay_start_0:
0x88: {  	s2 =	sld [smem:$0x3FD9]  }
0x89: {  	s3 =	sld [smem:$0x3FFE];
	_ =	sdelay $0x1  }
0x8a: {  	s1 =	srdreg.scid  }
0x8b: {  	s0 =	sand.u32 $0x1, s1  }
0x8c: {  	s16 =	sshll.u32 s0, $0xA;
	s2 =	sadd.s32 s3, s2  }
0x8d: {  	s2 =	sadd.s32 s2, s16  }
0x8e: {  	[smem:$0x3FBE] =	sst s2  }
0x8f: {  	_ = 	snop  }
0x90: {  	(tm) =	ssettm $0x1  }
0x91: {  	s17 =	sld [smem:$0x3FFB];
	_ =	sdelay $0x3  }
0x92: {  	_ =	strace s17  }
0x93: {  	s2 =	sld [smem:$0x3FFC];
	_ =	sdelay $0x3  }
0x94: {  	_ =	strace s2  }
0x95: {  	s2 =	sld [smem:$0x3FFD];
	_ =	sdelay $0x3  }
0x96: {  	_ =	strace s2  }
0x97: {  	_ =	strace $0x8FFFFFFF  }
0x98: {  	s18 =	sld [smem:$0x3FDB];
	_ =	sdelay $0x1  }
0x99: {  	s19 =	simm.s32 $_scs_section_size  }
0x9a: {  	s4 =	simm.s32 $_size__tile_overlayer_lowered;
	s5 =	simm.s32 $_tile_overlayer_lowered  }
0x9b: {  	s22 =	simm.s32 $0x1BFF;
	s21 =	sshll.u32 s5, $0x1;
	s2 =	sadd.s32 s19, s18  }
0x9c: {  	s6 =	simm.s32 $0x0;
	s20 =	sshll.u32 s4, $0x1;
	s4 =	sadd.s32 s21, s2  }
0x9d: {  	[timem:s6], [sflag:s22] =	dma.local [hbm:s4], s20  }
0x9e: {  	_ =	swait.ge [sflag:s22], s20  }
0x9f: {  	s3 =	ssub.s32 $0x0, s20;
	[sflag:s22] =	ssyncset.done $0x0  }
0xa0: {  	[sflag:s22] =	ssyncadd.s32 s3;
	_ =	sdelay $0x1  }
0xa1: {  	s23 =	simm.s32 $0x1B8B  }
0xa2: {  	_ =	swait.ge [sflag:s23], $0x1  }
0xa3: {  	[sflag:s23] =	ssyncset.done $0x0  }
0xa4: {  	s25 =	simm.s32 $0x1B8E;
	s24 =	sld [smem:$0x3FFE];
	[sflag:s23] =	ssyncadd.s32 $0xFFFFFFFF  }
0xa5: {  	s26 =	simm.s32 $execute0_lowered;
	[smem:$0x3FD2] =	sst s25  }
0xa6: {  	s4 =	sshll.u32 s26, $0x1;
	_ =	strace $0x80000046;
	[dreg:$0x1] =	wrdreg $0xFFFFFFFF  }
0xa7: {  	s28 =	simm.s32 $_size_execute0_lowered;
	s2 =	sadd.s32 s2, s4;
	[dreg:$0x0] =	wrdreg $0x0  }
0xa8: {  	s4 =	sshll.u32 s28, $0x1;
	[dreg:$0x2] =	wrdreg s2  }
0xa9: {  	[dreg:$0x3] =	wrdreg s4  }
0xaa: {  	[dreg:$0x4] =	wrdreg $0xC0  }
0xab: {  	_ =	task [dreg:s6], $0x5FFFF  }
0xac: {  	[dreg:$0x1] =	wrdreg $0xFFFFFFFF  }
0xad: {  	[dreg:$0x0] =	wrdreg $0x60  }
0xae: {  	[dreg:$0x2] =	wrdreg s24  }
0xaf: {  	[dreg:$0x3] =	wrdreg $0xB7800  }
0xb0: {  	[dreg:$0x4] =	wrdreg $0xA  }
0xb1: {  	_ =	task.clear_ibuf [dreg:s6], $0x5FFFF;
	_ =	strace $0x90000046  }
0xb2: {  	s29 =	simm.s32 $0xA;
	_ =	strace $0x80000048  }
0xb3: {  	_ =	swait.ge [sflag:s29], $0x1  }
0xb4: {  	[sflag:s29] =	ssyncadd.s32 $0xFFFFFFFF  }
0xb5: {  	_ =	strace $0x90000048  }
0xb6: {  	_ =	sfence  }
0xb7: {  	s30 =	sld [smem:$0x0];
	_ =	sdelay $0x2  }
0xb8: {  	s31 =	sshll.u32 s1, $0xD;
	s1 =	sshrl.u32 s1, $0x2  }
0xb9: {  	s3 =	sand.u32 $0x4000, s31;
	s1 =	sadd.s32 s1, s30  }
0xba: {  	s0 =	sor.u32 s3, s0;
	s1 =	sshll.u32 s1, $0x11  }
0xbb: {  	s0 =	sor.u32 s1, s0  }
0xbc: {  	s0 =	sadd.s32 $0x8F2B, s0  }
0xbd: {  	[sflag:s0] =	ssyncadd.remote.s32 $0x1  }
0xbe: {  	_ =	sfence.sel $0xFFFF  }
0xbf: {  	[dreg:$0x0] =	wrdreg $0xFFFFFFFF;
	(pc) =	sbr.abs _section_cstart, $3  }
0xc0: {  	[dreg:$0x1] =	wrdreg $0xFFFFFFFF  }
0xc1: {  	_ =	task.clear_ibuf [dreg:s6], $0x2FFFF;
	_ =	strace $0x9FFFFFFF  }
0xc2: {  	(tm) =	ssettm $0x7FFFFFFF  }
0xc3: {  	_ =	shalt  }
tec
execute0_lowered:
.L_overlay_start_1:
0x0: {  	(tag) =	ssettag $0x1  }
0x1: {  	s5 =	rddreg [dreg:$0x0]  }
0x2: {  	s1 =	rddreg [dreg:$0x1];
	s2 =	srdreg.scid  }
0x3: {  	s0 =	rddreg [dreg:$0x2];
	s3 =	simm.s32 $0x0;
	s16 =	simm.s32 $0x2780  }
0x4: {  	s17 =	simm.s32 $0x5;
	s18 =	simm.s32 $0x6780;
	s19 =	simm.s32 $0x50  }
0x5: {  	s20 =	simm.s32 $0x3;
	s6 =	sand.u32 $0x1, s2;
	s2 =	stileid.u32  }
0x6: {  	s21 =	simm.s32 $0x0;
	[smem:$0x7FF] =	sst s3;
	s7 =	smul.u32 $0x140000, s6  }
0x7: {  	s4 =	sadd.s32 $0x12400, s5;
	s8 =	smul.u32 $0x14000, s2;
	_ =	strace $0x80000047  }
0x8: {  	s9 =	sshll.u32 s2, $0xB;
	s28 =	smul.u32 $0x50000, s2;
	s29 =	ssub.s32 $0x2, s6  }
0x9: {  	s6 =	sshll.u32 s6, $0xF;
	s26 =	sadd.s32 s9, s5;
	s30 =	sshrl.u32 s29, $0x1  }
0xa: {  	s7 =	sadd.s32 s8, s7;
	s6 =	sadd.s32 s6, s26;
	s31 =	sshrl.u32 s28, $0x2  }
.Ltmp0:
0xb: {  	s15 =	ssub.s32 s29, s30;
	s7 =	sshrl.u32 s7, $0x3;
	(pc) =	sbr.rel .LBB2_1-.Ltmp0, $4  }
0xc: {  	s14 =	sadd.s32 s7, s5;
	s5 =	sadd.s32 $0x2400, s6;
	s6 =	sadd.s32 s31, s1  }
0xd: {  	s15 =	smax.u32 s15, $0x1;
	s7 =	sadd.s32 $0x2800, s6;
	s8 =	sadd.s32 $0x5000, s6  }
0xe: {  	s9 =	sadd.s32 $0x7800, s6;
	s10 =	sadd.s32 $0xA000, s6;
	s11 =	sadd.s32 $0xC800, s6  }
0xf: {  	v0 =	vimm.f32 $0.0e+00;
	s12 =	sadd.s32 $0xF000, s6;
	s13 =	sadd.s32 $0x11800, s6;
	s14 =	sadd.s32 $0x39600, s14  }
.LBB2_9:
0x10: {  	_ =	swait.ge [sflag:s20], $0x2800  }
0x11: {  	s22 =	sshll.u32 s2, $0x6;
	s21 =	sadd.s32 $0x1, s21;
	[sflag:s20] =	ssyncset.done $0x0  }
0x12: {  	s23 =	sshrl.u32 s6, $0x3;
	p0 =	sne.s32 s21, s15;
	[sflag:s20] =	ssyncadd.s32 $0xFFFFD800  }
.Ltmp1:
0x13: {  	s22 =	sor.u32 $0x1C05, s22;
	[bflag:$0x0] =	sbarrier.arrive $0xFFFF;
	(pc) =	sbr.rel @!p0 .LBB2_10-.Ltmp1, $4  }
0x14: {  	[hbm:s14], [sflag:s22] =	dma.local [spmem:s23], $0x2800  }
0x15: {  	_ =	swait.ge [sflag:s17], $0x2800  }
0x16: {  	[sflag:s17] =	ssyncset.done $0x0  }
0x17: {  	[sflag:s17] =	ssyncadd.s32 $0xFFFFD800  }
.LBB2_1:
0x18: {  	[tilespmem:s16], [sflag:$0x5] =	stream.linear.gather [hbm4b:s5+s3], $0x3E80, $0x38;
	[tilespmem:$0x1F780] =	vst v63  }
0x19: {  	_ =	swait.ge [sflag:s17], $0x3E80  }
0x1a: {  	[sflag:s17] =	ssyncset.done $0x0  }
0x1b: {  	s22 =	simm.s32 $0x0;
	s23 =	simm.s32 $0x200;
	[sflag:s17] =	ssyncadd.s32 $0xFFFFC180  }
.LBB2_2:
0x1c: {  	p0 =	sne.s32 s23, $0x9E00;
	[tilespmem:s22+$0x67F0] =	vst v0  }
0x1d: {  	[tilespmem:s22+$0x6780] =	vst v0  }
0x1e: {  	[tilespmem:s22+$0x6790] =	vst v0  }
.Ltmp2:
0x1f: {  	[tilespmem:s22+$0x67A0] =	vst v0;
	(pc) =	sbr.rel @p0 .LBB2_2-.Ltmp2, $4  }
0x20: {  	[tilespmem:s22+$0x67B0] =	vst v0  }
0x21: {  	[tilespmem:s22+$0x67C0] =	vst v0  }
0x22: {  	[tilespmem:s22+$0x67D0] =	vst v0  }
0x23: {  	[tilespmem:s22+$0x67E0] =	vst v0;
	s22 =	sshra.s32 s23, $0x2;
	s23 =	sadd.s32 $0x200, s23  }
0x24: {  	[tilespmem:s22+$0x67F0] =	vst v0  }
0x25: {  	[tilespmem:s22+$0x6780] =	vst v0  }
0x26: {  	[tilespmem:s22+$0x6790] =	vst v0  }
0x27: {  	[tilespmem:s22+$0x67A0] =	vst v0  }
0x28: {  	[tilespmem:s22+$0x67B0] =	vst v0  }
0x29: {  	[tilespmem:s22+$0x67C0] =	vst v0  }
0x2a: {  	[tilespmem:s22+$0x67D0] =	vst v0  }
0x2b: {  	[tilespmem:s22+$0x67E0] =	vst v0;
	s22 =	simm.s32 $0x27A0  }
0x2c: {  	s24 =	simm.s32 $0x0;
	s25 =	simm.s32 $0x140;
	s23 =	simm.s32 $0x27A0;
	v1 =	vld [tilespmem:s22+$0xFFFFFFE0]  }
.LBB2_4:
0x2d: {  	p0 =	sne.s32 s25, $0x9B00;
	_ =	sdelay $0x3  }
0x2e: {  	s26 =	sshra.s32 s24, $0x2;
	s24 =	smov.u32 s25;
	v2 =	vand.u32 $0xFFFF, v1  }
0x2f: {  	[tilespmem:s26+$0x0] =	vst v2  }
0x30: {  	v2 =	vld [tilespmem:s22+$0xFFFFFFF0];
	_ =	sdelay $0x3  }
0x31: {  	v1 =	vshrl.u32 v1, $0x10  }
0x32: {  	[tilespmem:s22+$0xFFFFFFE0] =	vst v1;
	v1 =	vand.u32 $0xFFFF, v2  }
0x33: {  	[tilespmem:s26+$0x10] =	vst v1  }
0x34: {  	v1 =	vld [tilespmem:s22+$0x0];
	_ =	sdelay $0x3  }
0x35: {  	v2 =	vshrl.u32 v2, $0x10  }
0x36: {  	[tilespmem:s22+$0xFFFFFFF0] =	vst v2;
	v2 =	vand.u32 $0xFFFF, v1;
	v1 =	vshrl.u32 v1, $0x10  }
0x37: {  	[tilespmem:s26+$0x20] =	vst v2  }
0x38: {  	v2 =	vld [tilespmem:s22+$0x10];
	_ =	sdelay $0x4  }
0x39: {  	[tilespmem:s22+$0x0] =	vst v1;
	v1 =	vand.u32 $0xFFFF, v2;
	v2 =	vshrl.u32 v2, $0x10  }
0x3a: {  	[tilespmem:s26+$0x30] =	vst v1  }
0x3b: {  	v1 =	vld [tilespmem:s22+$0x20];
	_ =	sdelay $0x2  }
.Ltmp3:
0x3c: {  	(pc) =	sbr.rel @p0 .LBB2_4-.Ltmp3, $4  }
0x3d: {  	_ = 	snop  }
0x3e: {  	[tilespmem:s22+$0x10] =	vst v2;
	v2 =	vand.u32 $0xFFFF, v1;
	v3 =	vshrl.u32 v1, $0x10  }
0x3f: {  	s22 =	sadd.s32 $0x80, s22;
	[tilespmem:s26+$0x40] =	vst v2  }
0x40: {  	s25 =	sadd.s32 $0x140, s25;
	v1 =	vld [tilespmem:s22+$0xFFFFFFE0];
	[tilespmem:s23+$0x20] =	vst v3;
	s23 =	smov.u32 s22  }
0x41: {  	_ =	sdelay $0x3  }
0x42: {  	s24 =	sshra.s32 s24, $0x2;
	v2 =	vand.u32 $0xFFFF, v1  }
0x43: {  	[tilespmem:s24+$0x0] =	vst v2  }
0x44: {  	v2 =	vld [tilespmem:s22+$0xFFFFFFF0];
	_ =	sdelay $0x3  }
0x45: {  	v1 =	vshrl.u32 v1, $0x10  }
0x46: {  	[tilespmem:s22+$0xFFFFFFE0] =	vst v1;
	v1 =	vand.u32 $0xFFFF, v2  }
0x47: {  	[tilespmem:s24+$0x10] =	vst v1  }
0x48: {  	v1 =	vld [tilespmem:s22+$0x0];
	_ =	sdelay $0x3  }
0x49: {  	v2 =	vshrl.u32 v2, $0x10  }
0x4a: {  	[tilespmem:s22+$0xFFFFFFF0] =	vst v2;
	v2 =	vand.u32 $0xFFFF, v1  }
0x4b: {  	[tilespmem:s24+$0x20] =	vst v2  }
0x4c: {  	v2 =	vld [tilespmem:s22+$0x10];
	_ =	sdelay $0x3  }
0x4d: {  	v1 =	vshrl.u32 v1, $0x10  }
0x4e: {  	[tilespmem:s22+$0x0] =	vst v1;
	v1 =	vand.u32 $0xFFFF, v2  }
0x4f: {  	[tilespmem:s24+$0x30] =	vst v1  }
0x50: {  	v1 =	vld [tilespmem:s22+$0x20];
	_ =	sdelay $0x3  }
0x51: {  	v2 =	vshrl.u32 v2, $0x10  }
0x52: {  	[tilespmem:s22+$0x10] =	vst v2;
	v2 =	vand.u32 $0xFFFF, v1  }
0x53: {  	v1 =	vshrl.u32 v1, $0x10;
	[tilespmem:s24+$0x40] =	vst v2  }
0x54: {  	[tilespmem:s23+$0x20] =	vst v1  }
0x55: {  	[spmem:s6] =	stream.linear.scatter [tilespmem:s18], [sflag:$0x5], $0x2800, $0x38;
	[tilespmem:$0x1F780] =	vst v63  }
0x56: {  	_ =	swait.ge [sflag:s17], $0x2800  }
0x57: {  	[sflag:s17] =	ssyncset.done $0x0  }
0x58: {  	[sflag:s17] =	ssyncadd.s32 $0xFFFFD800  }
0x59: {  	[spmem:s7] =	stream.linear.scatter [tilespmem:s18], [sflag:$0x5], $0x2800, $0x38;
	[tilespmem:$0x1F780] =	vst v63  }
0x5a: {  	_ =	swait.ge [sflag:s17], $0x2800  }
0x5b: {  	[sflag:s17] =	ssyncset.done $0x0  }
0x5c: {  	[sflag:s17] =	ssyncadd.s32 $0xFFFFD800  }
0x5d: {  	[spmem:s8] =	stream.linear.scatter [tilespmem:s18], [sflag:$0x5], $0x2800, $0x38;
	[tilespmem:$0x1F780] =	vst v63  }
0x5e: {  	_ =	swait.ge [sflag:s17], $0x2800  }
0x5f: {  	[sflag:s17] =	ssyncset.done $0x0  }
0x60: {  	[sflag:s17] =	ssyncadd.s32 $0xFFFFD800  }
0x61: {  	[spmem:s9] =	stream.linear.scatter [tilespmem:s18], [sflag:$0x5], $0x2800, $0x38;
	[tilespmem:$0x1F780] =	vst v63  }
0x62: {  	_ =	swait.ge [sflag:s17], $0x2800  }
0x63: {  	[sflag:s17] =	ssyncset.done $0x0  }
0x64: {  	[sflag:s17] =	ssyncadd.s32 $0xFFFFD800  }
0x65: {  	[spmem:s10] =	stream.linear.scatter [tilespmem:s18], [sflag:$0x5], $0x2800, $0x38;
	[tilespmem:$0x1F780] =	vst v63  }
0x66: {  	_ =	swait.ge [sflag:s17], $0x2800  }
0x67: {  	[sflag:s17] =	ssyncset.done $0x0  }
0x68: {  	[sflag:s17] =	ssyncadd.s32 $0xFFFFD800  }
0x69: {  	[spmem:s11] =	stream.linear.scatter [tilespmem:s18], [sflag:$0x5], $0x2800, $0x38;
	[tilespmem:$0x1F780] =	vst v63  }
0x6a: {  	_ =	swait.ge [sflag:s17], $0x2800  }
0x6b: {  	[sflag:s17] =	ssyncset.done $0x0  }
0x6c: {  	[sflag:s17] =	ssyncadd.s32 $0xFFFFD800  }
0x6d: {  	[spmem:s12] =	stream.linear.scatter [tilespmem:s18], [sflag:$0x5], $0x2800, $0x38;
	[tilespmem:$0x1F780] =	vst v63  }
0x6e: {  	_ =	swait.ge [sflag:s17], $0x2800  }
0x6f: {  	[sflag:s17] =	ssyncset.done $0x0  }
0x70: {  	[sflag:s17] =	ssyncadd.s32 $0xFFFFD800  }
0x71: {  	[spmem:s13] =	stream.linear.scatter [tilespmem:s18], [sflag:$0x5], $0x2800, $0x38;
	[tilespmem:$0x1F780] =	vst v63  }
.Ltmp4:
0x72: {  	_ =	swait.ge [sflag:s17], $0x2800;
	(pc) =	sbr.rel .LBB2_6-.Ltmp4, $4  }
0x73: {  	[sflag:s17] =	ssyncset.done $0x0  }
0x74: {  	[sflag:s17] =	ssyncadd.s32 $0xFFFFD800  }
0x75: {  	s23 =	simm.s32 $0x0;
	[bflag:$0x0] =	sbarrier.arrive $0xFFFF  }
0x76: {  	[tilespmem:s18], [sflag:$0x1] =	stream.indirect.gather [hbm4b:s4+s19], $0x80, s23, s19, $0xb8;
	[tilespmem:$0x1F780] =	vst v63  }
.LBB2_8:
0x77: {  	s25 =	smul.u32 $0xA000, s22  }
0x78: {  	s26 =	sadd.s32 $0x1, s22;
	s23 =	sshll.u32 s23, $0x7;
	p0 =	slt.u32 s24, $0x7D  }
.Ltmp5:
0x79: {  	s31 =	sadd.s32 $0x3, s22;
	_ =	swait.ge [sflag:s26], $0x2800;
	(pc) =	sbr.rel @!p0 .LBB2_9-.Ltmp5, $4  }
0x7a: {  	s23 =	sand.u32 $0x3FFFFF80, s23;
	s25 =	sshrl.u32 s25, $0x2;
	[sflag:s26] =	ssyncset.done $0x0  }
0x7b: {  	s23 =	sadd.s32 $0x2780, s23;
	s25 =	sadd.s32 $0x6780, s25;
	[sflag:s26] =	ssyncadd.s32 $0xFFFFD800  }
0x7c: {  	[spmem:s1] =	stream.indirect.scatter.add.f32 [tilespmem:s25], [sflag:s31], $0x80, s23, s19, $0xb8;
	[tilespmem:$0x1F780] =	vst v63  }
0x7d: {  	s23 =	smov.u32 s24  }
.LBB2_6:
0x7e: {  	p0 =	seq.s32 s23, $0x0  }
0x7f: {  	p1 =	seq.s32 @!p0 s23, $0x7C  }
0x80: {  	s22 =	sand.u32 $0x1, s23;
	p1 =	por p0, !p1  }
.Ltmp6:
0x81: {  	s25 =	sxor.u32 $0x1, s22;
	(pc) =	sbr.rel @!p1 .LBB2_8-.Ltmp6, $4  }
0x82: {  	s24 =	sadd.s32 @!p0 $0x3, s25  }
0x83: {  	_ =	swait.ge @!p0 [sflag:s24], $0x2800  }
0x84: {  	[sflag:s24] =	ssyncset.done @!p0 $0x0  }
0x85: {  	[sflag:s24] =	ssyncadd.s32 @!p0 $0xFFFFD800;
	s24 =	simm.s32 @!p0 $0x7D  }
0x86: {  	s24 =	sadd.s32 @!p0 $0x1, s23;
	s26 =	smul.u32 $0xA000, s25  }
.Ltmp7:
0x87: {  	s24 =	simm.s32 @p0 $0x1;
	(pc) =	sbr.rel .LBB2_8-.Ltmp7, $4  }
0x88: {  	s28 =	smul.u32 $0x140, s24  }
0x89: {  	s26 =	sshrl.u32 s26, $0x2  }
0x8a: {  	s31 =	sadd.s32 $0x1, s25;
	s26 =	sadd.s32 $0x6780, s26;
	s28 =	sshra.s32 s28, $0x2  }
0x8b: {  	[tilespmem:s26], [sflag:s31] =	stream.indirect.gather [hbm4b:s4+s19], $0x80, s28, s19, $0xb8;
	[tilespmem:$0x1F780] =	vst v63  }
.LBB2_10:
0x8c: {  	_ =	sfence.sel $0x180000  }
0x8d: {  	[bflag:$0x0] =	sbarrier.arrive $0xFFFF  }
0x8e: {  	p0 =	sne.s32 s2, $0x0;
	_ =	strace $0x90000047  }
0x8f: {  	s0 =	sadd.s32 @!p0 $0x100000, s0;
	[bflag:$0x2] =	sbarrier.arrive $0xFFFF  }
0x90: {  	[sflag:s0] =	ssyncadd.tile.s32 @!p0 $0x1;
	_ =	shalt  }
.Lfunc_end2:
_tile_overlayer_lowered:
.L_overlay_start_2:
0x91: {  	(tag) =	ssettag $0x2  }
0x92: {  	s0 =	rddreg [dreg:$0x0];
	s2 =	stileid.u32  }
0x93: {  	s1 =	rddreg [dreg:$0x1];
	p0 =	sne.s32 s2, $0x0  }
0x94: {  	s3 =	rddreg [dreg:$0x2];
	[bflag:$0x3] =	sbarrier.arrive $0xFFFF;
	s2 =	simm.s32 @!p0 $0x1C05  }
0x95: {  	[timem:s3], [sflag:s2] =	dma.local @!p0 [hbm:s0], s1  }
0x96: {  	s0 =	simm.s32 @!p0 $0x5  }
0x97: {  	_ =	swait.ge @!p0 [sflag:s0], s1  }
0x98: {  	s1 =	ssub.s32 @!p0 $0x0, s1;
	[sflag:s0] =	ssyncset.done @!p0 $0x0  }
0x99: {  	[sflag:s0] =	ssyncadd.s32 @!p0 s1  }
0x9a: {  	[bflag:$0x3] =	sbarrier.arrive $0xFFFF  }
0x9b: {  	_ =	shalt  }

// kernel: kernel.14.cloned.1.call-start
scs
__scs_entry_jumppad:
0x0: {  	(pc) =	sbr.rel $0x88, $3  }
0x1: {  	(tag) =	ssettag $0x0;
	lr =	simm.s32 $0x1  }
0x2: {  	[smem:$0x3F97] =	sst lr;
	_ =	strace $0xD0000000  }
0x3: {  	_ = 	snop  }
0x4: {  	_ = 	snop  }
0x5: {  	_ = 	snop  }
0x6: {  	_ = 	snop  }
0x7: {  	_ = 	snop  }
__scs_overlays_trampoline_lowered:
0x8: {  	[smem:$0x3FA6] =	sst s0  }
0x9: {  	[smem:$0x3FA7] =	sst s1  }
0xa: {  	[smem:$0x3FA8] =	sst s2  }
0xb: {  	[smem:$0x3FA9] =	sst s3  }
0xc: {  	[smem:$0x3FAA] =	sst s4  }
0xd: {  	[smem:$0x3FAB] =	sst s5  }
0xe: {  	[smem:$0x3FAC] =	sst s6  }
0xf: {  	[smem:$0x3FAD] =	sst s7  }
0x10: {  	[smem:$0x3FAE] =	sst s8  }
0x11: {  	[smem:$0x3FAF] =	sst s9;
	s0 =	simm.s32 @!p0 $0x0  }
0x12: {  	s1 =	sld [smem:$0x3F95];
	s0 =	simm.s32 @p0 $0x1  }
0x13: {  	[smem:$0x3FB0] =	sst s0;
	s0 =	simm.s32 @!p1 $0x0  }
0x14: {  	s2 =	sld [smem:$0x3F94];
	s0 =	simm.s32 @p1 $0x1  }
0x15: {  	[smem:$0x3FB1] =	sst s0;
	s0 =	simm.s32 @!p2 $0x0  }
0x16: {  	s3 =	sld [smem:$0x3FDB];
	s0 =	simm.s32 @p2 $0x1  }
0x17: {  	s4 =	simm.s32 $0x1BF5;
	[smem:$0x3FB3] =	sst s0  }
0x18: {  	s0 =	sld [smem:$0x3F96];
	_ =	swait.ge [sflag:s4], $0x0  }
0x19: {  	s7 =	sld [smem:$0x3F97]  }
0x1a: {  	s8 =	sadd.s32 $0xFFFFE003, lr  }
0x1b: {  	s9 =	sadd.s32 $0xFFFFFEF7, lr;
	s5 =	simm.s32 $0xFFFFFFFF;
	p2 =	slt.u32 s8, $0xFFFFF086  }
0x1c: {  	p1 =	slt.u32 s9, $0xF7A;
	s5 =	simm.s32 @!p2 $0x0  }
0x1d: {  	s5 =	simm.s32 @p1 $0x1;
	p0 =	seq.s32 s7, s2  }
0x1e: {  	s7 =	smul.u32 @!p0 $0xF7A, s2;
	p2 =	seq.s32 @!p0 s5, $0x0  }
0x1f: {  	s9 =	smul.u32 $0xF7A, s1;
	s8 =	simm.s32 @!p0 $0x1BF5;
	p2 =	por !p2, p0  }
0x20: {  	[sflag:s8] =	ssyncset.s32 @!p0 $0xFFFFF086;
	s6 =	sadd.s32 @!p0 s3, s7;
	s7 =	simm.s32 @!p0 $0x108  }
0x21: {  	s3 =	sadd.s32 s3, s9;
	s6 =	sadd.s32 @!p0 $0x88, s6;
	s7 =	simm.s32 @p2 $0x1082  }
0x22: {  	[simem:s7], [sflag:s8] =	dma.local @!p0 [hbm:s6], $0xF7A  }
0x23: {  	s9 =	sor.u32 $0xD0000000, s2;
	s6 =	simm.s32 $0x108;
	_ =	swait.ge @!p0 [sflag:s8], $0x0  }
0x24: {  	s3 =	sadd.s32 $0x88, s3;
	s6 =	simm.s32 @!p1 $0x1082;
	[sflag:s4] =	ssyncset.s32 $0xFFFFF086  }
0x25: {  	[simem:s6], [sflag:s4] =	dma.local [hbm:s3], $0xF7A  }
0x26: {  	[smem:$0x3F97] =	sst s1;
	(tag) =	ssettag s2;
	_ =	strace s9  }
0x27: {  	s1 =	sld [smem:$0x3FA7]  }
0x28: {  	s2 =	sld [smem:$0x3FA8]  }
0x29: {  	s4 =	sld [smem:$0x3FAA]  }
0x2a: {  	p0 =	seq.s32 s5, $0x0;
	s5 =	sld [smem:$0x3FAB]  }
0x2b: {  	s6 =	sld [smem:$0x3FAC]  }
0x2c: {  	s7 =	sld [smem:$0x3FAD]  }
0x2d: {  	s3 =	simm.s32 $0x108;
	s8 =	sld [smem:$0x3FAE]  }
0x2e: {  	s3 =	simm.s32 @!p0 $0x1082;
	s9 =	sld [smem:$0x3FAF]  }
0x2f: {  	lr =	sadd.s32 s0, s3;
	s0 =	sld [smem:$0x3FA6]  }
0x30: {  	s3 =	sld [smem:$0x3FA9]  }
0x31: {  	[smem:$0x3FB2] =	sst s10  }
0x32: {  	s10 =	sld [smem:$0x3FB0];
	_ =	sdelay $0x3  }
0x33: {  	p0 =	seq.s32 s10, $0x1;
	s10 =	sld [smem:$0x3FB2];
	_ =	sdelay $0x3  }
0x34: {  	[smem:$0x3FB2] =	sst s10  }
0x35: {  	s10 =	sld [smem:$0x3FB1];
	_ =	sdelay $0x3  }
0x36: {  	p1 =	seq.s32 s10, $0x1;
	s10 =	sld [smem:$0x3FB2];
	_ =	sdelay $0x3  }
0x37: {  	[smem:$0x3FB2] =	sst s10  }
0x38: {  	s10 =	sld [smem:$0x3FB3]  }
0x39: {  	_ = 	snop;
	(pc) =	sbr.ind lr, $3  }
0x3a: {  	_ = 	snop  }
0x3b: {  	_ = 	snop  }
0x3c: {  	p2 =	seq.s32 s10, $0x1;
	s10 =	sld [smem:$0x3FB2]  }
0x3d: {  	_ =	shalt  }
0x3e: {  	_ =	shalt  }
0x3f: {  	_ =	shalt  }
0x40: {  	_ =	shalt  }
0x41: {  	_ =	shalt  }
0x42: {  	_ =	shalt  }
0x43: {  	_ =	shalt  }
0x44: {  	_ =	shalt  }
0x45: {  	_ =	shalt  }
0x46: {  	_ =	shalt  }
0x47: {  	_ =	shalt  }
0x48: {  	_ =	shalt  }
0x49: {  	_ =	shalt  }
0x4a: {  	_ =	shalt  }
0x4b: {  	_ =	shalt  }
0x4c: {  	_ =	shalt  }
0x4d: {  	_ =	shalt  }
0x4e: {  	_ =	shalt  }
0x4f: {  	_ =	shalt  }
0x50: {  	_ =	shalt  }
0x51: {  	_ =	shalt  }
0x52: {  	_ =	shalt  }
0x53: {  	_ =	shalt  }
0x54: {  	_ =	shalt  }
0x55: {  	_ =	shalt  }
0x56: {  	_ =	shalt  }
0x57: {  	_ =	shalt  }
0x58: {  	_ =	shalt  }
0x59: {  	_ =	shalt  }
0x5a: {  	_ =	shalt  }
0x5b: {  	_ =	shalt  }
0x5c: {  	_ =	shalt  }
0x5d: {  	_ =	shalt  }
0x5e: {  	_ =	shalt  }
0x5f: {  	_ =	shalt  }
0x60: {  	_ =	shalt  }
0x61: {  	_ =	shalt  }
0x62: {  	_ =	shalt  }
0x63: {  	_ =	shalt  }
0x64: {  	_ =	shalt  }
0x65: {  	_ =	shalt  }
0x66: {  	_ =	shalt  }
0x67: {  	_ =	shalt  }
0x68: {  	_ =	shalt  }
0x69: {  	_ =	shalt  }
0x6a: {  	_ =	shalt  }
0x6b: {  	_ =	shalt  }
0x6c: {  	_ =	shalt  }
0x6d: {  	_ =	shalt  }
0x6e: {  	_ =	shalt  }
0x6f: {  	_ =	shalt  }
0x70: {  	_ =	shalt  }
0x71: {  	_ =	shalt  }
0x72: {  	_ =	shalt  }
0x73: {  	_ =	shalt  }
0x74: {  	_ =	shalt  }
0x75: {  	_ =	shalt  }
0x76: {  	_ =	shalt  }
0x77: {  	_ =	shalt  }
0x78: {  	_ =	shalt  }
0x79: {  	_ =	shalt  }
0x7a: {  	_ =	shalt  }
0x7b: {  	_ =	shalt  }
0x7c: {  	_ =	shalt  }
0x7d: {  	_ =	shalt  }
0x7e: {  	_ =	shalt  }
0x7f: {  	_ =	shalt  }
0x80: {  	_ =	shalt  }
0x81: {  	_ =	shalt  }
0x82: {  	_ =	shalt  }
0x83: {  	_ =	shalt  }
0x84: {  	_ =	shalt  }
0x85: {  	_ =	shalt  }
0x86: {  	_ =	shalt  }
0x87: {  	_ =	shalt  }
.Lfunc_end0:
.L_simem_size_0:
called_computation.2_lowered:
.L_overlay_start_0:
0x88: {  	s2 =	sld [smem:$0x3FD9]  }
0x89: {  	s3 =	sld [smem:$0x3FFE];
	_ =	sdelay $0x1  }
0x8a: {  	s1 =	srdreg.scid  }
0x8b: {  	s0 =	sand.u32 $0x1, s1  }
0x8c: {  	s16 =	sshll.u32 s0, $0xA;
	s2 =	sadd.s32 s3, s2  }
0x8d: {  	s2 =	sadd.s32 s2, s16  }
0x8e: {  	[smem:$0x3FBE] =	sst s2  }
0x8f: {  	_ = 	snop  }
0x90: {  	(tm) =	ssettm $0x1  }
0x91: {  	s17 =	sld [smem:$0x3FFB];
	_ =	sdelay $0x3  }
0x92: {  	_ =	strace s17  }
0x93: {  	s2 =	sld [smem:$0x3FFC];
	_ =	sdelay $0x3  }
0x94: {  	_ =	strace s2  }
0x95: {  	s2 =	sld [smem:$0x3FFD];
	_ =	sdelay $0x3  }
0x96: {  	_ =	strace s2  }
0x97: {  	_ =	strace $0x8FFFFFFF  }
0x98: {  	s18 =	sld [smem:$0x3FDB];
	_ =	sdelay $0x1  }
0x99: {  	s19 =	simm.s32 $_scs_section_size  }
0x9a: {  	s4 =	simm.s32 $_size__tile_overlayer_lowered;
	s5 =	simm.s32 $_tile_overlayer_lowered  }
0x9b: {  	s22 =	simm.s32 $0x1BFF;
	s21 =	sshll.u32 s5, $0x1;
	s2 =	sadd.s32 s19, s18  }
0x9c: {  	s6 =	simm.s32 $0x0;
	s20 =	sshll.u32 s4, $0x1;
	s4 =	sadd.s32 s21, s2  }
0x9d: {  	[timem:s6], [sflag:s22] =	dma.local [hbm:s4], s20  }
0x9e: {  	_ =	swait.ge [sflag:s22], s20  }
0x9f: {  	s3 =	ssub.s32 $0x0, s20;
	[sflag:s22] =	ssyncset.done $0x0  }
0xa0: {  	[sflag:s22] =	ssyncadd.s32 s3;
	_ =	sdelay $0x1  }
0xa1: {  	s23 =	simm.s32 $0x1B8B  }
0xa2: {  	_ =	swait.ge [sflag:s23], $0x1  }
0xa3: {  	[sflag:s23] =	ssyncset.done $0x0  }
0xa4: {  	s25 =	simm.s32 $0x1B8E;
	s24 =	sld [smem:$0x3FFE];
	[sflag:s23] =	ssyncadd.s32 $0xFFFFFFFF  }
0xa5: {  	s26 =	simm.s32 $execute0_lowered;
	[smem:$0x3FD2] =	sst s25  }
0xa6: {  	s4 =	sshll.u32 s26, $0x1;
	_ =	strace $0x8000004C;
	[dreg:$0x1] =	wrdreg $0xFFFFFFFF  }
0xa7: {  	s28 =	simm.s32 $_size_execute0_lowered;
	s2 =	sadd.s32 s2, s4;
	[dreg:$0x0] =	wrdreg $0x0  }
0xa8: {  	s4 =	sshll.u32 s28, $0x1;
	[dreg:$0x2] =	wrdreg s2  }
0xa9: {  	[dreg:$0x3] =	wrdreg s4  }
0xaa: {  	[dreg:$0x4] =	wrdreg $0xC0  }
0xab: {  	_ =	task [dreg:s6], $0x5FFFF  }
0xac: {  	[dreg:$0x1] =	wrdreg $0xFFFFFFFF  }
0xad: {  	[dreg:$0x0] =	wrdreg $0x60  }
0xae: {  	[dreg:$0x2] =	wrdreg s24  }
0xaf: {  	[dreg:$0x3] =	wrdreg $0xB7800  }
0xb0: {  	[dreg:$0x4] =	wrdreg $0x9  }
0xb1: {  	_ =	task.clear_ibuf [dreg:s6], $0x5FFFF;
	_ =	strace $0x9000004C  }
0xb2: {  	s29 =	simm.s32 $0x9;
	_ =	strace $0x8000004E  }
0xb3: {  	_ =	swait.ge [sflag:s29], $0x1  }
0xb4: {  	[sflag:s29] =	ssyncadd.s32 $0xFFFFFFFF  }
0xb5: {  	_ =	strace $0x9000004E  }
0xb6: {  	_ =	sfence  }
0xb7: {  	s30 =	sld [smem:$0x0];
	_ =	sdelay $0x2  }
0xb8: {  	s31 =	sshll.u32 s1, $0xD;
	s1 =	sshrl.u32 s1, $0x2  }
0xb9: {  	s3 =	sand.u32 $0x4000, s31;
	s1 =	sadd.s32 s1, s30  }
0xba: {  	s0 =	sor.u32 s3, s0;
	s1 =	sshll.u32 s1, $0x11  }
0xbb: {  	s0 =	sor.u32 s1, s0  }
0xbc: {  	s0 =	sadd.s32 $0x8F2B, s0  }
0xbd: {  	[sflag:s0] =	ssyncadd.remote.s32 $0x1  }
0xbe: {  	_ =	sfence.sel $0xFFFF  }
0xbf: {  	[dreg:$0x0] =	wrdreg $0xFFFFFFFF;
	(pc) =	sbr.abs _section_cstart, $3  }
0xc0: {  	[dreg:$0x1] =	wrdreg $0xFFFFFFFF  }
0xc1: {  	_ =	task.clear_ibuf [dreg:s6], $0x2FFFF;
	_ =	strace $0x9FFFFFFF  }
0xc2: {  	(tm) =	ssettm $0x7FFFFFFF  }
0xc3: {  	_ =	shalt  }
tec
execute0_lowered:
.L_overlay_start_1:
0x0: {  	(tag) =	ssettag $0x1  }
0x1: {  	s5 =	rddreg [dreg:$0x0]  }
0x2: {  	s1 =	rddreg [dreg:$0x1];
	s2 =	srdreg.scid  }
0x3: {  	s0 =	rddreg [dreg:$0x2];
	s3 =	simm.s32 $0x0;
	s16 =	simm.s32 $0x2780  }
0x4: {  	s17 =	simm.s32 $0x5;
	s18 =	simm.s32 $0x6780;
	s19 =	simm.s32 $0x50  }
0x5: {  	s20 =	simm.s32 $0x3;
	s6 =	sand.u32 $0x1, s2;
	s2 =	stileid.u32  }
0x6: {  	s21 =	simm.s32 $0x0;
	[smem:$0x7FF] =	sst s3;
	s7 =	smul.u32 $0x140000, s6  }
0x7: {  	s4 =	sadd.s32 $0x12400, s5;
	s8 =	smul.u32 $0x14000, s2;
	_ =	strace $0x8000004D  }
0x8: {  	s9 =	sshll.u32 s2, $0xB;
	s28 =	smul.u32 $0x50000, s2;
	s29 =	ssub.s32 $0x2, s6  }
0x9: {  	s6 =	sshll.u32 s6, $0xF;
	s26 =	sadd.s32 s9, s5;
	s30 =	sshrl.u32 s29, $0x1  }
0xa: {  	s7 =	sadd.s32 s8, s7;
	s6 =	sadd.s32 s6, s26;
	s31 =	sshrl.u32 s28, $0x2  }
.Ltmp0:
0xb: {  	s15 =	ssub.s32 s29, s30;
	s7 =	sshrl.u32 s7, $0x3;
	(pc) =	sbr.rel .LBB2_1-.Ltmp0, $4  }
0xc: {  	s14 =	sadd.s32 s7, s5;
	s5 =	sadd.s32 $0x2400, s6;
	s6 =	sadd.s32 s31, s1  }
0xd: {  	s15 =	smax.u32 s15, $0x1;
	s7 =	sadd.s32 $0x2800, s6;
	s8 =	sadd.s32 $0x5000, s6  }
0xe: {  	s9 =	sadd.s32 $0x7800, s6;
	s10 =	sadd.s32 $0xA000, s6;
	s11 =	sadd.s32 $0xC800, s6  }
0xf: {  	v0 =	vimm.f32 $0.0e+00;
	s12 =	sadd.s32 $0xF000, s6;
	s13 =	sadd.s32 $0x11800, s6;
	s14 =	sadd.s32 $0x39600, s14  }
.LBB2_9:
0x10: {  	_ =	swait.ge [sflag:s20], $0x2800  }
0x11: {  	s22 =	sshll.u32 s2, $0x6;
	s21 =	sadd.s32 $0x1, s21;
	[sflag:s20] =	ssyncset.done $0x0  }
0x12: {  	s23 =	sshrl.u32 s6, $0x3;
	p0 =	sne.s32 s21, s15;
	[sflag:s20] =	ssyncadd.s32 $0xFFFFD800  }
.Ltmp1:
0x13: {  	s22 =	sor.u32 $0x1C05, s22;
	[bflag:$0x0] =	sbarrier.arrive $0xFFFF;
	(pc) =	sbr.rel @!p0 .LBB2_10-.Ltmp1, $4  }
0x14: {  	[hbm:s14], [sflag:s22] =	dma.local [spmem:s23], $0x2800  }
0x15: {  	_ =	swait.ge [sflag:s17], $0x2800  }
0x16: {  	[sflag:s17] =	ssyncset.done $0x0  }
0x17: {  	[sflag:s17] =	ssyncadd.s32 $0xFFFFD800  }
.LBB2_1:
0x18: {  	[tilespmem:s16], [sflag:$0x5] =	stream.linear.gather [hbm4b:s5+s3], $0x3E80, $0x38;
	[tilespmem:$0x1F780] =	vst v63  }
0x19: {  	_ =	swait.ge [sflag:s17], $0x3E80  }
0x1a: {  	[sflag:s17] =	ssyncset.done $0x0  }
0x1b: {  	s22 =	simm.s32 $0x0;
	s23 =	simm.s32 $0x200;
	[sflag:s17] =	ssyncadd.s32 $0xFFFFC180  }
.LBB2_2:
0x1c: {  	p0 =	sne.s32 s23, $0x9E00;
	[tilespmem:s22+$0x67F0] =	vst v0  }
0x1d: {  	[tilespmem:s22+$0x6780] =	vst v0  }
0x1e: {  	[tilespmem:s22+$0x6790] =	vst v0  }
.Ltmp2:
0x1f: {  	[tilespmem:s22+$0x67A0] =	vst v0;
	(pc) =	sbr.rel @p0 .LBB2_2-.Ltmp2, $4  }
0x20: {  	[tilespmem:s22+$0x67B0] =	vst v0  }
0x21: {  	[tilespmem:s22+$0x67C0] =	vst v0  }
0x22: {  	[tilespmem:s22+$0x67D0] =	vst v0  }
0x23: {  	[tilespmem:s22+$0x67E0] =	vst v0;
	s22 =	sshra.s32 s23, $0x2;
	s23 =	sadd.s32 $0x200, s23  }
0x24: {  	[tilespmem:s22+$0x67F0] =	vst v0  }
0x25: {  	[tilespmem:s22+$0x6780] =	vst v0  }
0x26: {  	[tilespmem:s22+$0x6790] =	vst v0  }
0x27: {  	[tilespmem:s22+$0x67A0] =	vst v0  }
0x28: {  	[tilespmem:s22+$0x67B0] =	vst v0  }
0x29: {  	[tilespmem:s22+$0x67C0] =	vst v0  }
0x2a: {  	[tilespmem:s22+$0x67D0] =	vst v0  }
0x2b: {  	[tilespmem:s22+$0x67E0] =	vst v0;
	s22 =	simm.s32 $0x27A0  }
0x2c: {  	s24 =	simm.s32 $0x0;
	s25 =	simm.s32 $0x140;
	s23 =	simm.s32 $0x27A0;
	v1 =	vld [tilespmem:s22+$0xFFFFFFE0]  }
.LBB2_4:
0x2d: {  	p0 =	sne.s32 s25, $0x9B00;
	_ =	sdelay $0x3  }
0x2e: {  	s26 =	sshra.s32 s24, $0x2;
	s24 =	smov.u32 s25;
	v2 =	vand.u32 $0xFFFF, v1  }
0x2f: {  	[tilespmem:s26+$0x0] =	vst v2  }
0x30: {  	v2 =	vld [tilespmem:s22+$0xFFFFFFF0];
	_ =	sdelay $0x3  }
0x31: {  	v1 =	vshrl.u32 v1, $0x10  }
0x32: {  	[tilespmem:s22+$0xFFFFFFE0] =	vst v1;
	v1 =	vand.u32 $0xFFFF, v2  }
0x33: {  	[tilespmem:s26+$0x10] =	vst v1  }
0x34: {  	v1 =	vld [tilespmem:s22+$0x0];
	_ =	sdelay $0x3  }
0x35: {  	v2 =	vshrl.u32 v2, $0x10  }
0x36: {  	[tilespmem:s22+$0xFFFFFFF0] =	vst v2;
	v2 =	vand.u32 $0xFFFF, v1;
	v1 =	vshrl.u32 v1, $0x10  }
0x37: {  	[tilespmem:s26+$0x20] =	vst v2  }
0x38: {  	v2 =	vld [tilespmem:s22+$0x10];
	_ =	sdelay $0x4  }
0x39: {  	[tilespmem:s22+$0x0] =	vst v1;
	v1 =	vand.u32 $0xFFFF, v2;
	v2 =	vshrl.u32 v2, $0x10  }
0x3a: {  	[tilespmem:s26+$0x30] =	vst v1  }
0x3b: {  	v1 =	vld [tilespmem:s22+$0x20];
	_ =	sdelay $0x2  }
.Ltmp3:
0x3c: {  	(pc) =	sbr.rel @p0 .LBB2_4-.Ltmp3, $4  }
0x3d: {  	_ = 	snop  }
0x3e: {  	[tilespmem:s22+$0x10] =	vst v2;
	v2 =	vand.u32 $0xFFFF, v1;
	v3 =	vshrl.u32 v1, $0x10  }
0x3f: {  	s22 =	sadd.s32 $0x80, s22;
	[tilespmem:s26+$0x40] =	vst v2  }
0x40: {  	s25 =	sadd.s32 $0x140, s25;
	v1 =	vld [tilespmem:s22+$0xFFFFFFE0];
	[tilespmem:s23+$0x20] =	vst v3;
	s23 =	smov.u32 s22  }
0x41: {  	_ =	sdelay $0x3  }
0x42: {  	s24 =	sshra.s32 s24, $0x2;
	v2 =	vand.u32 $0xFFFF, v1  }
0x43: {  	[tilespmem:s24+$0x0] =	vst v2  }
0x44: {  	v2 =	vld [tilespmem:s22+$0xFFFFFFF0];
	_ =	sdelay $0x3  }
0x45: {  	v1 =	vshrl.u32 v1, $0x10  }
0x46: {  	[tilespmem:s22+$0xFFFFFFE0] =	vst v1;
	v1 =	vand.u32 $0xFFFF, v2  }
0x47: {  	[tilespmem:s24+$0x10] =	vst v1  }
0x48: {  	v1 =	vld [tilespmem:s22+$0x0];
	_ =	sdelay $0x3  }
0x49: {  	v2 =	vshrl.u32 v2, $0x10  }
0x4a: {  	[tilespmem:s22+$0xFFFFFFF0] =	vst v2;
	v2 =	vand.u32 $0xFFFF, v1  }
0x4b: {  	[tilespmem:s24+$0x20] =	vst v2  }
0x4c: {  	v2 =	vld [tilespmem:s22+$0x10];
	_ =	sdelay $0x3  }
0x4d: {  	v1 =	vshrl.u32 v1, $0x10  }
0x4e: {  	[tilespmem:s22+$0x0] =	vst v1;
	v1 =	vand.u32 $0xFFFF, v2  }
0x4f: {  	[tilespmem:s24+$0x30] =	vst v1  }
0x50: {  	v1 =	vld [tilespmem:s22+$0x20];
	_ =	sdelay $0x3  }
0x51: {  	v2 =	vshrl.u32 v2, $0x10  }
0x52: {  	[tilespmem:s22+$0x10] =	vst v2;
	v2 =	vand.u32 $0xFFFF, v1  }
0x53: {  	v1 =	vshrl.u32 v1, $0x10;
	[tilespmem:s24+$0x40] =	vst v2  }
0x54: {  	[tilespmem:s23+$0x20] =	vst v1  }
0x55: {  	[spmem:s6] =	stream.linear.scatter [tilespmem:s18], [sflag:$0x5], $0x2800, $0x38;
	[tilespmem:$0x1F780] =	vst v63  }
0x56: {  	_ =	swait.ge [sflag:s17], $0x2800  }
0x57: {  	[sflag:s17] =	ssyncset.done $0x0  }
0x58: {  	[sflag:s17] =	ssyncadd.s32 $0xFFFFD800  }
0x59: {  	[spmem:s7] =	stream.linear.scatter [tilespmem:s18], [sflag:$0x5], $0x2800, $0x38;
	[tilespmem:$0x1F780] =	vst v63  }
0x5a: {  	_ =	swait.ge [sflag:s17], $0x2800  }
0x5b: {  	[sflag:s17] =	ssyncset.done $0x0  }
0x5c: {  	[sflag:s17] =	ssyncadd.s32 $0xFFFFD800  }
0x5d: {  	[spmem:s8] =	stream.linear.scatter [tilespmem:s18], [sflag:$0x5], $0x2800, $0x38;
	[tilespmem:$0x1F780] =	vst v63  }
0x5e: {  	_ =	swait.ge [sflag:s17], $0x2800  }
0x5f: {  	[sflag:s17] =	ssyncset.done $0x0  }
0x60: {  	[sflag:s17] =	ssyncadd.s32 $0xFFFFD800  }
0x61: {  	[spmem:s9] =	stream.linear.scatter [tilespmem:s18], [sflag:$0x5], $0x2800, $0x38;
	[tilespmem:$0x1F780] =	vst v63  }
0x62: {  	_ =	swait.ge [sflag:s17], $0x2800  }
0x63: {  	[sflag:s17] =	ssyncset.done $0x0  }
0x64: {  	[sflag:s17] =	ssyncadd.s32 $0xFFFFD800  }
0x65: {  	[spmem:s10] =	stream.linear.scatter [tilespmem:s18], [sflag:$0x5], $0x2800, $0x38;
	[tilespmem:$0x1F780] =	vst v63  }
0x66: {  	_ =	swait.ge [sflag:s17], $0x2800  }
0x67: {  	[sflag:s17] =	ssyncset.done $0x0  }
0x68: {  	[sflag:s17] =	ssyncadd.s32 $0xFFFFD800  }
0x69: {  	[spmem:s11] =	stream.linear.scatter [tilespmem:s18], [sflag:$0x5], $0x2800, $0x38;
	[tilespmem:$0x1F780] =	vst v63  }
0x6a: {  	_ =	swait.ge [sflag:s17], $0x2800  }
0x6b: {  	[sflag:s17] =	ssyncset.done $0x0  }
0x6c: {  	[sflag:s17] =	ssyncadd.s32 $0xFFFFD800  }
0x6d: {  	[spmem:s12] =	stream.linear.scatter [tilespmem:s18], [sflag:$0x5], $0x2800, $0x38;
	[tilespmem:$0x1F780] =	vst v63  }
0x6e: {  	_ =	swait.ge [sflag:s17], $0x2800  }
0x6f: {  	[sflag:s17] =	ssyncset.done $0x0  }
0x70: {  	[sflag:s17] =	ssyncadd.s32 $0xFFFFD800  }
0x71: {  	[spmem:s13] =	stream.linear.scatter [tilespmem:s18], [sflag:$0x5], $0x2800, $0x38;
	[tilespmem:$0x1F780] =	vst v63  }
.Ltmp4:
0x72: {  	_ =	swait.ge [sflag:s17], $0x2800;
	(pc) =	sbr.rel .LBB2_6-.Ltmp4, $4  }
0x73: {  	[sflag:s17] =	ssyncset.done $0x0  }
0x74: {  	[sflag:s17] =	ssyncadd.s32 $0xFFFFD800  }
0x75: {  	s23 =	simm.s32 $0x0;
	[bflag:$0x0] =	sbarrier.arrive $0xFFFF  }
0x76: {  	[tilespmem:s18], [sflag:$0x1] =	stream.indirect.gather [hbm4b:s4+s19], $0x80, s23, s19, $0xb8;
	[tilespmem:$0x1F780] =	vst v63  }
.LBB2_8:
0x77: {  	s25 =	smul.u32 $0xA000, s22  }
0x78: {  	s26 =	sadd.s32 $0x1, s22;
	s23 =	sshll.u32 s23, $0x7;
	p0 =	slt.u32 s24, $0x7D  }
.Ltmp5:
0x79: {  	s31 =	sadd.s32 $0x3, s22;
	_ =	swait.ge [sflag:s26], $0x2800;
	(pc) =	sbr.rel @!p0 .LBB2_9-.Ltmp5, $4  }
0x7a: {  	s23 =	sand.u32 $0x3FFFFF80, s23;
	s25 =	sshrl.u32 s25, $0x2;
	[sflag:s26] =	ssyncset.done $0x0  }
0x7b: {  	s23 =	sadd.s32 $0x2780, s23;
	s25 =	sadd.s32 $0x6780, s25;
	[sflag:s26] =	ssyncadd.s32 $0xFFFFD800  }
0x7c: {  	[spmem:s1] =	stream.indirect.scatter.add.f32 [tilespmem:s25], [sflag:s31], $0x80, s23, s19, $0xb8;
	[tilespmem:$0x1F780] =	vst v63  }
0x7d: {  	s23 =	smov.u32 s24  }
.LBB2_6:
0x7e: {  	p0 =	seq.s32 s23, $0x0  }
0x7f: {  	p1 =	seq.s32 @!p0 s23, $0x7C  }
0x80: {  	s22 =	sand.u32 $0x1, s23;
	p1 =	por p0, !p1  }
.Ltmp6:
0x81: {  	s25 =	sxor.u32 $0x1, s22;
	(pc) =	sbr.rel @!p1 .LBB2_8-.Ltmp6, $4  }
0x82: {  	s24 =	sadd.s32 @!p0 $0x3, s25  }
0x83: {  	_ =	swait.ge @!p0 [sflag:s24], $0x2800  }
0x84: {  	[sflag:s24] =	ssyncset.done @!p0 $0x0  }
0x85: {  	[sflag:s24] =	ssyncadd.s32 @!p0 $0xFFFFD800;
	s24 =	simm.s32 @!p0 $0x7D  }
0x86: {  	s24 =	sadd.s32 @!p0 $0x1, s23;
	s26 =	smul.u32 $0xA000, s25  }
.Ltmp7:
0x87: {  	s24 =	simm.s32 @p0 $0x1;
	(pc) =	sbr.rel .LBB2_8-.Ltmp7, $4  }
0x88: {  	s28 =	smul.u32 $0x140, s24  }
0x89: {  	s26 =	sshrl.u32 s26, $0x2  }
0x8a: {  	s31 =	sadd.s32 $0x1, s25;
	s26 =	sadd.s32 $0x6780, s26;
	s28 =	sshra.s32 s28, $0x2  }
0x8b: {  	[tilespmem:s26], [sflag:s31] =	stream.indirect.gather [hbm4b:s4+s19], $0x80, s28, s19, $0xb8;
	[tilespmem:$0x1F780] =	vst v63  }
.LBB2_10:
0x8c: {  	_ =	sfence.sel $0x180000  }
0x8d: {  	[bflag:$0x0] =	sbarrier.arrive $0xFFFF  }
0x8e: {  	p0 =	sne.s32 s2, $0x0;
	_ =	strace $0x9000004D  }
0x8f: {  	s0 =	sadd.s32 @!p0 $0x100000, s0;
	[bflag:$0x2] =	sbarrier.arrive $0xFFFF  }
0x90: {  	[sflag:s0] =	ssyncadd.tile.s32 @!p0 $0x1;
	_ =	shalt  }
.Lfunc_end2:
_tile_overlayer_lowered:
.L_overlay_start_2:
0x91: {  	(tag) =	ssettag $0x2  }
0x92: {  	s0 =	rddreg [dreg:$0x0];
	s2 =	stileid.u32  }
0x93: {  	s1 =	rddreg [dreg:$0x1];
	p0 =	sne.s32 s2, $0x0  }
0x94: {  	s3 =	rddreg [dreg:$0x2];
	[bflag:$0x3] =	sbarrier.arrive $0xFFFF;
	s2 =	simm.s32 @!p0 $0x1C05  }
0x95: {  	[timem:s3], [sflag:s2] =	dma.local @!p0 [hbm:s0], s1  }
0x96: {  	s0 =	simm.s32 @!p0 $0x5  }
0x97: {  	_ =	swait.ge @!p0 [sflag:s0], s1  }
0x98: {  	s1 =	ssub.s32 @!p0 $0x0, s1;
	[sflag:s0] =	ssyncset.done @!p0 $0x0  }
0x99: {  	[sflag:s0] =	ssyncadd.s32 @!p0 s1  }
0x9a: {  	[bflag:$0x3] =	sbarrier.arrive $0xFFFF  }
0x9b: {  	_ =	shalt  }

// kernel: kernel.8.cloned.1.call-start
scs
__scs_entry_jumppad:
0x0: {  	(pc) =	sbr.rel $0x88, $3  }
0x1: {  	(tag) =	ssettag $0x0;
	lr =	simm.s32 $0x1  }
0x2: {  	[smem:$0x3F97] =	sst lr;
	_ =	strace $0xD0000000  }
0x3: {  	_ = 	snop  }
0x4: {  	_ = 	snop  }
0x5: {  	_ = 	snop  }
0x6: {  	_ = 	snop  }
0x7: {  	_ = 	snop  }
__scs_overlays_trampoline_lowered:
0x8: {  	[smem:$0x3FA6] =	sst s0  }
0x9: {  	[smem:$0x3FA7] =	sst s1  }
0xa: {  	[smem:$0x3FA8] =	sst s2  }
0xb: {  	[smem:$0x3FA9] =	sst s3  }
0xc: {  	[smem:$0x3FAA] =	sst s4  }
0xd: {  	[smem:$0x3FAB] =	sst s5  }
0xe: {  	[smem:$0x3FAC] =	sst s6  }
0xf: {  	[smem:$0x3FAD] =	sst s7  }
0x10: {  	[smem:$0x3FAE] =	sst s8  }
0x11: {  	[smem:$0x3FAF] =	sst s9;
	s0 =	simm.s32 @!p0 $0x0  }
0x12: {  	s1 =	sld [smem:$0x3F95];
	s0 =	simm.s32 @p0 $0x1  }
0x13: {  	[smem:$0x3FB0] =	sst s0;
	s0 =	simm.s32 @!p1 $0x0  }
0x14: {  	s2 =	sld [smem:$0x3F94];
	s0 =	simm.s32 @p1 $0x1  }
0x15: {  	[smem:$0x3FB1] =	sst s0;
	s0 =	simm.s32 @!p2 $0x0  }
0x16: {  	s3 =	sld [smem:$0x3FDB];
	s0 =	simm.s32 @p2 $0x1  }
0x17: {  	s4 =	simm.s32 $0x1BF5;
	[smem:$0x3FB3] =	sst s0  }
0x18: {  	s0 =	sld [smem:$0x3F96];
	_ =	swait.ge [sflag:s4], $0x0  }
0x19: {  	s7 =	sld [smem:$0x3F97]  }
0x1a: {  	s8 =	sadd.s32 $0xFFFFE003, lr  }
0x1b: {  	s9 =	sadd.s32 $0xFFFFFEF7, lr;
	s5 =	simm.s32 $0xFFFFFFFF;
	p2 =	slt.u32 s8, $0xFFFFF086  }
0x1c: {  	p1 =	slt.u32 s9, $0xF7A;
	s5 =	simm.s32 @!p2 $0x0  }
0x1d: {  	s5 =	simm.s32 @p1 $0x1;
	p0 =	seq.s32 s7, s2  }
0x1e: {  	s7 =	smul.u32 @!p0 $0xF7A, s2;
	p2 =	seq.s32 @!p0 s5, $0x0  }
0x1f: {  	s9 =	smul.u32 $0xF7A, s1;
	s8 =	simm.s32 @!p0 $0x1BF5;
	p2 =	por !p2, p0  }
0x20: {  	[sflag:s8] =	ssyncset.s32 @!p0 $0xFFFFF086;
	s6 =	sadd.s32 @!p0 s3, s7;
	s7 =	simm.s32 @!p0 $0x108  }
0x21: {  	s3 =	sadd.s32 s3, s9;
	s6 =	sadd.s32 @!p0 $0x88, s6;
	s7 =	simm.s32 @p2 $0x1082  }
0x22: {  	[simem:s7], [sflag:s8] =	dma.local @!p0 [hbm:s6], $0xF7A  }
0x23: {  	s9 =	sor.u32 $0xD0000000, s2;
	s6 =	simm.s32 $0x108;
	_ =	swait.ge @!p0 [sflag:s8], $0x0  }
0x24: {  	s3 =	sadd.s32 $0x88, s3;
	s6 =	simm.s32 @!p1 $0x1082;
	[sflag:s4] =	ssyncset.s32 $0xFFFFF086  }
0x25: {  	[simem:s6], [sflag:s4] =	dma.local [hbm:s3], $0xF7A  }
0x26: {  	[smem:$0x3F97] =	sst s1;
	(tag) =	ssettag s2;
	_ =	strace s9  }
0x27: {  	s1 =	sld [smem:$0x3FA7]  }
0x28: {  	s2 =	sld [smem:$0x3FA8]  }
0x29: {  	s4 =	sld [smem:$0x3FAA]  }
0x2a: {  	p0 =	seq.s32 s5, $0x0;
	s5 =	sld [smem:$0x3FAB]  }
0x2b: {  	s6 =	sld [smem:$0x3FAC]  }
0x2c: {  	s7 =	sld [smem:$0x3FAD]  }
0x2d: {  	s3 =	simm.s32 $0x108;
	s8 =	sld [smem:$0x3FAE]  }
0x2e: {  	s3 =	simm.s32 @!p0 $0x1082;
	s9 =	sld [smem:$0x3FAF]  }
0x2f: {  	lr =	sadd.s32 s0, s3;
	s0 =	sld [smem:$0x3FA6]  }
0x30: {  	s3 =	sld [smem:$0x3FA9]  }
0x31: {  	[smem:$0x3FB2] =	sst s10  }
0x32: {  	s10 =	sld [smem:$0x3FB0];
	_ =	sdelay $0x3  }
0x33: {  	p0 =	seq.s32 s10, $0x1;
	s10 =	sld [smem:$0x3FB2];
	_ =	sdelay $0x3  }
0x34: {  	[smem:$0x3FB2] =	sst s10  }
0x35: {  	s10 =	sld [smem:$0x3FB1];
	_ =	sdelay $0x3  }
0x36: {  	p1 =	seq.s32 s10, $0x1;
	s10 =	sld [smem:$0x3FB2];
	_ =	sdelay $0x3  }
0x37: {  	[smem:$0x3FB2] =	sst s10  }
0x38: {  	s10 =	sld [smem:$0x3FB3]  }
0x39: {  	_ = 	snop;
	(pc) =	sbr.ind lr, $3  }
0x3a: {  	_ = 	snop  }
0x3b: {  	_ = 	snop  }
0x3c: {  	p2 =	seq.s32 s10, $0x1;
	s10 =	sld [smem:$0x3FB2]  }
0x3d: {  	_ =	shalt  }
0x3e: {  	_ =	shalt  }
0x3f: {  	_ =	shalt  }
0x40: {  	_ =	shalt  }
0x41: {  	_ =	shalt  }
0x42: {  	_ =	shalt  }
0x43: {  	_ =	shalt  }
0x44: {  	_ =	shalt  }
0x45: {  	_ =	shalt  }
0x46: {  	_ =	shalt  }
0x47: {  	_ =	shalt  }
0x48: {  	_ =	shalt  }
0x49: {  	_ =	shalt  }
0x4a: {  	_ =	shalt  }
0x4b: {  	_ =	shalt  }
0x4c: {  	_ =	shalt  }
0x4d: {  	_ =	shalt  }
0x4e: {  	_ =	shalt  }
0x4f: {  	_ =	shalt  }
0x50: {  	_ =	shalt  }
0x51: {  	_ =	shalt  }
0x52: {  	_ =	shalt  }
0x53: {  	_ =	shalt  }
0x54: {  	_ =	shalt  }
0x55: {  	_ =	shalt  }
0x56: {  	_ =	shalt  }
0x57: {  	_ =	shalt  }
0x58: {  	_ =	shalt  }
0x59: {  	_ =	shalt  }
0x5a: {  	_ =	shalt  }
0x5b: {  	_ =	shalt  }
0x5c: {  	_ =	shalt  }
0x5d: {  	_ =	shalt  }
0x5e: {  	_ =	shalt  }
0x5f: {  	_ =	shalt  }
0x60: {  	_ =	shalt  }
0x61: {  	_ =	shalt  }
0x62: {  	_ =	shalt  }
0x63: {  	_ =	shalt  }
0x64: {  	_ =	shalt  }
0x65: {  	_ =	shalt  }
0x66: {  	_ =	shalt  }
0x67: {  	_ =	shalt  }
0x68: {  	_ =	shalt  }
0x69: {  	_ =	shalt  }
0x6a: {  	_ =	shalt  }
0x6b: {  	_ =	shalt  }
0x6c: {  	_ =	shalt  }
0x6d: {  	_ =	shalt  }
0x6e: {  	_ =	shalt  }
0x6f: {  	_ =	shalt  }
0x70: {  	_ =	shalt  }
0x71: {  	_ =	shalt  }
0x72: {  	_ =	shalt  }
0x73: {  	_ =	shalt  }
0x74: {  	_ =	shalt  }
0x75: {  	_ =	shalt  }
0x76: {  	_ =	shalt  }
0x77: {  	_ =	shalt  }
0x78: {  	_ =	shalt  }
0x79: {  	_ =	shalt  }
0x7a: {  	_ =	shalt  }
0x7b: {  	_ =	shalt  }
0x7c: {  	_ =	shalt  }
0x7d: {  	_ =	shalt  }
0x7e: {  	_ =	shalt  }
0x7f: {  	_ =	shalt  }
0x80: {  	_ =	shalt  }
0x81: {  	_ =	shalt  }
0x82: {  	_ =	shalt  }
0x83: {  	_ =	shalt  }
0x84: {  	_ =	shalt  }
0x85: {  	_ =	shalt  }
0x86: {  	_ =	shalt  }
0x87: {  	_ =	shalt  }
.Lfunc_end0:
.L_simem_size_0:
called_computation_lowered:
.L_overlay_start_0:
0x88: {  	s2 =	sld [smem:$0x3FD9]  }
0x89: {  	s3 =	sld [smem:$0x3FFE];
	_ =	sdelay $0x1  }
0x8a: {  	s1 =	srdreg.scid  }
0x8b: {  	s0 =	sand.u32 $0x1, s1  }
0x8c: {  	s17 =	sshll.u32 s0, $0xA;
	s2 =	sadd.s32 s3, s2  }
0x8d: {  	s2 =	sadd.s32 s2, s17  }
0x8e: {  	[smem:$0x3FBE] =	sst s2  }
0x8f: {  	_ = 	snop  }
0x90: {  	(tm) =	ssettm $0x1  }
0x91: {  	s18 =	sld [smem:$0x3FFB];
	_ =	sdelay $0x3  }
0x92: {  	_ =	strace s18  }
0x93: {  	s2 =	sld [smem:$0x3FFC];
	_ =	sdelay $0x3  }
0x94: {  	_ =	strace s2  }
0x95: {  	s2 =	sld [smem:$0x3FFD];
	_ =	sdelay $0x3  }
0x96: {  	_ =	strace s2  }
0x97: {  	_ =	strace $0x8FFFFFFF  }
0x98: {  	s19 =	sld [smem:$0x3FDB];
	_ =	sdelay $0x1  }
0x99: {  	s20 =	simm.s32 $_scs_section_size  }
0x9a: {  	s4 =	simm.s32 $_size__tile_overlayer_lowered;
	s5 =	simm.s32 $_tile_overlayer_lowered  }
0x9b: {  	s6 =	simm.s32 $0x1BFF;
	s21 =	sshll.u32 s5, $0x1;
	s3 =	sadd.s32 s20, s19  }
0x9c: {  	s22 =	simm.s32 $0x0;
	s4 =	sshll.u32 s4, $0x1;
	s5 =	sadd.s32 s21, s3  }
0x9d: {  	[timem:s22], [sflag:s6] =	dma.local [hbm:s5], s4  }
0x9e: {  	_ =	swait.ge [sflag:s6], s4  }
0x9f: {  	s4 =	ssub.s32 $0x0, s4;
	[sflag:s6] =	ssyncset.done $0x0  }
0xa0: {  	[sflag:s6] =	ssyncadd.s32 s4;
	_ =	sdelay $0x1  }
0xa1: {  	s23 =	simm.s32 $0x1B8B  }
0xa2: {  	_ =	swait.ge [sflag:s23], $0x1  }
0xa3: {  	[sflag:s23] =	ssyncset.done $0x0  }
0xa4: {  	[sflag:s23] =	ssyncadd.s32 $0xFFFFFFFF  }
0xa5: {  	s4 =	sld [smem:$0x0]  }
0xa6: {  	s5 =	sand.u32 $0xFFFFFFFE, s1  }
0xa7: {  	p0 =	sne.s32 s1, s5  }
0xa8: {  	s5 =	sshll.u32 @p0 s5, $0xE  }
0xa9: {  	s5 =	sadd.s32 @p0 $0x11B8D, s5;
	s6 =	sshll.u32 @p0 s4, $0x11  }
0xaa: {  	s5 =	sor.u32 @p0 s6, s5  }
0xab: {  	[sflag:s5] =	ssyncadd.remote.s32 @p0 $0x1;
	_ =	sdelay $0x1  }
0xac: {  	s5 =	simm.s32 @p0 $0x1B8D  }
0xad: {  	_ =	swait.eq @p0 [sflag:s5], $0x1  }
0xae: {  	[sflag:s5] =	ssyncadd.s32 @p0 $0xFFFFFFFF  }
0xaf: {  	s6 =	sshll.u32 @!p0 s1, $0xE  }
0xb0: {  	s6 =	sor.u32 @!p0 $0x4000, s6;
	s5 =	simm.s32 @!p0 $0x1B8D  }
0xb1: {  	s4 =	sshll.u32 @!p0 s4, $0x11;
	s6 =	sadd.s32 @!p0 $0x11B8D, s6;
	_ =	swait.eq @!p0 [sflag:s5], $0x1  }
0xb2: {  	s4 =	sor.u32 @!p0 s4, s6;
	[sflag:s5] =	ssyncadd.s32 @!p0 $0xFFFFFFFF  }
0xb3: {  	s25 =	simm.s32 $0x1B8E;
	s24 =	sld [smem:$0x3FFE];
	[sflag:s4] =	ssyncadd.remote.s32 @!p0 $0x1  }
0xb4: {  	s26 =	simm.s32 $execute0_lowered;
	[smem:$0x3FD2] =	sst s25  }
0xb5: {  	s5 =	sshll.u32 s26, $0x1;
	_ =	strace $0x80000049;
	[dreg:$0x1] =	wrdreg $0xFFFFFFFF  }
0xb6: {  	s28 =	simm.s32 $_size_execute0_lowered;
	s3 =	sadd.s32 s3, s5;
	[dreg:$0x0] =	wrdreg $0x0  }
0xb7: {  	s5 =	sshll.u32 s28, $0x1;
	[dreg:$0x2] =	wrdreg s3  }
0xb8: {  	[dreg:$0x3] =	wrdreg s5  }
0xb9: {  	[dreg:$0x4] =	wrdreg $0xC0  }
0xba: {  	_ =	task [dreg:s22], $0x5FFFF  }
0xbb: {  	[dreg:$0x1] =	wrdreg $0xFFFFFFFF  }
0xbc: {  	[dreg:$0x0] =	wrdreg $0x60  }
0xbd: {  	[dreg:$0x2] =	wrdreg s24  }
0xbe: {  	[dreg:$0x3] =	wrdreg $0x68000  }
0xbf: {  	[dreg:$0x4] =	wrdreg $0x9  }
0xc0: {  	_ =	task.clear_ibuf [dreg:s22], $0x5FFFF;
	_ =	strace $0x90000049  }
0xc1: {  	s29 =	simm.s32 $0x9;
	_ =	strace $0x8000004B  }
0xc2: {  	_ =	swait.ge [sflag:s29], $0x1  }
0xc3: {  	[sflag:s29] =	ssyncadd.s32 $0xFFFFFFFF  }
0xc4: {  	_ =	strace $0x9000004B  }
0xc5: {  	_ =	sfence  }
0xc6: {  	s30 =	sld [smem:$0x0];
	_ =	sdelay $0x2  }
0xc7: {  	s31 =	sshll.u32 s1, $0xD;
	s1 =	sshrl.u32 s1, $0x2  }
0xc8: {  	s4 =	sand.u32 $0x4000, s31;
	s1 =	sadd.s32 s1, s30  }
0xc9: {  	s0 =	sor.u32 s4, s0;
	s1 =	sshll.u32 s1, $0x11  }
0xca: {  	s0 =	sor.u32 s1, s0  }
0xcb: {  	s0 =	sadd.s32 $0x8F2B, s0  }
0xcc: {  	[sflag:s0] =	ssyncadd.remote.s32 $0x1  }
0xcd: {  	_ =	sfence.sel $0xFFFF  }
0xce: {  	[dreg:$0x0] =	wrdreg $0xFFFFFFFF;
	(pc) =	sbr.abs _section_cstart, $3  }
0xcf: {  	[dreg:$0x1] =	wrdreg $0xFFFFFFFF  }
0xd0: {  	_ =	task.clear_ibuf [dreg:s22], $0x2FFFF;
	_ =	strace $0x9FFFFFFF  }
0xd1: {  	(tm) =	ssettm $0x7FFFFFFF  }
tec
execute0_lowered:
.L_overlay_start_1:
0x0: {  	(tag) =	ssettag $0x1  }
0x1: {  	s4 =	rddreg [dreg:$0x0]  }
0x2: {  	s2 =	rddreg [dreg:$0x1]  }
0x3: {  	s0 =	srdreg.scid;
	s1 =	rddreg [dreg:$0x2];
	s3 =	simm.s32 $0x0  }
0x4: {  	s15 =	simm.s32 $0x3;
	s16 =	simm.s32 $0x4000;
	s17 =	simm.s32 $0x50  }
0x5: {  	s18 =	simm.s32 $0x80;
	s19 =	simm.s32 $0x2;
	s5 =	sand.u32 $0x1, s0  }
0x6: {  	s20 =	simm.s32 $0x1;
	s0 =	stileid.u32;
	s6 =	smul.u32 $0x140000, s5  }
0x7: {  	s21 =	simm.s32 $0x0;
	[smem:$0x7FF] =	sst s3;
	s7 =	smul.u32 $0x14000, s0  }
0x8: {  	s26 =	sshll.u32 s0, $0xB;
	s8 =	smul.u32 $0x50000, s0;
	s28 =	ssub.s32 $0x2, s5  }
0x9: {  	_ =	strace $0x8000004A;
	s29 =	sshll.u32 s5, $0xF;
	s31 =	sshrl.u32 s28, $0x1  }
0xa: {  	s6 =	sadd.s32 s7, s6;
	s7 =	sadd.s32 s26, s4;
	s30 =	sshrl.u32 s8, $0x2  }
0xb: {  	s14 =	ssub.s32 s28, s31;
	s6 =	sshrl.u32 s6, $0x3;
	s7 =	sadd.s32 s29, s7  }
0xc: {  	s14 =	smax.u32 s14, $0x1;
	s13 =	sadd.s32 s6, s4;
	s4 =	sadd.s32 s30, s2  }
0xd: {  	s5 =	sadd.s32 $0x2400, s7;
	s6 =	sadd.s32 $0x2800, s4;
	s7 =	sadd.s32 $0x5000, s4  }
0xe: {  	s8 =	sadd.s32 $0x7800, s4;
	s9 =	sadd.s32 $0xA000, s4;
	s10 =	sadd.s32 $0xC800, s4  }
0xf: {  	v0 =	vimm.f32 $0.0e+00;
	v1 =	vimm.f32 $1.000000000e+00;
	s11 =	sadd.s32 $0xF000, s4;
	s12 =	sadd.s32 $0x11800, s4;
	s13 =	sadd.s32 $0x89600, s13  }
.LBB2_1:
0x10: {  	[tilespmem:s3], [sflag:$0x3] =	stream.linear.gather [hbm4b:s5+s3], $0x3E80, $0x38;
	[tilespmem:$0x1A800] =	vst v63  }
0x11: {  	_ =	swait.ge [sflag:s15], $0x3E80  }
0x12: {  	[sflag:s15] =	ssyncset.done $0x0  }
0x13: {  	s22 =	simm.s32 $0x0;
	s23 =	simm.s32 $0x200;
	[sflag:s15] =	ssyncadd.s32 $0xFFFFC180  }
.LBB2_2:
0x14: {  	p0 =	sne.s32 s23, $0x9E00;
	[tilespmem:s22+$0x4070] =	vst v0  }
0x15: {  	[tilespmem:s22+$0x4000] =	vst v0  }
0x16: {  	[tilespmem:s22+$0x4010] =	vst v0  }
.Ltmp0:
0x17: {  	[tilespmem:s22+$0x4020] =	vst v0;
	(pc) =	sbr.rel @p0 .LBB2_2-.Ltmp0, $4  }
0x18: {  	[tilespmem:s22+$0x4030] =	vst v0  }
0x19: {  	[tilespmem:s22+$0x4040] =	vst v0  }
0x1a: {  	[tilespmem:s22+$0x4050] =	vst v0  }
0x1b: {  	[tilespmem:s22+$0x4060] =	vst v0;
	s22 =	sshra.s32 s23, $0x2;
	s23 =	sadd.s32 $0x200, s23  }
0x1c: {  	[tilespmem:s22+$0x4070] =	vst v0  }
0x1d: {  	[tilespmem:s22+$0x4000] =	vst v0  }
0x1e: {  	[tilespmem:s22+$0x4010] =	vst v0  }
0x1f: {  	[tilespmem:s22+$0x4020] =	vst v0  }
0x20: {  	[tilespmem:s22+$0x4030] =	vst v0  }
0x21: {  	[tilespmem:s22+$0x4040] =	vst v0  }
0x22: {  	[tilespmem:s22+$0x4050] =	vst v0  }
0x23: {  	[tilespmem:s22+$0x4060] =	vst v0;
	s22 =	simm.s32 $0x0  }
0x24: {  	v5 =	vld [tilespmem:s22+$0x0]  }
0x25: {  	v4 =	vld [tilespmem:s22+$0x10]  }
0x26: {  	v3 =	vld [tilespmem:s22+$0x20]  }
0x27: {  	s23 =	simm.s32 $0x200;
	v2 =	vld [tilespmem:s22+$0x30]  }
.LBB2_4:
0x28: {  	p0 =	sne.s32 s23, $0xF800;
	v6 =	vld [tilespmem:s22+$0x40]  }
0x29: {  	v5 =	vshrl.u32 v5, $0x10  }
.Ltmp1:
0x2a: {  	s24 =	sshra.s32 s23, $0x2;
	[tilespmem:s22+$0x0] =	vst v5;
	v4 =	vshrl.u32 v4, $0x10;
	(pc) =	sbr.rel @p0 .LBB2_4-.Ltmp1, $4  }
0x2b: {  	v5 =	vld [tilespmem:s24+$0x0];
	[tilespmem:s22+$0x10] =	vst v4;
	v3 =	vshrl.u32 v3, $0x10  }
0x2c: {  	v4 =	vld [tilespmem:s24+$0x10];
	[tilespmem:s22+$0x20] =	vst v3;
	v2 =	vshrl.u32 v2, $0x10  }
0x2d: {  	v3 =	vld [tilespmem:s24+$0x20];
	[tilespmem:s22+$0x30] =	vst v2;
	v6 =	vshrl.u32 v6, $0x10  }
0x2e: {  	s23 =	sadd.s32 $0x200, s23;
	v2 =	vld [tilespmem:s24+$0x30];
	[tilespmem:s22+$0x40] =	vst v6;
	s22 =	smov.u32 s24  }
0x2f: {  	v6 =	vld [tilespmem:s22+$0x40]  }
0x30: {  	v5 =	vshrl.u32 v5, $0x10  }
0x31: {  	[tilespmem:s22+$0x0] =	vst v5;
	v4 =	vshrl.u32 v4, $0x10  }
0x32: {  	[tilespmem:s22+$0x10] =	vst v4;
	v3 =	vshrl.u32 v3, $0x10  }
0x33: {  	[tilespmem:s22+$0x20] =	vst v3;
	v2 =	vshrl.u32 v2, $0x10  }
0x34: {  	[tilespmem:s22+$0x30] =	vst v2;
	v2 =	vshrl.u32 v6, $0x10  }
0x35: {  	[tilespmem:s22+$0x40] =	vst v2  }
0x36: {  	[spmem:s4] =	stream.linear.scatter [tilespmem:s16], [sflag:$0x3], $0x2800, $0x38;
	[tilespmem:$0x1A800] =	vst v63  }
0x37: {  	_ =	swait.ge [sflag:s15], $0x2800  }
0x38: {  	[sflag:s15] =	ssyncset.done $0x0  }
0x39: {  	[sflag:s15] =	ssyncadd.s32 $0xFFFFD800  }
0x3a: {  	[spmem:s6] =	stream.linear.scatter [tilespmem:s16], [sflag:$0x3], $0x2800, $0x38;
	[tilespmem:$0x1A800] =	vst v63  }
0x3b: {  	_ =	swait.ge [sflag:s15], $0x2800  }
0x3c: {  	[sflag:s15] =	ssyncset.done $0x0  }
0x3d: {  	[sflag:s15] =	ssyncadd.s32 $0xFFFFD800  }
0x3e: {  	[spmem:s7] =	stream.linear.scatter [tilespmem:s16], [sflag:$0x3], $0x2800, $0x38;
	[tilespmem:$0x1A800] =	vst v63  }
0x3f: {  	_ =	swait.ge [sflag:s15], $0x2800  }
0x40: {  	[sflag:s15] =	ssyncset.done $0x0  }
0x41: {  	[sflag:s15] =	ssyncadd.s32 $0xFFFFD800  }
0x42: {  	[spmem:s8] =	stream.linear.scatter [tilespmem:s16], [sflag:$0x3], $0x2800, $0x38;
	[tilespmem:$0x1A800] =	vst v63  }
0x43: {  	_ =	swait.ge [sflag:s15], $0x2800  }
0x44: {  	[sflag:s15] =	ssyncset.done $0x0  }
0x45: {  	[sflag:s15] =	ssyncadd.s32 $0xFFFFD800  }
0x46: {  	[spmem:s9] =	stream.linear.scatter [tilespmem:s16], [sflag:$0x3], $0x2800, $0x38;
	[tilespmem:$0x1A800] =	vst v63  }
0x47: {  	_ =	swait.ge [sflag:s15], $0x2800  }
0x48: {  	[sflag:s15] =	ssyncset.done $0x0  }
0x49: {  	[sflag:s15] =	ssyncadd.s32 $0xFFFFD800  }
0x4a: {  	[spmem:s10] =	stream.linear.scatter [tilespmem:s16], [sflag:$0x3], $0x2800, $0x38;
	[tilespmem:$0x1A800] =	vst v63  }
0x4b: {  	_ =	swait.ge [sflag:s15], $0x2800  }
0x4c: {  	[sflag:s15] =	ssyncset.done $0x0  }
0x4d: {  	[sflag:s15] =	ssyncadd.s32 $0xFFFFD800  }
0x4e: {  	[spmem:s11] =	stream.linear.scatter [tilespmem:s16], [sflag:$0x3], $0x2800, $0x38;
	[tilespmem:$0x1A800] =	vst v63  }
0x4f: {  	_ =	swait.ge [sflag:s15], $0x2800  }
0x50: {  	[sflag:s15] =	ssyncset.done $0x0  }
0x51: {  	[sflag:s15] =	ssyncadd.s32 $0xFFFFD800  }
0x52: {  	[spmem:s12] =	stream.linear.scatter [tilespmem:s16], [sflag:$0x3], $0x2800, $0x38;
	[tilespmem:$0x1A800] =	vst v63  }
0x53: {  	_ =	swait.ge [sflag:s15], $0x2800  }
0x54: {  	[sflag:s15] =	ssyncset.done $0x0  }
0x55: {  	s23 =	simm.s32 $0x200;
	s22 =	simm.s32 $0x0;
	[sflag:s15] =	ssyncadd.s32 $0xFFFFD800  }
.LBB2_6:
0x56: {  	p0 =	sne.s32 s23, $0x9E00;
	[tilespmem:s22+$0x4070] =	vst v1  }
0x57: {  	[tilespmem:s22+$0x4000] =	vst v1  }
0x58: {  	[tilespmem:s22+$0x4010] =	vst v1  }
.Ltmp2:
0x59: {  	[tilespmem:s22+$0x4020] =	vst v1;
	(pc) =	sbr.rel @p0 .LBB2_6-.Ltmp2, $4  }
0x5a: {  	[tilespmem:s22+$0x4030] =	vst v1  }
0x5b: {  	[tilespmem:s22+$0x4040] =	vst v1  }
0x5c: {  	[tilespmem:s22+$0x4050] =	vst v1  }
0x5d: {  	[tilespmem:s22+$0x4060] =	vst v1;
	s22 =	sshra.s32 s23, $0x2;
	s23 =	sadd.s32 $0x200, s23  }
0x5e: {  	[tilespmem:s22+$0x4070] =	vst v1  }
0x5f: {  	[tilespmem:s22+$0x4000] =	vst v1  }
0x60: {  	[tilespmem:s22+$0x4010] =	vst v1  }
0x61: {  	[tilespmem:s22+$0x4020] =	vst v1  }
0x62: {  	[tilespmem:s22+$0x4030] =	vst v1  }
0x63: {  	[tilespmem:s22+$0x4040] =	vst v1  }
0x64: {  	[tilespmem:s22+$0x4050] =	vst v1  }
0x65: {  	[tilespmem:s22+$0x4060] =	vst v1;
	s31 =	simm.s32 $0x2  }
0x66: {  	[bflag:$0x0] =	sbarrier.arrive $0xFFFF;
	s22 =	sand.u32 $0x1, s31  }
0x67: {  	[spmem:s2] =	stream.indirect.scatter.add.f32 [tilespmem:s16], [sflag:$0x1], $0x80, s3, s17, $0xb8;
	[tilespmem:$0x1A800] =	vst v63  }
0x68: {  	s23 =	sadd.s32 $0x1, s22  }
0x69: {  	[spmem:s2] =	stream.indirect.scatter.add.f32 [tilespmem:s16], [sflag:$0x2], $0x80, s18, s17, $0xb8;
	[tilespmem:$0x1A800] =	vst v63  }
0x6a: {  	_ =	swait.ge [sflag:s23], $0x2800  }
0x6b: {  	s24 =	simm.s32 $0x3;
	[sflag:s23] =	ssyncset.done $0x0  }
0x6c: {  	s24 =	sand.u32 $0x1, s24;
	s22 =	simm.s32 $0x100;
	[sflag:s23] =	ssyncadd.s32 $0xFFFFD800  }
0x6d: {  	[spmem:s2] =	stream.indirect.scatter.add.f32 [tilespmem:s16], [sflag:s23], $0x80, s22, s17, $0xb8;
	[tilespmem:$0x1A800] =	vst v63  }
0x6e: {  	s23 =	sadd.s32 $0x1, s24  }
0x6f: {  	s24 =	simm.s32 $0x4;
	_ =	swait.ge [sflag:s23], $0x2800  }
.LBB2_8:
0x70: {  	s25 =	sand.u32 $0x1, s24  }
0x71: {  	[sflag:s23] =	ssyncset.done $0x0;
	s22 =	sadd.s32 $0x80, s22;
	p0 =	sne.s32 s24, $0x7C  }
.Ltmp3:
0x72: {  	s25 =	sadd.s32 $0x1, s25;
	[sflag:s23] =	ssyncadd.s32 $0xFFFFD800;
	(pc) =	sbr.rel @p0 .LBB2_8-.Ltmp3, $3  }
0x73: {  	[spmem:s2] =	stream.indirect.scatter.add.f32 [tilespmem:s16], [sflag:s23], $0x80, s22, s17, $0xb8;
	[tilespmem:$0x1A800] =	vst v63  }
0x74: {  	s23 =	smov.u32 s25;
	_ =	swait.ge [sflag:s25], $0x2800;
	_ =	sdelay $0x1  }
0x75: {  	s24 =	sadd.s32 $0x1, s24  }
0x76: {  	[sflag:s23] =	ssyncset.done $0x0  }
0x77: {  	s22 =	sadd.s32 $0x80, s22;
	[sflag:s23] =	ssyncadd.s32 $0xFFFFD800  }
0x78: {  	[spmem:s2] =	stream.indirect.scatter.add.f32 [tilespmem:s16], [sflag:s23], $0x80, s22, s17, $0xb8;
	[tilespmem:$0x1A800] =	vst v63  }
0x79: {  	_ =	swait.ge [sflag:s19], $0x2800  }
0x7a: {  	[sflag:s19] =	ssyncset.done $0x0  }
0x7b: {  	[sflag:s19] =	ssyncadd.s32 $0xFFFFD800  }
0x7c: {  	_ =	swait.ge [sflag:s20], $0x2800  }
0x7d: {  	s30 =	sshll.u32 s0, $0x6;
	s21 =	sadd.s32 $0x1, s21;
	[sflag:s20] =	ssyncset.done $0x0  }
0x7e: {  	s31 =	sshrl.u32 s4, $0x3;
	p0 =	sne.s32 s21, s14;
	[sflag:s20] =	ssyncadd.s32 $0xFFFFD800  }
.Ltmp4:
0x7f: {  	s22 =	sor.u32 $0x1C03, s30;
	[bflag:$0x0] =	sbarrier.arrive $0xFFFF;
	(pc) =	sbr.rel @p0 .LBB2_1-.Ltmp4, $4  }
0x80: {  	[hbm:s13], [sflag:s22] =	dma.local [spmem:s31], $0x2800  }
0x81: {  	_ =	swait.ge [sflag:s15], $0x2800  }
0x82: {  	[sflag:s15] =	ssyncset.done $0x0  }
0x83: {  	[sflag:s15] =	ssyncadd.s32 $0xFFFFD800  }
0x84: {  	_ =	sfence.sel $0x180000  }
0x85: {  	[bflag:$0x0] =	sbarrier.arrive $0xFFFF  }
0x86: {  	p0 =	sne.s32 s0, $0x0;
	_ =	strace $0x9000004A  }
0x87: {  	s0 =	sadd.s32 @!p0 $0x100000, s1;
	[bflag:$0x2] =	sbarrier.arrive $0xFFFF  }
0x88: {  	[sflag:s0] =	ssyncadd.tile.s32 @!p0 $0x1;
	_ =	shalt  }
.Lfunc_end2:
_tile_overlayer_lowered:
.L_overlay_start_2:
0x89: {  	(tag) =	ssettag $0x2  }
0x8a: {  	s0 =	rddreg [dreg:$0x0];
	s2 =	stileid.u32  }
0x8b: {  	s1 =	rddreg [dreg:$0x1];
	p0 =	sne.s32 s2, $0x0  }
0x8c: {  	s3 =	rddreg [dreg:$0x2];
	[bflag:$0x3] =	sbarrier.arrive $0xFFFF;
	s2 =	simm.s32 @!p0 $0x1C03  }
0x8d: {  	[timem:s3], [sflag:s2] =	dma.local @!p0 [hbm:s0], s1  }
0x8e: {  	s0 =	simm.s32 @!p0 $0x3  }
0x8f: {  	_ =	swait.ge @!p0 [sflag:s0], s1  }
0x90: {  	s1 =	ssub.s32 @!p0 $0x0, s1;
	[sflag:s0] =	ssyncset.done @!p0 $0x0  }
0x91: {  	[sflag:s0] =	ssyncadd.s32 @!p0 s1  }
0x92: {  	[bflag:$0x3] =	sbarrier.arrive $0xFFFF  }
0x93: {  	_ =	shalt  }

</sc_bundles>
